<compile_context>
chip_gen: v7x
topology: tpu7x:2x2x1
jax: 0.10.2.dev20260603
libtpu: 0.0.44.dev20260713+nightly
codegen_flags: <defaults>
</compile_context>

<pallas_src>
import functools

import jax
import jax.numpy as jnp
from jax import lax
from jax.experimental import pallas as pl
from jax.experimental.pallas import tpu as pltpu
from jax.experimental.pallas import tpu_sc as plsc

B = 4
PH = 200
SD = 64
AD = 16
D = 1024
H = 16
DH = 64
FF = 1024
E = 8
S = 601
SP = 608
TP = B * SP
TV = B * S
EC = 128
NEG = -1e9
TILE = 256
NT = 28
NR = NT * TILE
DUMP = NR - 1
TSC = 2560
CHUNK = TSC // 32
BLK = 128
PREC = jax.lax.Precision.DEFAULT


def _xla_ln(x, g, b):
    m = jnp.mean(x, axis=-1, keepdims=True)
    v = jnp.var(x, axis=-1, keepdims=True)
    return (x - m) / jnp.sqrt(v + 1e-5) * g + b


def _ln(x, g, b):
    m = jnp.mean(x, axis=-1, keepdims=True)
    v = jnp.mean((x - m) ** 2, axis=-1, keepdims=True)
    return (x - m) / jnp.sqrt(v + 1e-5) * g + b


def _dot(a, b):
    return jax.lax.dot_general(a, b, (((a.ndim - 1,), (0,)), ((), ())),
                               precision=PREC,
                               preferred_element_type=jnp.float32)



def _attn_qkv_body(x_ref, wqkv_ref, bqkv_ref, qkv_out):
    qkv_out[0] = _dot(x_ref[0], wqkv_ref[...]) + bqkv_ref[...]


def _attn_qkv(x, wqkv, bqkv):
    def full(z):
        return pl.BlockSpec(z.shape, lambda i: tuple(0 for _ in z.shape))
    return pl.pallas_call(
        _attn_qkv_body,
        grid=(B,),
        in_specs=[pl.BlockSpec((1, SP, D), lambda i: (i, 0, 0)),
                  full(wqkv), full(bqkv)],
        out_specs=pl.BlockSpec((1, SP, 3 * D), lambda i: (i, 0, 0)),
        out_shape=jax.ShapeDtypeStruct((B, SP, 3 * D), jnp.float32),
    )(x, wqkv, bqkv)


def _attn_sc_body(q_ref, k_ref, sc_out):
    ri = jax.lax.broadcasted_iota(jnp.int32, (SP, SP), 0)
    ci = jax.lax.broadcasted_iota(jnp.int32, (SP, SP), 1)
    mask = ci <= ri
    for u in range(2):
        qh = q_ref[0][:, u * DH:(u + 1) * DH]
        kh = k_ref[0][:, u * DH:(u + 1) * DH]
        att = jax.lax.dot_general(qh, kh, (((1,), (1,)), ((), ())),
                                  precision=PREC,
                                  preferred_element_type=jnp.float32) / 8.0
        sc_out[0, u] = jnp.where(mask, att, NEG)


def _attn_sc(qkv):
    return pl.pallas_call(
        _attn_sc_body,
        grid=(B, H // 2),
        in_specs=[pl.BlockSpec((1, SP, 2 * DH), lambda i, j: (i, 0, j)),
                  pl.BlockSpec((1, SP, 2 * DH), lambda i, j: (i, 0, H // 2 + j))],
        out_specs=pl.BlockSpec((1, 2, SP, SP), lambda i, j: (i, j, 0, 0)),
        out_shape=jax.ShapeDtypeStruct((B, H, SP, SP), jnp.float32),
    )(qkv, qkv)


def _attn_av_body(att_ref, v_ref, o_out):
    for u in range(2):
        vh = v_ref[0][:, u * DH:(u + 1) * DH]
        o_out[0, u] = _dot(att_ref[0, u], vh)


def _attn_av(att, qkv):
    return pl.pallas_call(
        _attn_av_body,
        grid=(B, H // 2),
        in_specs=[pl.BlockSpec((1, 2, SP, SP), lambda i, j: (i, j, 0, 0)),
                  pl.BlockSpec((1, SP, 2 * DH), lambda i, j: (i, 0, H + j))],
        out_specs=pl.BlockSpec((1, 2, SP, DH), lambda i, j: (i, j, 0, 0)),
        out_shape=jax.ShapeDtypeStruct((B, H, SP, DH), jnp.float32),
    )(att, qkv)


def _attn_pr_body(heff_ref, o_ref, wo_ref, bo_ref, out_ref):
    out_ref[0] = heff_ref[0] + _dot(o_ref[0], wo_ref[...]) + bo_ref[...]


def _attn_pr(heff, o, wo, bo):
    def full(x):
        return pl.BlockSpec(x.shape, lambda i: tuple(0 for _ in x.shape))
    bspec = pl.BlockSpec((1, SP, D), lambda i: (i, 0, 0))
    return pl.pallas_call(
        _attn_pr_body,
        grid=(B,),
        in_specs=[bspec, bspec, full(wo), full(bo)],
        out_specs=bspec,
        out_shape=jax.ShapeDtypeStruct((B, SP, D), jnp.float32),
    )(heff, o, wo, bo)



def _logits_body(x2_ref, wr_ref, lg_out):
    lg_out[...] = _dot(x2_ref[...], wr_ref[...])


def _logits(x2, wr):
    def full(z):
        return pl.BlockSpec(z.shape, lambda: tuple(0 for _ in z.shape))
    return pl.pallas_call(
        _logits_body,
        grid=(),
        in_specs=[full(x2), full(wr)],
        out_specs=full(jax.ShapeDtypeStruct((TP, EC), jnp.float32)),
        out_shape=jax.ShapeDtypeStruct((TP, EC), jnp.float32),
    )(x2, wr)



def _router_b_body(i1_ref, i2_ref, p1_out, p2_out, te_out):
    ci = jax.lax.broadcasted_iota(jnp.int32, (TP, EC), 1)
    rows = jax.lax.broadcasted_iota(jnp.int32, (TP, EC), 0)
    valid = ((rows % SP) < S).astype(jnp.float32)
    validrow = valid[:, :1]
    oh1v = ((ci == i1_ref[...]) & (ci < E)).astype(jnp.float32) * valid
    oh2v = ((ci == i2_ref[...]) & (ci < E)).astype(jnp.float32) * valid

    bi = jax.lax.broadcasted_iota(jnp.int32, (BLK, BLK), 0)
    bj = jax.lax.broadcasted_iota(jnp.int32, (BLK, BLK), 1)
    tril_s = (bj < bi).astype(jnp.float32)

    def blocked_excl(a, carry):
        outs = []
        for bb in range(TP // BLK):
            blk = a[bb * BLK:(bb + 1) * BLK]
            outs.append(_dot(tril_s, blk) + carry)
            carry = carry + jnp.sum(blk, axis=0, keepdims=True)
        return jnp.concatenate(outs, axis=0), carry

    zero = jnp.zeros((1, EC), jnp.float32)
    r1, c1 = blocked_excl(oh1v, zero)
    r2, counts = blocked_excl(oh2v, c1)
    tiles = jnp.floor((counts + (TILE - 1)) / TILE)
    ei = jax.lax.broadcasted_iota(jnp.int32, (EC, EC), 0)
    ej = jax.lax.broadcasted_iota(jnp.int32, (EC, EC), 1)
    triu_s = (ei < ej).astype(jnp.float32)
    ct_excl = _dot(tiles, triu_s)
    off = ct_excl * jnp.float32(TILE)
    pos1 = jnp.sum(oh1v * (off + r1), axis=-1, keepdims=True)
    pos2 = jnp.sum(oh2v * (off + r2), axis=-1, keepdims=True)
    dumpf = jnp.float32(DUMP)
    p1_out[...] = jnp.where(validrow > 0, pos1, dumpf).astype(jnp.int32)
    p2_out[...] = jnp.where(validrow > 0, pos2, dumpf).astype(jnp.int32)

    ti = jax.lax.broadcasted_iota(jnp.int32, (32, EC), 0)
    ec2 = jax.lax.broadcasted_iota(jnp.int32, (32, EC), 1)
    cti = ct_excl.astype(jnp.int32)
    tmask = (cti <= ti) & (ec2 < E)
    te_out[...] = jnp.max(jnp.where(tmask, ec2, 0), axis=-1, keepdims=True)


def _router_b(i1, i2):
    def full(x):
        return pl.BlockSpec(x.shape, lambda: tuple(0 for _ in x.shape))
    outs = [
        jax.ShapeDtypeStruct((TP, 1), jnp.int32),
        jax.ShapeDtypeStruct((TP, 1), jnp.int32),
        jax.ShapeDtypeStruct((32, 1), jnp.int32),
    ]
    return pl.pallas_call(
        _router_b_body,
        grid=(),
        in_specs=[full(i1), full(i2)],
        out_specs=[full(o) for o in outs],
        out_shape=outs,
    )(i1, i2)



def _sc_mesh():
    return plsc.VectorSubcoreMesh(core_axis_name="c", subcore_axis_name="s",
                                  num_cores=2, num_subcores=16)


def _sc_dispatch(x2p, posT):
    def body(x2_hbm, pos_hbm, xs_hbm, idx_v, rows_v, sem):
        wid = lax.axis_index("s") * 2 + lax.axis_index("c")
        base = wid * CHUNK
        pltpu.sync_copy(pos_hbm.at[wid], idx_v)
        pltpu.sync_copy(x2_hbm.at[pl.ds(base, CHUNK)], rows_v)
        pltpu.async_copy(rows_v, xs_hbm.at[idx_v.at[0]], sem).wait()
        pltpu.async_copy(rows_v, xs_hbm.at[idx_v.at[1]], sem).wait()

    return pl.kernel(
        body,
        out_type=jax.ShapeDtypeStruct((NR, D), jnp.float32),
        mesh=_sc_mesh(),
        scratch_types=[pltpu.VMEM((2, CHUNK), jnp.int32),
                       pltpu.VMEM((CHUNK, D), jnp.float32),
                       pltpu.SemaphoreType.DMA])(x2p, posT)


def _sc_combine(y, posT):
    def body(y_hbm, pos_hbm, y1_hbm, y2_hbm, idx_v, rows_v, sem):
        wid = lax.axis_index("s") * 2 + lax.axis_index("c")
        base = wid * CHUNK
        pltpu.sync_copy(pos_hbm.at[wid], idx_v)
        pltpu.async_copy(y_hbm.at[idx_v.at[0]], rows_v, sem).wait()
        pltpu.sync_copy(rows_v, y1_hbm.at[pl.ds(base, CHUNK)])
        pltpu.async_copy(y_hbm.at[idx_v.at[1]], rows_v, sem).wait()
        pltpu.sync_copy(rows_v, y2_hbm.at[pl.ds(base, CHUNK)])

    return pl.kernel(
        body,
        out_type=[jax.ShapeDtypeStruct((TSC, D), jnp.float32),
                  jax.ShapeDtypeStruct((TSC, D), jnp.float32)],
        mesh=_sc_mesh(),
        scratch_types=[pltpu.VMEM((2, CHUNK), jnp.int32),
                       pltpu.VMEM((CHUNK, D), jnp.float32),
                       pltpu.SemaphoreType.DMA])(y, posT)



def _ffn1_body(te_ref, x_ref, w1_ref, b1_ref, h_out):
    x = x_ref[...]
    x = jnp.clip(jnp.where(x == x, x, 0.0), -1e30, 1e30)
    h_out[...] = _dot(x, w1_ref[0]) + b1_ref[0]


def _ffn1(te, xs, w1, b1):
    grid_spec = pltpu.PrefetchScalarGridSpec(
        num_scalar_prefetch=1,
        grid=(NT,),
        in_specs=[pl.BlockSpec((TILE, D), lambda i, s: (i, 0)),
                  pl.BlockSpec((1, D, FF), lambda i, s: (s[i], 0, 0)),
                  pl.BlockSpec((1, 1, FF), lambda i, s: (s[i], 0, 0))],
        out_specs=pl.BlockSpec((TILE, FF), lambda i, s: (i, 0)),
    )
    return pl.pallas_call(
        _ffn1_body,
        grid_spec=grid_spec,
        out_shape=jax.ShapeDtypeStruct((NR, FF), jnp.float32),
    )(te, xs, w1, b1[:, None, :])


def _ffn2_body(te_ref, h_ref, w2_ref, b2_ref, y_out):
    y_out[...] = _dot(h_ref[...], w2_ref[0]) + b2_ref[0]


def _ffn2(te, h1, w2, b2):
    grid_spec = pltpu.PrefetchScalarGridSpec(
        num_scalar_prefetch=1,
        grid=(NT,),
        in_specs=[pl.BlockSpec((TILE, FF), lambda i, s: (i, 0)),
                  pl.BlockSpec((1, FF, D), lambda i, s: (s[i], 0, 0)),
                  pl.BlockSpec((1, 1, D), lambda i, s: (s[i], 0, 0))],
        out_specs=pl.BlockSpec((TILE, D), lambda i, s: (i, 0)),
    )
    return pl.pallas_call(
        _ffn2_body,
        grid_spec=grid_spec,
        out_shape=jax.ShapeDtypeStruct((NR, D), jnp.float32),
    )(te, h1, w2, b2[:, None, :])



NSEL = B * (PH + 1)
NSELP = 808


def _final_body(x_ref, y_ref, g_ref, b_ref, wp_ref, bp_ref, out_ref):
    x = x_ref[...] + y_ref[...]
    x = _ln(x, g_ref[...], b_ref[...])
    out_ref[...] = jnp.tanh(_dot(x, wp_ref[...]) + bp_ref[...])


def _final(x, y, g, b, wp, bp):
    def full(z):
        return pl.BlockSpec(z.shape, lambda: tuple(0 for _ in z.shape))
    return pl.pallas_call(
        _final_body,
        grid=(),
        in_specs=[full(x), full(y), full(g), full(b), full(wp), full(bp)],
        out_specs=pl.BlockSpec((NSELP, 128), lambda: (0, 0)),
        out_shape=jax.ShapeDtypeStruct((NSELP, 128), jnp.float32),
    )(x, y, g, b, wp, bp)



def _sel(x):
    return jnp.concatenate(
        [x[:, :1], x[:, 1:601].reshape(B, PH, 3, -1)[:, :, 0]], axis=1)


def kernel(state_seq, action_seq, reward_seq, query_states, params):
    p = params
    temb = p['embed_timestep']
    wpe = p['wpe']

    q = query_states @ p['W_state'] + p['b_state'] + temb[:1][None]
    s = state_seq @ p['W_state'] + p['b_state'] + temb[1:][None]
    a = action_seq @ p['W_action'] + p['b_action'] + temb[1:][None]
    r = reward_seq @ p['W_return'] + p['b_return'] + temb[1:][None]
    stacked = jnp.stack([s, a, r], axis=1).transpose(0, 2, 1, 3)
    stacked = stacked.reshape(B, 3 * PH, D)
    h = jnp.concatenate([q, stacked], axis=1)
    h = h + wpe[:S][None]
    h = jnp.pad(h, ((0, 0), (0, SP - S), (0, 0)))

    yres = jnp.zeros((B, SP, D), jnp.float32)
    bal = jnp.float32(0.0)
    for lp in p['layers']:
        heff = h + yres
        x1 = _xla_ln(heff, lp['ln1_g'], lp['ln1_b'])
        qkv = _attn_qkv(x1, lp['W_qkv'], lp['b_qkv'][None])
        scores = _attn_sc(qkv)
        att = jax.nn.softmax(scores[:, :, :S, :S], axis=-1)
        att = jnp.pad(att, ((0, 0), (0, 0), (0, SP - S), (0, SP - S)))
        av = _attn_av(att, qkv)
        o = av.transpose(0, 2, 1, 3).reshape(B, SP, D)
        h = _attn_pr(heff, o, lp['W_o'], lp['b_o'][None])

        hf = h.reshape(TP, D)
        wr = jnp.pad(lp['W_router'], ((0, 0), (0, EC - E)))
        x2 = _xla_ln(h, lp['ln2_g'], lp['ln2_b']).reshape(TP, D)
        logits = _logits(x2, wr)
        probs = jax.nn.softmax(logits[:, :E], axis=-1)
        topv, topi = jax.lax.top_k(probs, 2)
        gates = topv / jnp.sum(topv, axis=-1, keepdims=True)
        rowids = jnp.arange(TP, dtype=jnp.int32)
        validrow = (rowids % SP) < S
        g1 = jnp.where(validrow, gates[:, 0], 0.0)[:, None]
        g2 = jnp.where(validrow, gates[:, 1], 0.0)[:, None]
        i1 = jnp.where(validrow, topi[:, 0], E)[:, None].astype(jnp.int32)
        i2 = jnp.where(validrow, topi[:, 1], E)[:, None].astype(jnp.int32)
        vf = validrow.astype(jnp.float32)[:, None]
        disp = jax.nn.one_hot(topi, E, dtype=jnp.float32) * vf[:, :, None]
        f = jnp.sum(jnp.sum(disp, axis=1), axis=0) / jnp.float32(TV) / 2.0
        pmean = jnp.sum(probs * vf, axis=0) / jnp.float32(TV)
        bal = bal + jnp.float32(E) * jnp.sum(f * pmean)

        p1, p2, te = _router_b(i1, i2)
        pos = jnp.concatenate([p1, p2], axis=1)
        pos = jnp.pad(pos, ((0, TSC - TP), (0, 0)), constant_values=DUMP)
        posT = pos.reshape(32, CHUNK, 2).transpose(0, 2, 1)
        x2p = jnp.pad(x2, ((0, TSC - TP), (0, 0)))
        xs = _sc_dispatch(x2p, posT)
        h1 = _ffn1(te[:, 0], xs, lp['W1'], lp['b1'])
        h1 = 0.5 * h1 * (1.0 + jnp.tanh(
            jnp.sqrt(2.0 / jnp.pi) * (h1 + 0.044715 * h1 ** 3)))
        y = _ffn2(te[:, 0], h1, lp['W2'], lp['b2'])
        y1f, y2f = _sc_combine(y, posT)
        def crop(x):
            return x[:TP].reshape(B, SP, -1)[:, :S].reshape(B * S, -1)

        oh1 = jax.nn.one_hot(crop(i1)[:, 0], E, dtype=jnp.float32)
        oh2 = jax.nn.one_hot(crop(i2)[:, 0], E, dtype=jnp.float32)
        h2full = (crop(y1f)[:, None, :] * oh1[:, :, None] +
                  crop(y2f)[:, None, :] * oh2[:, :, None])
        cfull = oh1 * crop(g1) + oh2 * crop(g2)
        ycomb = jnp.einsum('ted,te->td', h2full, cfull)
        yres = jnp.pad(ycomb.reshape(B, S, D), ((0, 0), (0, SP - S), (0, 0)))

    hsel = _sel(h)
    ysel = _sel(yres)

    def padr(x):
        return jnp.pad(x.reshape(NSEL, -1), ((0, NSELP - NSEL), (0, 0)))

    wp = jnp.pad(p['W_pred'], ((0, 0), (0, 128 - AD)))
    bp = jnp.pad(p['b_pred'], (0, 128 - AD))[None]
    predp = _final(padr(hsel), padr(ysel),
                   p['ln_f_g'][None], p['ln_f_b'][None], wp, bp)
    pred = predp[:NSEL, :AD].reshape(B, PH + 1, AD)
    return (pred, bal, jnp.float32(0.0))

# --- scband reference (transcript-rebuilt; emitter-appended) ---
"""Pipeline reference for scband-dpttransformer-moe-29600914604412 (READ-ONLY COPY).

The authoritative reference and input builder live on the scoring server;
editing this copy changes nothing except your own understanding.
"""

import jax, jax.numpy as jnp
import numpy as np

B = 4; PH = 200; SD = 64; AD = 16
D = 1024; H = 16; NL = 2; FF = 1024; E = 8; TOPK = 2
NPOS = 3 * (1 + PH)


def gelu_new(x):
    return 0.5 * x * (1.0 + jnp.tanh(jnp.sqrt(2.0 / jnp.pi) * (x + 0.044715 * x ** 3)))


def layernorm(x, g, b):
    m = jnp.mean(x, axis=-1, keepdims=True)
    v = jnp.var(x, axis=-1, keepdims=True)
    return (x - m) / jnp.sqrt(v + 1e-5) * g + b


def setup_inputs(seed: int = 0):
    key = jax.random.key(seed)
    keybox = [key]
    def nk():
        keybox[0], sub = jax.random.split(keybox[0])
        return sub
    def p(shape, s=0.02):
        return jax.random.normal(nk(), shape, dtype=jnp.float32) * s
    inp = {}
    inp['state_seq'] = jax.random.normal(nk(), (B, PH, SD), dtype=jnp.float32)
    inp['action_seq'] = jax.random.normal(nk(), (B, PH, AD), dtype=jnp.float32)
    inp['reward_seq'] = jax.random.normal(nk(), (B, PH, 1), dtype=jnp.float32)
    inp['query_states'] = jax.random.normal(nk(), (B, 1, SD), dtype=jnp.float32)
    params = {
        'embed_timestep': p((PH + 1, D)),
        'wpe': p((NPOS, D)),
        'W_state': p((SD, D)), 'b_state': jnp.zeros((D,), jnp.float32),
        'W_action': p((AD, D)), 'b_action': jnp.zeros((D,), jnp.float32),
        'W_return': p((1, D)), 'b_return': jnp.zeros((D,), jnp.float32),
        'W_pred': p((D, AD)), 'b_pred': jnp.zeros((AD,), jnp.float32),
        'ln_f_g': jnp.ones((D,), jnp.float32), 'ln_f_b': jnp.zeros((D,), jnp.float32),
    }
    layers = []
    for _ in range(NL):
        layers.append({
            'ln1_g': jnp.ones((D,), jnp.float32), 'ln1_b': jnp.zeros((D,), jnp.float32),
            'W_qkv': p((D, 3 * D)), 'b_qkv': jnp.zeros((3 * D,), jnp.float32),
            'W_o': p((D, D)), 'b_o': jnp.zeros((D,), jnp.float32),
            'ln2_g': jnp.ones((D,), jnp.float32), 'ln2_b': jnp.zeros((D,), jnp.float32),
            'W_router': p((D, E)),
            'W1': p((E, D, FF)), 'b1': jnp.zeros((E, FF), jnp.float32),
            'W2': p((E, FF, D)), 'b2': jnp.zeros((E, D), jnp.float32),
        })
    params['layers'] = tuple(layers)
    inp['params'] = params
    return inp


def _forward(state_seq, action_seq, reward_seq, query_states, params):
    batch, seq_len = state_seq.shape[0], state_seq.shape[1]
    temb = params['embed_timestep']
    q = query_states @ params['W_state'] + params['b_state'] + temb[:1][None]
    s = state_seq @ params['W_state'] + params['b_state'] + temb[1:][None]
    a = action_seq @ params['W_action'] + params['b_action'] + temb[1:][None]
    r = reward_seq @ params['W_return'] + params['b_return'] + temb[1:][None]
    stacked = jnp.stack([s, a, r], axis=1).transpose(0, 2, 1, 3).reshape(batch, 3 * seq_len, D)
    h = jnp.concatenate([q, stacked], axis=1)
    S = h.shape[1]
    h = h + params['wpe'][:S][None]
    causal = jnp.tril(jnp.ones((S, S), dtype=bool))
    dh = D // H
    balance = jnp.float32(0.0)
    for lp in params['layers']:
        x = layernorm(h, lp['ln1_g'], lp['ln1_b'])
        qkv = x @ lp['W_qkv'] + lp['b_qkv']
        qh, kh, vh = jnp.split(qkv, 3, axis=-1)
        qh = qh.reshape(batch, S, H, dh).transpose(0, 2, 1, 3)
        kh = kh.reshape(batch, S, H, dh).transpose(0, 2, 1, 3)
        vh = vh.reshape(batch, S, H, dh).transpose(0, 2, 1, 3)
        att = (qh @ kh.transpose(0, 1, 3, 2)) / jnp.sqrt(jnp.float32(dh))
        att = jnp.where(causal[None, None], att, jnp.float32(-1e9))
        att = jax.nn.softmax(att, axis=-1)
        o = (att @ vh).transpose(0, 2, 1, 3).reshape(batch, S, D)
        h = h + o @ lp['W_o'] + lp['b_o']
        x = layernorm(h, lp['ln2_g'], lp['ln2_b'])
        t = x.reshape(-1, D)
        logits = t @ lp['W_router']
        probs = jax.nn.softmax(logits, axis=-1)
        topv, topi = jax.lax.top_k(probs, TOPK)
        gates = topv / jnp.sum(topv, axis=-1, keepdims=True)
        disp = jax.nn.one_hot(topi, E, dtype=jnp.float32)
        combine = jnp.sum(disp * gates[:, :, None], axis=1)
        h1 = gelu_new(jnp.einsum('td,edf->tef', t, lp['W1']) + lp['b1'][None])
        h2 = jnp.einsum('tef,efd->ted', h1, lp['W2']) + lp['b2'][None]
        y = jnp.einsum('ted,te->td', h2, combine)
        f = jnp.mean(jnp.sum(disp, axis=1), axis=0) / TOPK
        P = jnp.mean(probs, axis=0)
        balance = balance + E * jnp.sum(f * P)
        h = h + y.reshape(batch, S, D)
    h = layernorm(h, params['ln_f_g'], params['ln_f_b'])
    state_ids = jnp.concatenate([jnp.array([0]), jnp.arange(1, 3 * seq_len + 1, 3)])
    xsel = h[:, state_ids]
    pred = jnp.tanh(xsel @ params['W_pred'] + params['b_pred'])
    return pred, balance


def reference(state_seq, action_seq, reward_seq, query_states, params):
    pred, balance = _forward(state_seq, action_seq, reward_seq, query_states, params)
    return (pred, balance, jnp.float32(0.0))

if __name__ == "__main__":
    import jax
    _d = setup_inputs()
    print(jax.jit(kernel)(*tuple(_d.values())))

</pallas_src>

<mosaic_0001>
#map = affine_map<(d0, d1) -> (0, 0)>
#map1 = affine_map<(d0, d1) -> (0, 0, 0)>
module attributes {stable_mosaic.version = 14 : i64} {
  func.func @body(%arg0: i32, %arg1: i32, %arg2: memref<7168x1024xf32, #tpu.memory_space<hbm>>, %arg3: memref<32x2x80xi32, #tpu.memory_space<hbm>>, %arg4: memref<2560x1024xf32, #tpu.memory_space<hbm>>, %arg5: memref<2560x1024xf32, #tpu.memory_space<hbm>>, %arg6: memref<2x80xi32, #tpu.memory_space<vmem>>, %arg7: memref<80x1024xf32, #tpu.memory_space<vmem>>, %arg8: memref<!tpu.dma_semaphore, #tpu.memory_space<semaphore_mem>>) attributes {dimension_semantics = [#tpu.dimension_semantics<core_parallel>, #tpu.dimension_semantics<subcore_parallel>], iteration_bounds = array<i64: 2, 16>, scalar_prefetch = 0 : i64, scratch_operands = 3 : i64, tpu.core_type = #tpu.core_type<sc_vector_subcore>, window_params = [{transform_indices = #map}, {transform_indices = #map1}, {transform_indices = #map}, {transform_indices = #map}]} {
    %mul3A = arith.constant 2 : i32
    %mul3A_0 = arith.muli %arg1, %mul3A : i32
    %add3A = arith.addi %mul3A_0, %arg0 : i32
    %mul3A_1 = arith.constant 80 : i32
    %mul3A_2 = arith.muli %add3A, %mul3A_1 : i32
    "tpu.region"() ({
      %run_scoped3A = tpu.sem_alloc : memref<!tpu.dma_semaphore, #tpu.memory_space<semaphore_mem>>
      %dma_start3A_29 = arith.constant 0 : i32
      %dma_start3A_30 = arith.constant 0 : i32
      %dma_start3A_31 = tpu.memref_slice %arg3[%add3A, %dma_start3A_29, %dma_start3A_30] : memref<32x2x80xi32, #tpu.memory_space<hbm>> -> memref<1x2x80xi32, #tpu.memory_space<hbm>>
      %dma_start3A_32 = tpu.memref_squeeze %dma_start3A_31 : memref<1x2x80xi32, #tpu.memory_space<hbm>> -> memref<2x80xi32, #tpu.memory_space<hbm>>
      %dma_start3A_33 = arith.constant 0 : i32
      %dma_start3A_34 = arith.constant 0 : i32
      %dma_start3A_35 = tpu.memref_slice %arg3[%add3A, %dma_start3A_33, %dma_start3A_34] : memref<32x2x80xi32, #tpu.memory_space<hbm>> -> memref<1x2x80xi32, #tpu.memory_space<hbm>>
      %dma_start3A_36 = tpu.memref_squeeze %dma_start3A_35 : memref<1x2x80xi32, #tpu.memory_space<hbm>> -> memref<2x80xi32, #tpu.memory_space<hbm>>
      tpu.enqueue_dma source(%dma_start3A_36 : memref<2x80xi32, #tpu.memory_space<hbm>>) target(%arg6 : memref<2x80xi32, #tpu.memory_space<vmem>>) target_semaphore(%run_scoped3A : memref<!tpu.dma_semaphore, #tpu.memory_space<semaphore_mem>>)
      %dma_wait3A_37 = arith.constant 0 : i32
      %dma_wait3A_38 = arith.constant 0 : i32
      %dma_wait3A_39 = tpu.memref_slice %arg3[%add3A, %dma_wait3A_37, %dma_wait3A_38] : memref<32x2x80xi32, #tpu.memory_space<hbm>> -> memref<1x2x80xi32, #tpu.memory_space<hbm>>
      %dma_wait3A_40 = tpu.memref_squeeze %dma_wait3A_39 : memref<1x2x80xi32, #tpu.memory_space<hbm>> -> memref<2x80xi32, #tpu.memory_space<hbm>>
      %dma_wait3A_41 = arith.constant 0 : i32
      %dma_wait3A_42 = arith.constant 0 : i32
      %dma_wait3A_43 = tpu.memref_slice %arg3[%add3A, %dma_wait3A_41, %dma_wait3A_42] : memref<32x2x80xi32, #tpu.memory_space<hbm>> -> memref<1x2x80xi32, #tpu.memory_space<hbm>>
      %dma_wait3A_44 = tpu.memref_squeeze %dma_wait3A_43 : memref<1x2x80xi32, #tpu.memory_space<hbm>> -> memref<2x80xi32, #tpu.memory_space<hbm>>
      tpu.wait_dma2 semaphore(%run_scoped3A : memref<!tpu.dma_semaphore, #tpu.memory_space<semaphore_mem>>) src(%dma_wait3A_44 : memref<2x80xi32, #tpu.memory_space<hbm>>) dst(%arg6 : memref<2x80xi32, #tpu.memory_space<vmem>>)
      tpu.yield
    }) : () -> ()
    %dma_start3A = arith.constant 0 : i32
    %dma_start3A_3 = arith.constant 0 : i32
    %dma_start3A_4 = tpu.memref_slice %arg6[%dma_start3A, %dma_start3A_3] : memref<2x80xi32, #tpu.memory_space<vmem>> -> memref<1x80xi32, #tpu.memory_space<vmem>>
    %dma_start3A_5 = tpu.memref_squeeze %dma_start3A_4 : memref<1x80xi32, #tpu.memory_space<vmem>> -> memref<80xi32, #tpu.memory_space<vmem>>
    %dma_start3A_6 = arith.constant 0 : i32
    %dma_start3A_7 = arith.constant 0 : i32
    %dma_start3A_8 = tpu.memref_slice %arg2[%dma_start3A_6, %dma_start3A_7] : memref<7168x1024xf32, #tpu.memory_space<hbm>> -> memref<7168x1024xf32, #tpu.memory_space<hbm>>
    tpu.enqueue_indirect_dma source(%dma_start3A_8 : memref<7168x1024xf32, #tpu.memory_space<hbm>>) target(%arg7 : memref<80x1024xf32, #tpu.memory_space<vmem>>) offsets(%dma_start3A_5 : memref<80xi32, #tpu.memory_space<vmem>>) semaphore(%arg8 : memref<!tpu.dma_semaphore, #tpu.memory_space<semaphore_mem>>)
    %dma_wait3A = arith.constant 0 : i32
    %dma_wait3A_9 = arith.constant 0 : i32
    %dma_wait3A_10 = tpu.memref_slice %arg6[%dma_wait3A, %dma_wait3A_9] : memref<2x80xi32, #tpu.memory_space<vmem>> -> memref<1x80xi32, #tpu.memory_space<vmem>>
    %dma_wait3A_11 = tpu.memref_squeeze %dma_wait3A_10 : memref<1x80xi32, #tpu.memory_space<vmem>> -> memref<80xi32, #tpu.memory_space<vmem>>
    %dma_wait3A_12 = arith.constant 0 : i32
    %dma_wait3A_13 = arith.constant 0 : i32
    %dma_wait3A_14 = tpu.memref_slice %arg2[%dma_wait3A_12, %dma_wait3A_13] : memref<7168x1024xf32, #tpu.memory_space<hbm>> -> memref<7168x1024xf32, #tpu.memory_space<hbm>>
    tpu.wait_indirect_dma semaphore(%arg8 : memref<!tpu.dma_semaphore, #tpu.memory_space<semaphore_mem>>) src(%dma_wait3A_14 : memref<7168x1024xf32, #tpu.memory_space<hbm>>) dst(%arg7 : memref<80x1024xf32, #tpu.memory_space<vmem>>)
    "tpu.region"() ({
      %run_scoped3A = tpu.sem_alloc : memref<!tpu.dma_semaphore, #tpu.memory_space<semaphore_mem>>
      %dma_start3A_29 = arith.constant 0 : i32
      %dma_start3A_30 = tpu.memref_slice %arg4[%mul3A_2, %dma_start3A_29] : memref<2560x1024xf32, #tpu.memory_space<hbm>> -> memref<80x1024xf32, #tpu.memory_space<hbm>>
      %dma_start3A_31 = arith.constant 0 : i32
      %dma_start3A_32 = tpu.memref_slice %arg4[%mul3A_2, %dma_start3A_31] : memref<2560x1024xf32, #tpu.memory_space<hbm>> -> memref<80x1024xf32, #tpu.memory_space<hbm>>
      tpu.enqueue_dma source(%arg7 : memref<80x1024xf32, #tpu.memory_space<vmem>>) target(%dma_start3A_32 : memref<80x1024xf32, #tpu.memory_space<hbm>>) target_semaphore(%run_scoped3A : memref<!tpu.dma_semaphore, #tpu.memory_space<semaphore_mem>>)
      %dma_wait3A_33 = arith.constant 0 : i32
      %dma_wait3A_34 = tpu.memref_slice %arg4[%mul3A_2, %dma_wait3A_33] : memref<2560x1024xf32, #tpu.memory_space<hbm>> -> memref<80x1024xf32, #tpu.memory_space<hbm>>
      %dma_wait3A_35 = arith.constant 0 : i32
      %dma_wait3A_36 = tpu.memref_slice %arg4[%mul3A_2, %dma_wait3A_35] : memref<2560x1024xf32, #tpu.memory_space<hbm>> -> memref<80x1024xf32, #tpu.memory_space<hbm>>
      tpu.wait_dma2 semaphore(%run_scoped3A : memref<!tpu.dma_semaphore, #tpu.memory_space<semaphore_mem>>) src(%arg7 : memref<80x1024xf32, #tpu.memory_space<vmem>>) dst(%dma_wait3A_36 : memref<80x1024xf32, #tpu.memory_space<hbm>>)
      tpu.yield
    }) : () -> ()
    %dma_start3A_15 = arith.constant 1 : i32
    %dma_start3A_16 = arith.constant 0 : i32
    %dma_start3A_17 = tpu.memref_slice %arg6[%dma_start3A_15, %dma_start3A_16] : memref<2x80xi32, #tpu.memory_space<vmem>> -> memref<1x80xi32, #tpu.memory_space<vmem>>
    %dma_start3A_18 = tpu.memref_squeeze %dma_start3A_17 : memref<1x80xi32, #tpu.memory_space<vmem>> -> memref<80xi32, #tpu.memory_space<vmem>>
    %dma_start3A_19 = arith.constant 0 : i32
    %dma_start3A_20 = arith.constant 0 : i32
    %dma_start3A_21 = tpu.memref_slice %arg2[%dma_start3A_19, %dma_start3A_20] : memref<7168x1024xf32, #tpu.memory_space<hbm>> -> memref<7168x1024xf32, #tpu.memory_space<hbm>>
    tpu.enqueue_indirect_dma source(%dma_start3A_21 : memref<7168x1024xf32, #tpu.memory_space<hbm>>) target(%arg7 : memref<80x1024xf32, #tpu.memory_space<vmem>>) offsets(%dma_start3A_18 : memref<80xi32, #tpu.memory_space<vmem>>) semaphore(%arg8 : memref<!tpu.dma_semaphore, #tpu.memory_space<semaphore_mem>>)
    %dma_wait3A_22 = arith.constant 1 : i32
    %dma_wait3A_23 = arith.constant 0 : i32
    %dma_wait3A_24 = tpu.memref_slice %arg6[%dma_wait3A_22, %dma_wait3A_23] : memref<2x80xi32, #tpu.memory_space<vmem>> -> memref<1x80xi32, #tpu.memory_space<vmem>>
    %dma_wait3A_25 = tpu.memref_squeeze %dma_wait3A_24 : memref<1x80xi32, #tpu.memory_space<vmem>> -> memref<80xi32, #tpu.memory_space<vmem>>
    %dma_wait3A_26 = arith.constant 0 : i32
    %dma_wait3A_27 = arith.constant 0 : i32
    %dma_wait3A_28 = tpu.memref_slice %arg2[%dma_wait3A_26, %dma_wait3A_27] : memref<7168x1024xf32, #tpu.memory_space<hbm>> -> memref<7168x1024xf32, #tpu.memory_space<hbm>>
    tpu.wait_indirect_dma semaphore(%arg8 : memref<!tpu.dma_semaphore, #tpu.memory_space<semaphore_mem>>) src(%dma_wait3A_28 : memref<7168x1024xf32, #tpu.memory_space<hbm>>) dst(%arg7 : memref<80x1024xf32, #tpu.memory_space<vmem>>)
    "tpu.region"() ({
      %run_scoped3A = tpu.sem_alloc : memref<!tpu.dma_semaphore, #tpu.memory_space<semaphore_mem>>
      %dma_start3A_29 = arith.constant 0 : i32
      %dma_start3A_30 = tpu.memref_slice %arg5[%mul3A_2, %dma_start3A_29] : memref<2560x1024xf32, #tpu.memory_space<hbm>> -> memref<80x1024xf32, #tpu.memory_space<hbm>>
      %dma_start3A_31 = arith.constant 0 : i32
      %dma_start3A_32 = tpu.memref_slice %arg5[%mul3A_2, %dma_start3A_31] : memref<2560x1024xf32, #tpu.memory_space<hbm>> -> memref<80x1024xf32, #tpu.memory_space<hbm>>
      tpu.enqueue_dma source(%arg7 : memref<80x1024xf32, #tpu.memory_space<vmem>>) target(%dma_start3A_32 : memref<80x1024xf32, #tpu.memory_space<hbm>>) target_semaphore(%run_scoped3A : memref<!tpu.dma_semaphore, #tpu.memory_space<semaphore_mem>>)
      %dma_wait3A_33 = arith.constant 0 : i32
      %dma_wait3A_34 = tpu.memref_slice %arg5[%mul3A_2, %dma_wait3A_33] : memref<2560x1024xf32, #tpu.memory_space<hbm>> -> memref<80x1024xf32, #tpu.memory_space<hbm>>
      %dma_wait3A_35 = arith.constant 0 : i32
      %dma_wait3A_36 = tpu.memref_slice %arg5[%mul3A_2, %dma_wait3A_35] : memref<2560x1024xf32, #tpu.memory_space<hbm>> -> memref<80x1024xf32, #tpu.memory_space<hbm>>
      tpu.wait_dma2 semaphore(%run_scoped3A : memref<!tpu.dma_semaphore, #tpu.memory_space<semaphore_mem>>) src(%arg7 : memref<80x1024xf32, #tpu.memory_space<vmem>>) dst(%dma_wait3A_36 : memref<80x1024xf32, #tpu.memory_space<hbm>>)
      tpu.yield
    }) : () -> ()
    return
  }
}

#map = affine_map<(d0, d1) -> (0, 0)>
#map1 = affine_map<(d0, d1) -> (0, 0, 0)>
module attributes {stable_mosaic.version = 14 : i64} {
  func.func @body(%arg0: i32, %arg1: i32, %arg2: memref<7168x1024xf32, #tpu.memory_space<hbm>>, %arg3: memref<32x2x80xi32, #tpu.memory_space<hbm>>, %arg4: memref<2560x1024xf32, #tpu.memory_space<hbm>>, %arg5: memref<2560x1024xf32, #tpu.memory_space<hbm>>, %arg6: memref<2x80xi32, #tpu.memory_space<vmem>>, %arg7: memref<80x1024xf32, #tpu.memory_space<vmem>>, %arg8: memref<!tpu.dma_semaphore, #tpu.memory_space<semaphore_mem>>) attributes {dimension_semantics = [#tpu.dimension_semantics<core_parallel>, #tpu.dimension_semantics<subcore_parallel>], iteration_bounds = array<i64: 2, 16>, scalar_prefetch = 0 : i64, scratch_operands = 3 : i64, tpu.core_type = #tpu.core_type<sc_vector_subcore>, window_params = [{transform_indices = #map}, {transform_indices = #map1}, {transform_indices = #map}, {transform_indices = #map}]} {
    %mul3A = arith.constant 2 : i32
    %mul3A_0 = arith.muli %arg1, %mul3A : i32
    %add3A = arith.addi %mul3A_0, %arg0 : i32
    %mul3A_1 = arith.constant 80 : i32
    %mul3A_2 = arith.muli %add3A, %mul3A_1 : i32
    "tpu.region"() ({
      %run_scoped3A = tpu.sem_alloc : memref<!tpu.dma_semaphore, #tpu.memory_space<semaphore_mem>>
      %dma_start3A_29 = arith.constant 0 : i32
      %dma_start3A_30 = arith.constant 0 : i32
      %dma_start3A_31 = tpu.memref_slice %arg3[%add3A, %dma_start3A_29, %dma_start3A_30] : memref<32x2x80xi32, #tpu.memory_space<hbm>> -> memref<1x2x80xi32, #tpu.memory_space<hbm>>
      %dma_start3A_32 = tpu.memref_squeeze %dma_start3A_31 : memref<1x2x80xi32, #tpu.memory_space<hbm>> -> memref<2x80xi32, #tpu.memory_space<hbm>>
      %dma_start3A_33 = arith.constant 0 : i32
      %dma_start3A_34 = arith.constant 0 : i32
      %dma_start3A_35 = tpu.memref_slice %arg3[%add3A, %dma_start3A_33, %dma_start3A_34] : memref<32x2x80xi32, #tpu.memory_space<hbm>> -> memref<1x2x80xi32, #tpu.memory_space<hbm>>
      %dma_start3A_36 = tpu.memref_squeeze %dma_start3A_35 : memref<1x2x80xi32, #tpu.memory_space<hbm>> -> memref<2x80xi32, #tpu.memory_space<hbm>>
      tpu.enqueue_dma source(%dma_start3A_36 : memref<2x80xi32, #tpu.memory_space<hbm>>) target(%arg6 : memref<2x80xi32, #tpu.memory_space<vmem>>) target_semaphore(%run_scoped3A : memref<!tpu.dma_semaphore, #tpu.memory_space<semaphore_mem>>)
      %dma_wait3A_37 = arith.constant 0 : i32
      %dma_wait3A_38 = arith.constant 0 : i32
      %dma_wait3A_39 = tpu.memref_slice %arg3[%add3A, %dma_wait3A_37, %dma_wait3A_38] : memref<32x2x80xi32, #tpu.memory_space<hbm>> -> memref<1x2x80xi32, #tpu.memory_space<hbm>>
      %dma_wait3A_40 = tpu.memref_squeeze %dma_wait3A_39 : memref<1x2x80xi32, #tpu.memory_space<hbm>> -> memref<2x80xi32, #tpu.memory_space<hbm>>
      %dma_wait3A_41 = arith.constant 0 : i32
      %dma_wait3A_42 = arith.constant 0 : i32
      %dma_wait3A_43 = tpu.memref_slice %arg3[%add3A, %dma_wait3A_41, %dma_wait3A_42] : memref<32x2x80xi32, #tpu.memory_space<hbm>> -> memref<1x2x80xi32, #tpu.memory_space<hbm>>
      %dma_wait3A_44 = tpu.memref_squeeze %dma_wait3A_43 : memref<1x2x80xi32, #tpu.memory_space<hbm>> -> memref<2x80xi32, #tpu.memory_space<hbm>>
      tpu.wait_dma2 semaphore(%run_scoped3A : memref<!tpu.dma_semaphore, #tpu.memory_space<semaphore_mem>>) src(%dma_wait3A_44 : memref<2x80xi32, #tpu.memory_space<hbm>>) dst(%arg6 : memref<2x80xi32, #tpu.memory_space<vmem>>)
      tpu.yield
    }) : () -> ()
    %dma_start3A = arith.constant 0 : i32
    %dma_start3A_3 = arith.constant 0 : i32
    %dma_start3A_4 = tpu.memref_slice %arg6[%dma_start3A, %dma_start3A_3] : memref<2x80xi32, #tpu.memory_space<vmem>> -> memref<1x80xi32, #tpu.memory_space<vmem>>
    %dma_start3A_5 = tpu.memref_squeeze %dma_start3A_4 : memref<1x80xi32, #tpu.memory_space<vmem>> -> memref<80xi32, #tpu.memory_space<vmem>>
    %dma_start3A_6 = arith.constant 0 : i32
    %dma_start3A_7 = arith.constant 0 : i32
    %dma_start3A_8 = tpu.memref_slice %arg2[%dma_start3A_6, %dma_start3A_7] : memref<7168x1024xf32, #tpu.memory_space<hbm>> -> memref<7168x1024xf32, #tpu.memory_space<hbm>>
    tpu.enqueue_indirect_dma source(%dma_start3A_8 : memref<7168x1024xf32, #tpu.memory_space<hbm>>) target(%arg7 : memref<80x1024xf32, #tpu.memory_space<vmem>>) offsets(%dma_start3A_5 : memref<80xi32, #tpu.memory_space<vmem>>) semaphore(%arg8 : memref<!tpu.dma_semaphore, #tpu.memory_space<semaphore_mem>>)
    %dma_wait3A = arith.constant 0 : i32
    %dma_wait3A_9 = arith.constant 0 : i32
    %dma_wait3A_10 = tpu.memref_slice %arg6[%dma_wait3A, %dma_wait3A_9] : memref<2x80xi32, #tpu.memory_space<vmem>> -> memref<1x80xi32, #tpu.memory_space<vmem>>
    %dma_wait3A_11 = tpu.memref_squeeze %dma_wait3A_10 : memref<1x80xi32, #tpu.memory_space<vmem>> -> memref<80xi32, #tpu.memory_space<vmem>>
    %dma_wait3A_12 = arith.constant 0 : i32
    %dma_wait3A_13 = arith.constant 0 : i32
    %dma_wait3A_14 = tpu.memref_slice %arg2[%dma_wait3A_12, %dma_wait3A_13] : memref<7168x1024xf32, #tpu.memory_space<hbm>> -> memref<7168x1024xf32, #tpu.memory_space<hbm>>
    tpu.wait_indirect_dma semaphore(%arg8 : memref<!tpu.dma_semaphore, #tpu.memory_space<semaphore_mem>>) src(%dma_wait3A_14 : memref<7168x1024xf32, #tpu.memory_space<hbm>>) dst(%arg7 : memref<80x1024xf32, #tpu.memory_space<vmem>>)
    "tpu.region"() ({
      %run_scoped3A = tpu.sem_alloc : memref<!tpu.dma_semaphore, #tpu.memory_space<semaphore_mem>>
      %dma_start3A_29 = arith.constant 0 : i32
      %dma_start3A_30 = tpu.memref_slice %arg4[%mul3A_2, %dma_start3A_29] : memref<2560x1024xf32, #tpu.memory_space<hbm>> -> memref<80x1024xf32, #tpu.memory_space<hbm>>
      %dma_start3A_31 = arith.constant 0 : i32
      %dma_start3A_32 = tpu.memref_slice %arg4[%mul3A_2, %dma_start3A_31] : memref<2560x1024xf32, #tpu.memory_space<hbm>> -> memref<80x1024xf32, #tpu.memory_space<hbm>>
      tpu.enqueue_dma source(%arg7 : memref<80x1024xf32, #tpu.memory_space<vmem>>) target(%dma_start3A_32 : memref<80x1024xf32, #tpu.memory_space<hbm>>) target_semaphore(%run_scoped3A : memref<!tpu.dma_semaphore, #tpu.memory_space<semaphore_mem>>)
      %dma_wait3A_33 = arith.constant 0 : i32
      %dma_wait3A_34 = tpu.memref_slice %arg4[%mul3A_2, %dma_wait3A_33] : memref<2560x1024xf32, #tpu.memory_space<hbm>> -> memref<80x1024xf32, #tpu.memory_space<hbm>>
      %dma_wait3A_35 = arith.constant 0 : i32
      %dma_wait3A_36 = tpu.memref_slice %arg4[%mul3A_2, %dma_wait3A_35] : memref<2560x1024xf32, #tpu.memory_space<hbm>> -> memref<80x1024xf32, #tpu.memory_space<hbm>>
      tpu.wait_dma2 semaphore(%run_scoped3A : memref<!tpu.dma_semaphore, #tpu.memory_space<semaphore_mem>>) src(%arg7 : memref<80x1024xf32, #tpu.memory_space<vmem>>) dst(%dma_wait3A_36 : memref<80x1024xf32, #tpu.memory_space<hbm>>)
      tpu.yield
    }) : () -> ()
    %dma_start3A_15 = arith.constant 1 : i32
    %dma_start3A_16 = arith.constant 0 : i32
    %dma_start3A_17 = tpu.memref_slice %arg6[%dma_start3A_15, %dma_start3A_16] : memref<2x80xi32, #tpu.memory_space<vmem>> -> memref<1x80xi32, #tpu.memory_space<vmem>>
    %dma_start3A_18 = tpu.memref_squeeze %dma_start3A_17 : memref<1x80xi32, #tpu.memory_space<vmem>> -> memref<80xi32, #tpu.memory_space<vmem>>
    %dma_start3A_19 = arith.constant 0 : i32
    %dma_start3A_20 = arith.constant 0 : i32
    %dma_start3A_21 = tpu.memref_slice %arg2[%dma_start3A_19, %dma_start3A_20] : memref<7168x1024xf32, #tpu.memory_space<hbm>> -> memref<7168x1024xf32, #tpu.memory_space<hbm>>
    tpu.enqueue_indirect_dma source(%dma_start3A_21 : memref<7168x1024xf32, #tpu.memory_space<hbm>>) target(%arg7 : memref<80x1024xf32, #tpu.memory_space<vmem>>) offsets(%dma_start3A_18 : memref<80xi32, #tpu.memory_space<vmem>>) semaphore(%arg8 : memref<!tpu.dma_semaphore, #tpu.memory_space<semaphore_mem>>)
    %dma_wait3A_22 = arith.constant 1 : i32
    %dma_wait3A_23 = arith.constant 0 : i32
    %dma_wait3A_24 = tpu.memref_slice %arg6[%dma_wait3A_22, %dma_wait3A_23] : memref<2x80xi32, #tpu.memory_space<vmem>> -> memref<1x80xi32, #tpu.memory_space<vmem>>
    %dma_wait3A_25 = tpu.memref_squeeze %dma_wait3A_24 : memref<1x80xi32, #tpu.memory_space<vmem>> -> memref<80xi32, #tpu.memory_space<vmem>>
    %dma_wait3A_26 = arith.constant 0 : i32
    %dma_wait3A_27 = arith.constant 0 : i32
    %dma_wait3A_28 = tpu.memref_slice %arg2[%dma_wait3A_26, %dma_wait3A_27] : memref<7168x1024xf32, #tpu.memory_space<hbm>> -> memref<7168x1024xf32, #tpu.memory_space<hbm>>
    tpu.wait_indirect_dma semaphore(%arg8 : memref<!tpu.dma_semaphore, #tpu.memory_space<semaphore_mem>>) src(%dma_wait3A_28 : memref<7168x1024xf32, #tpu.memory_space<hbm>>) dst(%arg7 : memref<80x1024xf32, #tpu.memory_space<vmem>>)
    "tpu.region"() ({
      %run_scoped3A = tpu.sem_alloc : memref<!tpu.dma_semaphore, #tpu.memory_space<semaphore_mem>>
      %dma_start3A_29 = arith.constant 0 : i32
      %dma_start3A_30 = tpu.memref_slice %arg5[%mul3A_2, %dma_start3A_29] : memref<2560x1024xf32, #tpu.memory_space<hbm>> -> memref<80x1024xf32, #tpu.memory_space<hbm>>
      %dma_start3A_31 = arith.constant 0 : i32
      %dma_start3A_32 = tpu.memref_slice %arg5[%mul3A_2, %dma_start3A_31] : memref<2560x1024xf32, #tpu.memory_space<hbm>> -> memref<80x1024xf32, #tpu.memory_space<hbm>>
      tpu.enqueue_dma source(%arg7 : memref<80x1024xf32, #tpu.memory_space<vmem>>) target(%dma_start3A_32 : memref<80x1024xf32, #tpu.memory_space<hbm>>) target_semaphore(%run_scoped3A : memref<!tpu.dma_semaphore, #tpu.memory_space<semaphore_mem>>)
      %dma_wait3A_33 = arith.constant 0 : i32
      %dma_wait3A_34 = tpu.memref_slice %arg5[%mul3A_2, %dma_wait3A_33] : memref<2560x1024xf32, #tpu.memory_space<hbm>> -> memref<80x1024xf32, #tpu.memory_space<hbm>>
      %dma_wait3A_35 = arith.constant 0 : i32
      %dma_wait3A_36 = tpu.memref_slice %arg5[%mul3A_2, %dma_wait3A_35] : memref<2560x1024xf32, #tpu.memory_space<hbm>> -> memref<80x1024xf32, #tpu.memory_space<hbm>>
      tpu.wait_dma2 semaphore(%run_scoped3A : memref<!tpu.dma_semaphore, #tpu.memory_space<semaphore_mem>>) src(%arg7 : memref<80x1024xf32, #tpu.memory_space<vmem>>) dst(%dma_wait3A_36 : memref<80x1024xf32, #tpu.memory_space<hbm>>)
      tpu.yield
    }) : () -> ()
    return
  }
}

#map = affine_map<(d0, d1) -> (0, 0)>
#map1 = affine_map<(d0, d1) -> (0, 0, 0)>
module attributes {stable_mosaic.version = 14 : i64} {
  func.func @body(%arg0: i32, %arg1: i32, %arg2: memref<2560x1024xf32, #tpu.memory_space<hbm>>, %arg3: memref<32x2x80xi32, #tpu.memory_space<hbm>>, %arg4: memref<7168x1024xf32, #tpu.memory_space<hbm>>, %arg5: memref<2x80xi32, #tpu.memory_space<vmem>>, %arg6: memref<80x1024xf32, #tpu.memory_space<vmem>>, %arg7: memref<!tpu.dma_semaphore, #tpu.memory_space<semaphore_mem>>) attributes {dimension_semantics = [#tpu.dimension_semantics<core_parallel>, #tpu.dimension_semantics<subcore_parallel>], iteration_bounds = array<i64: 2, 16>, scalar_prefetch = 0 : i64, scratch_operands = 3 : i64, tpu.core_type = #tpu.core_type<sc_vector_subcore>, window_params = [{transform_indices = #map}, {transform_indices = #map1}, {transform_indices = #map}]} {
    %mul3A = arith.constant 2 : i32
    %mul3A_0 = arith.muli %arg1, %mul3A : i32
    %add3A = arith.addi %mul3A_0, %arg0 : i32
    %mul3A_1 = arith.constant 80 : i32
    %mul3A_2 = arith.muli %add3A, %mul3A_1 : i32
    "tpu.region"() ({
      %run_scoped3A = tpu.sem_alloc : memref<!tpu.dma_semaphore, #tpu.memory_space<semaphore_mem>>
      %dma_start3A_29 = arith.constant 0 : i32
      %dma_start3A_30 = arith.constant 0 : i32
      %dma_start3A_31 = tpu.memref_slice %arg3[%add3A, %dma_start3A_29, %dma_start3A_30] : memref<32x2x80xi32, #tpu.memory_space<hbm>> -> memref<1x2x80xi32, #tpu.memory_space<hbm>>
      %dma_start3A_32 = tpu.memref_squeeze %dma_start3A_31 : memref<1x2x80xi32, #tpu.memory_space<hbm>> -> memref<2x80xi32, #tpu.memory_space<hbm>>
      %dma_start3A_33 = arith.constant 0 : i32
      %dma_start3A_34 = arith.constant 0 : i32
      %dma_start3A_35 = tpu.memref_slice %arg3[%add3A, %dma_start3A_33, %dma_start3A_34] : memref<32x2x80xi32, #tpu.memory_space<hbm>> -> memref<1x2x80xi32, #tpu.memory_space<hbm>>
      %dma_start3A_36 = tpu.memref_squeeze %dma_start3A_35 : memref<1x2x80xi32, #tpu.memory_space<hbm>> -> memref<2x80xi32, #tpu.memory_space<hbm>>
      tpu.enqueue_dma source(%dma_start3A_36 : memref<2x80xi32, #tpu.memory_space<hbm>>) target(%arg5 : memref<2x80xi32, #tpu.memory_space<vmem>>) target_semaphore(%run_scoped3A : memref<!tpu.dma_semaphore, #tpu.memory_space<semaphore_mem>>)
      %dma_wait3A_37 = arith.constant 0 : i32
      %dma_wait3A_38 = arith.constant 0 : i32
      %dma_wait3A_39 = tpu.memref_slice %arg3[%add3A, %dma_wait3A_37, %dma_wait3A_38] : memref<32x2x80xi32, #tpu.memory_space<hbm>> -> memref<1x2x80xi32, #tpu.memory_space<hbm>>
      %dma_wait3A_40 = tpu.memref_squeeze %dma_wait3A_39 : memref<1x2x80xi32, #tpu.memory_space<hbm>> -> memref<2x80xi32, #tpu.memory_space<hbm>>
      %dma_wait3A_41 = arith.constant 0 : i32
      %dma_wait3A_42 = arith.constant 0 : i32
      %dma_wait3A_43 = tpu.memref_slice %arg3[%add3A, %dma_wait3A_41, %dma_wait3A_42] : memref<32x2x80xi32, #tpu.memory_space<hbm>> -> memref<1x2x80xi32, #tpu.memory_space<hbm>>
      %dma_wait3A_44 = tpu.memref_squeeze %dma_wait3A_43 : memref<1x2x80xi32, #tpu.memory_space<hbm>> -> memref<2x80xi32, #tpu.memory_space<hbm>>
      tpu.wait_dma2 semaphore(%run_scoped3A : memref<!tpu.dma_semaphore, #tpu.memory_space<semaphore_mem>>) src(%dma_wait3A_44 : memref<2x80xi32, #tpu.memory_space<hbm>>) dst(%arg5 : memref<2x80xi32, #tpu.memory_space<vmem>>)
      tpu.yield
    }) : () -> ()
    "tpu.region"() ({
      %run_scoped3A = tpu.sem_alloc : memref<!tpu.dma_semaphore, #tpu.memory_space<semaphore_mem>>
      %dma_start3A_29 = arith.constant 0 : i32
      %dma_start3A_30 = tpu.memref_slice %arg2[%mul3A_2, %dma_start3A_29] : memref<2560x1024xf32, #tpu.memory_space<hbm>> -> memref<80x1024xf32, #tpu.memory_space<hbm>>
      %dma_start3A_31 = arith.constant 0 : i32
      %dma_start3A_32 = tpu.memref_slice %arg2[%mul3A_2, %dma_start3A_31] : memref<2560x1024xf32, #tpu.memory_space<hbm>> -> memref<80x1024xf32, #tpu.memory_space<hbm>>
      tpu.enqueue_dma source(%dma_start3A_32 : memref<80x1024xf32, #tpu.memory_space<hbm>>) target(%arg6 : memref<80x1024xf32, #tpu.memory_space<vmem>>) target_semaphore(%run_scoped3A : memref<!tpu.dma_semaphore, #tpu.memory_space<semaphore_mem>>)
      %dma_wait3A_33 = arith.constant 0 : i32
      %dma_wait3A_34 = tpu.memref_slice %arg2[%mul3A_2, %dma_wait3A_33] : memref<2560x1024xf32, #tpu.memory_space<hbm>> -> memref<80x1024xf32, #tpu.memory_space<hbm>>
      %dma_wait3A_35 = arith.constant 0 : i32
      %dma_wait3A_36 = tpu.memref_slice %arg2[%mul3A_2, %dma_wait3A_35] : memref<2560x1024xf32, #tpu.memory_space<hbm>> -> memref<80x1024xf32, #tpu.memory_space<hbm>>
      tpu.wait_dma2 semaphore(%run_scoped3A : memref<!tpu.dma_semaphore, #tpu.memory_space<semaphore_mem>>) src(%dma_wait3A_36 : memref<80x1024xf32, #tpu.memory_space<hbm>>) dst(%arg6 : memref<80x1024xf32, #tpu.memory_space<vmem>>)
      tpu.yield
    }) : () -> ()
    %dma_start3A = arith.constant 0 : i32
    %dma_start3A_3 = arith.constant 0 : i32
    %dma_start3A_4 = tpu.memref_slice %arg5[%dma_start3A, %dma_start3A_3] : memref<2x80xi32, #tpu.memory_space<vmem>> -> memref<1x80xi32, #tpu.memory_space<vmem>>
    %dma_start3A_5 = tpu.memref_squeeze %dma_start3A_4 : memref<1x80xi32, #tpu.memory_space<vmem>> -> memref<80xi32, #tpu.memory_space<vmem>>
    %dma_start3A_6 = arith.constant 0 : i32
    %dma_start3A_7 = arith.constant 0 : i32
    %dma_start3A_8 = tpu.memref_slice %arg4[%dma_start3A_6, %dma_start3A_7] : memref<7168x1024xf32, #tpu.memory_space<hbm>> -> memref<7168x1024xf32, #tpu.memory_space<hbm>>
    tpu.enqueue_indirect_dma source(%arg6 : memref<80x1024xf32, #tpu.memory_space<vmem>>) target(%dma_start3A_8 : memref<7168x1024xf32, #tpu.memory_space<hbm>>) offsets(%dma_start3A_5 : memref<80xi32, #tpu.memory_space<vmem>>) semaphore(%arg7 : memref<!tpu.dma_semaphore, #tpu.memory_space<semaphore_mem>>)
    %dma_wait3A = arith.constant 0 : i32
    %dma_wait3A_9 = arith.constant 0 : i32
    %dma_wait3A_10 = tpu.memref_slice %arg5[%dma_wait3A, %dma_wait3A_9] : memref<2x80xi32, #tpu.memory_space<vmem>> -> memref<1x80xi32, #tpu.memory_space<vmem>>
    %dma_wait3A_11 = tpu.memref_squeeze %dma_wait3A_10 : memref<1x80xi32, #tpu.memory_space<vmem>> -> memref<80xi32, #tpu.memory_space<vmem>>
    %dma_wait3A_12 = arith.constant 0 : i32
    %dma_wait3A_13 = arith.constant 0 : i32
    %dma_wait3A_14 = tpu.memref_slice %arg4[%dma_wait3A_12, %dma_wait3A_13] : memref<7168x1024xf32, #tpu.memory_space<hbm>> -> memref<7168x1024xf32, #tpu.memory_space<hbm>>
    tpu.wait_indirect_dma semaphore(%arg7 : memref<!tpu.dma_semaphore, #tpu.memory_space<semaphore_mem>>) src(%arg6 : memref<80x1024xf32, #tpu.memory_space<vmem>>) dst(%dma_wait3A_14 : memref<7168x1024xf32, #tpu.memory_space<hbm>>)
    %dma_start3A_15 = arith.constant 1 : i32
    %dma_start3A_16 = arith.constant 0 : i32
    %dma_start3A_17 = tpu.memref_slice %arg5[%dma_start3A_15, %dma_start3A_16] : memref<2x80xi32, #tpu.memory_space<vmem>> -> memref<1x80xi32, #tpu.memory_space<vmem>>
    %dma_start3A_18 = tpu.memref_squeeze %dma_start3A_17 : memref<1x80xi32, #tpu.memory_space<vmem>> -> memref<80xi32, #tpu.memory_space<vmem>>
    %dma_start3A_19 = arith.constant 0 : i32
    %dma_start3A_20 = arith.constant 0 : i32
    %dma_start3A_21 = tpu.memref_slice %arg4[%dma_start3A_19, %dma_start3A_20] : memref<7168x1024xf32, #tpu.memory_space<hbm>> -> memref<7168x1024xf32, #tpu.memory_space<hbm>>
    tpu.enqueue_indirect_dma source(%arg6 : memref<80x1024xf32, #tpu.memory_space<vmem>>) target(%dma_start3A_21 : memref<7168x1024xf32, #tpu.memory_space<hbm>>) offsets(%dma_start3A_18 : memref<80xi32, #tpu.memory_space<vmem>>) semaphore(%arg7 : memref<!tpu.dma_semaphore, #tpu.memory_space<semaphore_mem>>)
    %dma_wait3A_22 = arith.constant 1 : i32
    %dma_wait3A_23 = arith.constant 0 : i32
    %dma_wait3A_24 = tpu.memref_slice %arg5[%dma_wait3A_22, %dma_wait3A_23] : memref<2x80xi32, #tpu.memory_space<vmem>> -> memref<1x80xi32, #tpu.memory_space<vmem>>
    %dma_wait3A_25 = tpu.memref_squeeze %dma_wait3A_24 : memref<1x80xi32, #tpu.memory_space<vmem>> -> memref<80xi32, #tpu.memory_space<vmem>>
    %dma_wait3A_26 = arith.constant 0 : i32
    %dma_wait3A_27 = arith.constant 0 : i32
    %dma_wait3A_28 = tpu.memref_slice %arg4[%dma_wait3A_26, %dma_wait3A_27] : memref<7168x1024xf32, #tpu.memory_space<hbm>> -> memref<7168x1024xf32, #tpu.memory_space<hbm>>
    tpu.wait_indirect_dma semaphore(%arg7 : memref<!tpu.dma_semaphore, #tpu.memory_space<semaphore_mem>>) src(%arg6 : memref<80x1024xf32, #tpu.memory_space<vmem>>) dst(%dma_wait3A_28 : memref<7168x1024xf32, #tpu.memory_space<hbm>>)
    return
  }
}

#map = affine_map<(d0, d1) -> (0, 0)>
#map1 = affine_map<(d0, d1) -> (0, 0, 0)>
module attributes {stable_mosaic.version = 14 : i64} {
  func.func @body(%arg0: i32, %arg1: i32, %arg2: memref<2560x1024xf32, #tpu.memory_space<hbm>>, %arg3: memref<32x2x80xi32, #tpu.memory_space<hbm>>, %arg4: memref<7168x1024xf32, #tpu.memory_space<hbm>>, %arg5: memref<2x80xi32, #tpu.memory_space<vmem>>, %arg6: memref<80x1024xf32, #tpu.memory_space<vmem>>, %arg7: memref<!tpu.dma_semaphore, #tpu.memory_space<semaphore_mem>>) attributes {dimension_semantics = [#tpu.dimension_semantics<core_parallel>, #tpu.dimension_semantics<subcore_parallel>], iteration_bounds = array<i64: 2, 16>, scalar_prefetch = 0 : i64, scratch_operands = 3 : i64, tpu.core_type = #tpu.core_type<sc_vector_subcore>, window_params = [{transform_indices = #map}, {transform_indices = #map1}, {transform_indices = #map}]} {
    %mul3A = arith.constant 2 : i32
    %mul3A_0 = arith.muli %arg1, %mul3A : i32
    %add3A = arith.addi %mul3A_0, %arg0 : i32
    %mul3A_1 = arith.constant 80 : i32
    %mul3A_2 = arith.muli %add3A, %mul3A_1 : i32
    "tpu.region"() ({
      %run_scoped3A = tpu.sem_alloc : memref<!tpu.dma_semaphore, #tpu.memory_space<semaphore_mem>>
      %dma_start3A_29 = arith.constant 0 : i32
      %dma_start3A_30 = arith.constant 0 : i32
      %dma_start3A_31 = tpu.memref_slice %arg3[%add3A, %dma_start3A_29, %dma_start3A_30] : memref<32x2x80xi32, #tpu.memory_space<hbm>> -> memref<1x2x80xi32, #tpu.memory_space<hbm>>
      %dma_start3A_32 = tpu.memref_squeeze %dma_start3A_31 : memref<1x2x80xi32, #tpu.memory_space<hbm>> -> memref<2x80xi32, #tpu.memory_space<hbm>>
      %dma_start3A_33 = arith.constant 0 : i32
      %dma_start3A_34 = arith.constant 0 : i32
      %dma_start3A_35 = tpu.memref_slice %arg3[%add3A, %dma_start3A_33, %dma_start3A_34] : memref<32x2x80xi32, #tpu.memory_space<hbm>> -> memref<1x2x80xi32, #tpu.memory_space<hbm>>
      %dma_start3A_36 = tpu.memref_squeeze %dma_start3A_35 : memref<1x2x80xi32, #tpu.memory_space<hbm>> -> memref<2x80xi32, #tpu.memory_space<hbm>>
      tpu.enqueue_dma source(%dma_start3A_36 : memref<2x80xi32, #tpu.memory_space<hbm>>) target(%arg5 : memref<2x80xi32, #tpu.memory_space<vmem>>) target_semaphore(%run_scoped3A : memref<!tpu.dma_semaphore, #tpu.memory_space<semaphore_mem>>)
      %dma_wait3A_37 = arith.constant 0 : i32
      %dma_wait3A_38 = arith.constant 0 : i32
      %dma_wait3A_39 = tpu.memref_slice %arg3[%add3A, %dma_wait3A_37, %dma_wait3A_38] : memref<32x2x80xi32, #tpu.memory_space<hbm>> -> memref<1x2x80xi32, #tpu.memory_space<hbm>>
      %dma_wait3A_40 = tpu.memref_squeeze %dma_wait3A_39 : memref<1x2x80xi32, #tpu.memory_space<hbm>> -> memref<2x80xi32, #tpu.memory_space<hbm>>
      %dma_wait3A_41 = arith.constant 0 : i32
      %dma_wait3A_42 = arith.constant 0 : i32
      %dma_wait3A_43 = tpu.memref_slice %arg3[%add3A, %dma_wait3A_41, %dma_wait3A_42] : memref<32x2x80xi32, #tpu.memory_space<hbm>> -> memref<1x2x80xi32, #tpu.memory_space<hbm>>
      %dma_wait3A_44 = tpu.memref_squeeze %dma_wait3A_43 : memref<1x2x80xi32, #tpu.memory_space<hbm>> -> memref<2x80xi32, #tpu.memory_space<hbm>>
      tpu.wait_dma2 semaphore(%run_scoped3A : memref<!tpu.dma_semaphore, #tpu.memory_space<semaphore_mem>>) src(%dma_wait3A_44 : memref<2x80xi32, #tpu.memory_space<hbm>>) dst(%arg5 : memref<2x80xi32, #tpu.memory_space<vmem>>)
      tpu.yield
    }) : () -> ()
    "tpu.region"() ({
      %run_scoped3A = tpu.sem_alloc : memref<!tpu.dma_semaphore, #tpu.memory_space<semaphore_mem>>
      %dma_start3A_29 = arith.constant 0 : i32
      %dma_start3A_30 = tpu.memref_slice %arg2[%mul3A_2, %dma_start3A_29] : memref<2560x1024xf32, #tpu.memory_space<hbm>> -> memref<80x1024xf32, #tpu.memory_space<hbm>>
      %dma_start3A_31 = arith.constant 0 : i32
      %dma_start3A_32 = tpu.memref_slice %arg2[%mul3A_2, %dma_start3A_31] : memref<2560x1024xf32, #tpu.memory_space<hbm>> -> memref<80x1024xf32, #tpu.memory_space<hbm>>
      tpu.enqueue_dma source(%dma_start3A_32 : memref<80x1024xf32, #tpu.memory_space<hbm>>) target(%arg6 : memref<80x1024xf32, #tpu.memory_space<vmem>>) target_semaphore(%run_scoped3A : memref<!tpu.dma_semaphore, #tpu.memory_space<semaphore_mem>>)
      %dma_wait3A_33 = arith.constant 0 : i32
      %dma_wait3A_34 = tpu.memref_slice %arg2[%mul3A_2, %dma_wait3A_33] : memref<2560x1024xf32, #tpu.memory_space<hbm>> -> memref<80x1024xf32, #tpu.memory_space<hbm>>
      %dma_wait3A_35 = arith.constant 0 : i32
      %dma_wait3A_36 = tpu.memref_slice %arg2[%mul3A_2, %dma_wait3A_35] : memref<2560x1024xf32, #tpu.memory_space<hbm>> -> memref<80x1024xf32, #tpu.memory_space<hbm>>
      tpu.wait_dma2 semaphore(%run_scoped3A : memref<!tpu.dma_semaphore, #tpu.memory_space<semaphore_mem>>) src(%dma_wait3A_36 : memref<80x1024xf32, #tpu.memory_space<hbm>>) dst(%arg6 : memref<80x1024xf32, #tpu.memory_space<vmem>>)
      tpu.yield
    }) : () -> ()
    %dma_start3A = arith.constant 0 : i32
    %dma_start3A_3 = arith.constant 0 : i32
    %dma_start3A_4 = tpu.memref_slice %arg5[%dma_start3A, %dma_start3A_3] : memref<2x80xi32, #tpu.memory_space<vmem>> -> memref<1x80xi32, #tpu.memory_space<vmem>>
    %dma_start3A_5 = tpu.memref_squeeze %dma_start3A_4 : memref<1x80xi32, #tpu.memory_space<vmem>> -> memref<80xi32, #tpu.memory_space<vmem>>
    %dma_start3A_6 = arith.constant 0 : i32
    %dma_start3A_7 = arith.constant 0 : i32
    %dma_start3A_8 = tpu.memref_slice %arg4[%dma_start3A_6, %dma_start3A_7] : memref<7168x1024xf32, #tpu.memory_space<hbm>> -> memref<7168x1024xf32, #tpu.memory_space<hbm>>
    tpu.enqueue_indirect_dma source(%arg6 : memref<80x1024xf32, #tpu.memory_space<vmem>>) target(%dma_start3A_8 : memref<7168x1024xf32, #tpu.memory_space<hbm>>) offsets(%dma_start3A_5 : memref<80xi32, #tpu.memory_space<vmem>>) semaphore(%arg7 : memref<!tpu.dma_semaphore, #tpu.memory_space<semaphore_mem>>)
    %dma_wait3A = arith.constant 0 : i32
    %dma_wait3A_9 = arith.constant 0 : i32
    %dma_wait3A_10 = tpu.memref_slice %arg5[%dma_wait3A, %dma_wait3A_9] : memref<2x80xi32, #tpu.memory_space<vmem>> -> memref<1x80xi32, #tpu.memory_space<vmem>>
    %dma_wait3A_11 = tpu.memref_squeeze %dma_wait3A_10 : memref<1x80xi32, #tpu.memory_space<vmem>> -> memref<80xi32, #tpu.memory_space<vmem>>
    %dma_wait3A_12 = arith.constant 0 : i32
    %dma_wait3A_13 = arith.constant 0 : i32
    %dma_wait3A_14 = tpu.memref_slice %arg4[%dma_wait3A_12, %dma_wait3A_13] : memref<7168x1024xf32, #tpu.memory_space<hbm>> -> memref<7168x1024xf32, #tpu.memory_space<hbm>>
    tpu.wait_indirect_dma semaphore(%arg7 : memref<!tpu.dma_semaphore, #tpu.memory_space<semaphore_mem>>) src(%arg6 : memref<80x1024xf32, #tpu.memory_space<vmem>>) dst(%dma_wait3A_14 : memref<7168x1024xf32, #tpu.memory_space<hbm>>)
    %dma_start3A_15 = arith.constant 1 : i32
    %dma_start3A_16 = arith.constant 0 : i32
    %dma_start3A_17 = tpu.memref_slice %arg5[%dma_start3A_15, %dma_start3A_16] : memref<2x80xi32, #tpu.memory_space<vmem>> -> memref<1x80xi32, #tpu.memory_space<vmem>>
    %dma_start3A_18 = tpu.memref_squeeze %dma_start3A_17 : memref<1x80xi32, #tpu.memory_space<vmem>> -> memref<80xi32, #tpu.memory_space<vmem>>
    %dma_start3A_19 = arith.constant 0 : i32
    %dma_start3A_20 = arith.constant 0 : i32
    %dma_start3A_21 = tpu.memref_slice %arg4[%dma_start3A_19, %dma_start3A_20] : memref<7168x1024xf32, #tpu.memory_space<hbm>> -> memref<7168x1024xf32, #tpu.memory_space<hbm>>
    tpu.enqueue_indirect_dma source(%arg6 : memref<80x1024xf32, #tpu.memory_space<vmem>>) target(%dma_start3A_21 : memref<7168x1024xf32, #tpu.memory_space<hbm>>) offsets(%dma_start3A_18 : memref<80xi32, #tpu.memory_space<vmem>>) semaphore(%arg7 : memref<!tpu.dma_semaphore, #tpu.memory_space<semaphore_mem>>)
    %dma_wait3A_22 = arith.constant 1 : i32
    %dma_wait3A_23 = arith.constant 0 : i32
    %dma_wait3A_24 = tpu.memref_slice %arg5[%dma_wait3A_22, %dma_wait3A_23] : memref<2x80xi32, #tpu.memory_space<vmem>> -> memref<1x80xi32, #tpu.memory_space<vmem>>
    %dma_wait3A_25 = tpu.memref_squeeze %dma_wait3A_24 : memref<1x80xi32, #tpu.memory_space<vmem>> -> memref<80xi32, #tpu.memory_space<vmem>>
    %dma_wait3A_26 = arith.constant 0 : i32
    %dma_wait3A_27 = arith.constant 0 : i32
    %dma_wait3A_28 = tpu.memref_slice %arg4[%dma_wait3A_26, %dma_wait3A_27] : memref<7168x1024xf32, #tpu.memory_space<hbm>> -> memref<7168x1024xf32, #tpu.memory_space<hbm>>
    tpu.wait_indirect_dma semaphore(%arg7 : memref<!tpu.dma_semaphore, #tpu.memory_space<semaphore_mem>>) src(%arg6 : memref<80x1024xf32, #tpu.memory_space<vmem>>) dst(%dma_wait3A_28 : memref<7168x1024xf32, #tpu.memory_space<hbm>>)
    return
  }
}

module attributes {stable_mosaic.version = 14 : i64} {
  func.func @_attn_qkv_body(%arg0: i32, %arg1: memref<1x608x1024xf32, #tpu.memory_space<vmem>>, %arg2: memref<1024x3072xf32, #tpu.memory_space<vmem>>, %arg3: memref<1x3072xf32, #tpu.memory_space<vmem>>, %arg4: memref<1x608x3072xf32, #tpu.memory_space<vmem>>) attributes {dimension_semantics = [#tpu.dimension_semantics<arbitrary>], iteration_bounds = array<i64: 4>, scalar_prefetch = 0 : i64, scratch_operands = 0 : i64, tpu.core_type = #tpu.core_type<tc>, window_params = [{transform_indices = @transform_0, window_bounds = array<i64: 1, 608, 1024>}, {pipeline_mode = #tpu.pipeline_mode<synchronous>, transform_indices = @transform_1, window_bounds = array<i64: 1024, 3072>}, {pipeline_mode = #tpu.pipeline_mode<synchronous>, transform_indices = @transform_2, window_bounds = array<i64: 1, 3072>}, {transform_indices = @transform_3, window_bounds = array<i64: 1, 608, 3072>}]} {
    %get3A = arith.constant 0 : index
    %get3A_0 = arith.constant 0 : index
    %get3A_1 = arith.constant 0 : index
    %get3A_2 = vector.load %arg1[%get3A, %get3A_0, %get3A_1] : memref<1x608x1024xf32, #tpu.memory_space<vmem>>, vector<1x608x1024xf32>
    %get3A_3 = vector.shape_cast %get3A_2 : vector<1x608x1024xf32> to vector<608x1024xf32>
    %get3A_4 = arith.constant 0 : index
    %get3A_5 = arith.constant 0 : index
    %get3A_6 = vector.load %arg2[%get3A_4, %get3A_5] : memref<1024x3072xf32, #tpu.memory_space<vmem>>, vector<1024x3072xf32>
    %dot_general3A = arith.constant dense<0.000000e+00> : vector<608x3072xf32>
    %dot_general3A_7 = tpu.matmul %get3A_3, %get3A_6, %dot_general3A {dimension_numbers = #tpu.dot_dimension_numbers<[1], [0], [0], [1], [0, 0, 1, 1], [], []>, transpose_lhs_hint = false} : vector<608x1024xf32>, vector<1024x3072xf32>, vector<608x3072xf32> -> vector<608x3072xf32>
    %get3A_8 = arith.constant 0 : index
    %get3A_9 = arith.constant 0 : index
    %get3A_10 = vector.load %arg3[%get3A_8, %get3A_9] : memref<1x3072xf32, #tpu.memory_space<vmem>>, vector<1x3072xf32>
    %add3A = vector.broadcast %get3A_10 : vector<1x3072xf32> to vector<608x3072xf32>
    %add3A_11 = arith.addf %dot_general3A_7, %add3A : vector<608x3072xf32>
    %swap3A = arith.constant 0 : index
    %swap3A_12 = arith.constant 0 : index
    %swap3A_13 = arith.constant 0 : index
    %swap3A_14 = vector.load %arg4[%swap3A, %swap3A_12, %swap3A_13] : memref<1x608x3072xf32, #tpu.memory_space<vmem>>, vector<1x608x3072xf32>
    %swap3A_15 = vector.shape_cast %swap3A_14 : vector<1x608x3072xf32> to vector<608x3072xf32>
    %swap3A_16 = vector.shape_cast %add3A_11 : vector<608x3072xf32> to vector<1x608x3072xf32>
    tpu.vector_store %arg4[%swap3A, %swap3A_12, %swap3A_13], %swap3A_16 {strides = array<i32>} : memref<1x608x3072xf32, #tpu.memory_space<vmem>>, vector<1x608x3072xf32>,
    return
  }
  func.func @transform_0(%arg0: i32) -> (i32, i32, i32) {
    %c0_i32 = arith.constant 0 : i32
    %c0_i32_0 = arith.constant 0 : i32
    %c0_i32_1 = arith.constant 0 : i32
    return %arg0, %c0_i32, %c0_i32_0 : i32, i32, i32
  }
  func.func @transform_1(%arg0: i32) -> (i32, i32) {
    %c0_i32 = arith.constant 0 : i32
    %c0_i32_0 = arith.constant 0 : i32
    %c0_i32_1 = arith.constant 0 : i32
    return %c0_i32, %c0_i32_0 : i32, i32
  }
  func.func @transform_2(%arg0: i32) -> (i32, i32) {
    %c0_i32 = arith.constant 0 : i32
    %c0_i32_0 = arith.constant 0 : i32
    %c0_i32_1 = arith.constant 0 : i32
    return %c0_i32, %c0_i32_0 : i32, i32
  }
  func.func @transform_3(%arg0: i32) -> (i32, i32, i32) {
    %c0_i32 = arith.constant 0 : i32
    %c0_i32_0 = arith.constant 0 : i32
    %c0_i32_1 = arith.constant 0 : i32
    return %arg0, %c0_i32, %c0_i32_0 : i32, i32, i32
  }
}

module attributes {stable_mosaic.version = 14 : i64} {
  func.func @_attn_sc_body(%arg0: i32, %arg1: i32, %arg2: memref<1x608x128xf32, #tpu.memory_space<vmem>>, %arg3: memref<1x608x128xf32, #tpu.memory_space<vmem>>, %arg4: memref<1x2x608x608xf32, #tpu.memory_space<vmem>>) attributes {dimension_semantics = [#tpu.dimension_semantics<arbitrary>, #tpu.dimension_semantics<arbitrary>], iteration_bounds = array<i64: 4, 8>, scalar_prefetch = 0 : i64, scratch_operands = 0 : i64, tpu.core_type = #tpu.core_type<tc>, window_params = [{transform_indices = @transform_0, window_bounds = array<i64: 1, 608, 128>}, {transform_indices = @transform_1, window_bounds = array<i64: 1, 608, 128>}, {transform_indices = @transform_2, window_bounds = array<i64: 1, 2, 608, 608>}]} {
    %iota3A = tpu.iota {dimensions = array<i32: 0>} : vector<608x608xi32>
    %iota3A_0 = tpu.iota {dimensions = array<i32: 1>} : vector<608x608xi32>
    %le3A = arith.cmpi sle, %iota3A_0, %iota3A : vector<608x608xi32>
    %get3A = arith.constant 0 : index
    %get3A_1 = arith.constant 0 : index
    %get3A_2 = arith.constant 0 : index
    %get3A_3 = vector.load %arg2[%get3A, %get3A_1, %get3A_2] : memref<1x608x128xf32, #tpu.memory_space<vmem>>, vector<1x608x128xf32>
    %get3A_4 = vector.shape_cast %get3A_3 : vector<1x608x128xf32> to vector<608x128xf32>
    %slice3A = vector.extract_strided_slice %get3A_4 {offsets = [0, 0], sizes = [608, 64], strides = [1, 1]} : vector<608x128xf32> to vector<608x64xf32>
    %get3A_5 = arith.constant 0 : index
    %get3A_6 = arith.constant 0 : index
    %get3A_7 = arith.constant 0 : index
    %get3A_8 = vector.load %arg3[%get3A_5, %get3A_6, %get3A_7] : memref<1x608x128xf32, #tpu.memory_space<vmem>>, vector<1x608x128xf32>
    %get3A_9 = vector.shape_cast %get3A_8 : vector<1x608x128xf32> to vector<608x128xf32>
    %slice3A_10 = vector.extract_strided_slice %get3A_9 {offsets = [0, 0], sizes = [608, 64], strides = [1, 1]} : vector<608x128xf32> to vector<608x64xf32>
    %dot_general3A = arith.constant dense<0.000000e+00> : vector<608x608xf32>
    %dot_general3A_11 = tpu.matmul %slice3A, %slice3A_10, %dot_general3A {dimension_numbers = #tpu.dot_dimension_numbers<[1], [1], [0], [0], [0, 0, 1, 0], [], []>, transpose_lhs_hint = false} : vector<608x64xf32>, vector<608x64xf32>, vector<608x608xf32> -> vector<608x608xf32>
    %div3A = arith.constant 8.000000e+00 : f32
    %div3A_12 = vector.broadcast %div3A : f32 to vector<608x608xf32>
    %div3A_13 = arith.divf %dot_general3A_11, %div3A_12 : vector<608x608xf32>
    %jit3A = arith.constant -1.000000e+09 : f32
    %broadcast_in_dim3A = vector.broadcast %jit3A : f32 to vector<608x608xf32>
    %select_n3A = arith.select %le3A, %div3A_13, %broadcast_in_dim3A : vector<608x608xi1>, vector<608x608xf32>
    %swap3A = arith.constant 0 : index
    %swap3A_14 = arith.constant 0 : index
    %swap3A_15 = arith.constant 0 : index
    %swap3A_16 = arith.constant 0 : index
    %swap3A_17 = vector.load %arg4[%swap3A, %swap3A_14, %swap3A_15, %swap3A_16] : memref<1x2x608x608xf32, #tpu.memory_space<vmem>>, vector<1x1x608x608xf32>
    %swap3A_18 = vector.shape_cast %swap3A_17 : vector<1x1x608x608xf32> to vector<608x608xf32>
    %swap3A_19 = vector.shape_cast %select_n3A : vector<608x608xf32> to vector<1x1x608x608xf32>
    tpu.vector_store %arg4[%swap3A, %swap3A_14, %swap3A_15, %swap3A_16], %swap3A_19 {strides = array<i32>} : memref<1x2x608x608xf32, #tpu.memory_space<vmem>>, vector<1x1x608x608xf32>,
    %get3A_20 = arith.constant 0 : index
    %get3A_21 = arith.constant 0 : index
    %get3A_22 = arith.constant 0 : index
    %get3A_23 = vector.load %arg2[%get3A_20, %get3A_21, %get3A_22] : memref<1x608x128xf32, #tpu.memory_space<vmem>>, vector<1x608x128xf32>
    %get3A_24 = vector.shape_cast %get3A_23 : vector<1x608x128xf32> to vector<608x128xf32>
    %slice3A_25 = vector.extract_strided_slice %get3A_24 {offsets = [0, 64], sizes = [608, 64], strides = [1, 1]} : vector<608x128xf32> to vector<608x64xf32>
    %get3A_26 = arith.constant 0 : index
    %get3A_27 = arith.constant 0 : index
    %get3A_28 = arith.constant 0 : index
    %get3A_29 = vector.load %arg3[%get3A_26, %get3A_27, %get3A_28] : memref<1x608x128xf32, #tpu.memory_space<vmem>>, vector<1x608x128xf32>
    %get3A_30 = vector.shape_cast %get3A_29 : vector<1x608x128xf32> to vector<608x128xf32>
    %slice3A_31 = vector.extract_strided_slice %get3A_30 {offsets = [0, 64], sizes = [608, 64], strides = [1, 1]} : vector<608x128xf32> to vector<608x64xf32>
    %dot_general3A_32 = arith.constant dense<0.000000e+00> : vector<608x608xf32>
    %dot_general3A_33 = tpu.matmul %slice3A_25, %slice3A_31, %dot_general3A_32 {dimension_numbers = #tpu.dot_dimension_numbers<[1], [1], [0], [0], [0, 0, 1, 0], [], []>, transpose_lhs_hint = false} : vector<608x64xf32>, vector<608x64xf32>, vector<608x608xf32> -> vector<608x608xf32>
    %div3A_34 = arith.constant 8.000000e+00 : f32
    %div3A_35 = vector.broadcast %div3A_34 : f32 to vector<608x608xf32>
    %div3A_36 = arith.divf %dot_general3A_33, %div3A_35 : vector<608x608xf32>
    %jit3A_37 = arith.constant -1.000000e+09 : f32
    %broadcast_in_dim3A_38 = vector.broadcast %jit3A_37 : f32 to vector<608x608xf32>
    %select_n3A_39 = arith.select %le3A, %div3A_36, %broadcast_in_dim3A_38 : vector<608x608xi1>, vector<608x608xf32>
    %swap3A_40 = arith.constant 0 : index
    %swap3A_41 = arith.constant 1 : index
    %swap3A_42 = arith.constant 0 : index
    %swap3A_43 = arith.constant 0 : index
    %swap3A_44 = vector.load %arg4[%swap3A_40, %swap3A_41, %swap3A_42, %swap3A_43] : memref<1x2x608x608xf32, #tpu.memory_space<vmem>>, vector<1x1x608x608xf32>
    %swap3A_45 = vector.shape_cast %swap3A_44 : vector<1x1x608x608xf32> to vector<608x608xf32>
    %swap3A_46 = vector.shape_cast %select_n3A_39 : vector<608x608xf32> to vector<1x1x608x608xf32>
    tpu.vector_store %arg4[%swap3A_40, %swap3A_41, %swap3A_42, %swap3A_43], %swap3A_46 {strides = array<i32>} : memref<1x2x608x608xf32, #tpu.memory_space<vmem>>, vector<1x1x608x608xf32>,
    return
  }
  func.func @transform_0(%arg0: i32, %arg1: i32) -> (i32, i32, i32) {
    %c0_i32 = arith.constant 0 : i32
    %c0_i32_0 = arith.constant 0 : i32
    return %arg0, %c0_i32, %arg1 : i32, i32, i32
  }
  func.func @transform_1(%arg0: i32, %arg1: i32) -> (i32, i32, i32) {
    %add3A = arith.constant 8 : i32
    %add3A_0 = arith.addi %add3A, %arg1 : i32
    %c0_i32 = arith.constant 0 : i32
    %c0_i32_1 = arith.constant 0 : i32
    return %arg0, %c0_i32, %add3A_0 : i32, i32, i32
  }
  func.func @transform_2(%arg0: i32, %arg1: i32) -> (i32, i32, i32, i32) {
    %c0_i32 = arith.constant 0 : i32
    %c0_i32_0 = arith.constant 0 : i32
    %c0_i32_1 = arith.constant 0 : i32
    return %arg0, %arg1, %c0_i32, %c0_i32_0 : i32, i32, i32, i32
  }
}

module attributes {stable_mosaic.version = 14 : i64} {
  func.func @_attn_av_body(%arg0: i32, %arg1: i32, %arg2: memref<1x2x608x608xf32, #tpu.memory_space<vmem>>, %arg3: memref<1x608x128xf32, #tpu.memory_space<vmem>>, %arg4: memref<1x2x608x64xf32, #tpu.memory_space<vmem>>) attributes {dimension_semantics = [#tpu.dimension_semantics<arbitrary>, #tpu.dimension_semantics<arbitrary>], iteration_bounds = array<i64: 4, 8>, scalar_prefetch = 0 : i64, scratch_operands = 0 : i64, tpu.core_type = #tpu.core_type<tc>, window_params = [{transform_indices = @transform_0, window_bounds = array<i64: 1, 2, 608, 608>}, {transform_indices = @transform_1, window_bounds = array<i64: 1, 608, 128>}, {transform_indices = @transform_2, window_bounds = array<i64: 1, 2, 608, 64>}]} {
    %get3A = arith.constant 0 : index
    %get3A_0 = arith.constant 0 : index
    %get3A_1 = arith.constant 0 : index
    %get3A_2 = vector.load %arg3[%get3A, %get3A_0, %get3A_1] : memref<1x608x128xf32, #tpu.memory_space<vmem>>, vector<1x608x128xf32>
    %get3A_3 = vector.shape_cast %get3A_2 : vector<1x608x128xf32> to vector<608x128xf32>
    %slice3A = vector.extract_strided_slice %get3A_3 {offsets = [0, 0], sizes = [608, 64], strides = [1, 1]} : vector<608x128xf32> to vector<608x64xf32>
    %get3A_4 = arith.constant 0 : index
    %get3A_5 = arith.constant 0 : index
    %get3A_6 = arith.constant 0 : index
    %get3A_7 = arith.constant 0 : index
    %get3A_8 = vector.load %arg2[%get3A_4, %get3A_5, %get3A_6, %get3A_7] : memref<1x2x608x608xf32, #tpu.memory_space<vmem>>, vector<1x1x608x608xf32>
    %get3A_9 = vector.shape_cast %get3A_8 : vector<1x1x608x608xf32> to vector<608x608xf32>
    %dot_general3A = arith.constant dense<0.000000e+00> : vector<608x64xf32>
    %dot_general3A_10 = tpu.matmul %get3A_9, %slice3A, %dot_general3A {dimension_numbers = #tpu.dot_dimension_numbers<[1], [0], [0], [1], [0, 0, 1, 1], [], []>, transpose_lhs_hint = false} : vector<608x608xf32>, vector<608x64xf32>, vector<608x64xf32> -> vector<608x64xf32>
    %swap3A = arith.constant 0 : index
    %swap3A_11 = arith.constant 0 : index
    %swap3A_12 = arith.constant 0 : index
    %swap3A_13 = arith.constant 0 : index
    %swap3A_14 = vector.load %arg4[%swap3A, %swap3A_11, %swap3A_12, %swap3A_13] : memref<1x2x608x64xf32, #tpu.memory_space<vmem>>, vector<1x1x608x64xf32>
    %swap3A_15 = vector.shape_cast %swap3A_14 : vector<1x1x608x64xf32> to vector<608x64xf32>
    %swap3A_16 = vector.shape_cast %dot_general3A_10 : vector<608x64xf32> to vector<1x1x608x64xf32>
    tpu.vector_store %arg4[%swap3A, %swap3A_11, %swap3A_12, %swap3A_13], %swap3A_16 {strides = array<i32>} : memref<1x2x608x64xf32, #tpu.memory_space<vmem>>, vector<1x1x608x64xf32>,
    %get3A_17 = arith.constant 0 : index
    %get3A_18 = arith.constant 0 : index
    %get3A_19 = arith.constant 0 : index
    %get3A_20 = vector.load %arg3[%get3A_17, %get3A_18, %get3A_19] : memref<1x608x128xf32, #tpu.memory_space<vmem>>, vector<1x608x128xf32>
    %get3A_21 = vector.shape_cast %get3A_20 : vector<1x608x128xf32> to vector<608x128xf32>
    %slice3A_22 = vector.extract_strided_slice %get3A_21 {offsets = [0, 64], sizes = [608, 64], strides = [1, 1]} : vector<608x128xf32> to vector<608x64xf32>
    %get3A_23 = arith.constant 0 : index
    %get3A_24 = arith.constant 1 : index
    %get3A_25 = arith.constant 0 : index
    %get3A_26 = arith.constant 0 : index
    %get3A_27 = vector.load %arg2[%get3A_23, %get3A_24, %get3A_25, %get3A_26] : memref<1x2x608x608xf32, #tpu.memory_space<vmem>>, vector<1x1x608x608xf32>
    %get3A_28 = vector.shape_cast %get3A_27 : vector<1x1x608x608xf32> to vector<608x608xf32>
    %dot_general3A_29 = arith.constant dense<0.000000e+00> : vector<608x64xf32>
    %dot_general3A_30 = tpu.matmul %get3A_28, %slice3A_22, %dot_general3A_29 {dimension_numbers = #tpu.dot_dimension_numbers<[1], [0], [0], [1], [0, 0, 1, 1], [], []>, transpose_lhs_hint = false} : vector<608x608xf32>, vector<608x64xf32>, vector<608x64xf32> -> vector<608x64xf32>
    %swap3A_31 = arith.constant 0 : index
    %swap3A_32 = arith.constant 1 : index
    %swap3A_33 = arith.constant 0 : index
    %swap3A_34 = arith.constant 0 : index
    %swap3A_35 = vector.load %arg4[%swap3A_31, %swap3A_32, %swap3A_33, %swap3A_34] : memref<1x2x608x64xf32, #tpu.memory_space<vmem>>, vector<1x1x608x64xf32>
    %swap3A_36 = vector.shape_cast %swap3A_35 : vector<1x1x608x64xf32> to vector<608x64xf32>
    %swap3A_37 = vector.shape_cast %dot_general3A_30 : vector<608x64xf32> to vector<1x1x608x64xf32>
    tpu.vector_store %arg4[%swap3A_31, %swap3A_32, %swap3A_33, %swap3A_34], %swap3A_37 {strides = array<i32>} : memref<1x2x608x64xf32, #tpu.memory_space<vmem>>, vector<1x1x608x64xf32>,
    return
  }
  func.func @transform_0(%arg0: i32, %arg1: i32) -> (i32, i32, i32, i32) {
    %c0_i32 = arith.constant 0 : i32
    %c0_i32_0 = arith.constant 0 : i32
    %c0_i32_1 = arith.constant 0 : i32
    return %arg0, %arg1, %c0_i32, %c0_i32_0 : i32, i32, i32, i32
  }
  func.func @transform_1(%arg0: i32, %arg1: i32) -> (i32, i32, i32) {
    %add3A = arith.constant 16 : i32
    %add3A_0 = arith.addi %add3A, %arg1 : i32
    %c0_i32 = arith.constant 0 : i32
    %c0_i32_1 = arith.constant 0 : i32
    return %arg0, %c0_i32, %add3A_0 : i32, i32, i32
  }
  func.func @transform_2(%arg0: i32, %arg1: i32) -> (i32, i32, i32, i32) {
    %c0_i32 = arith.constant 0 : i32
    %c0_i32_0 = arith.constant 0 : i32
    %c0_i32_1 = arith.constant 0 : i32
    return %arg0, %arg1, %c0_i32, %c0_i32_0 : i32, i32, i32, i32
  }
}

module attributes {stable_mosaic.version = 14 : i64} {
  func.func @_attn_pr_body(%arg0: i32, %arg1: memref<1x608x1024xf32, #tpu.memory_space<vmem>>, %arg2: memref<1x608x1024xf32, #tpu.memory_space<vmem>>, %arg3: memref<1024x1024xf32, #tpu.memory_space<vmem>>, %arg4: memref<1x1024xf32, #tpu.memory_space<vmem>>, %arg5: memref<1x608x1024xf32, #tpu.memory_space<vmem>>) attributes {dimension_semantics = [#tpu.dimension_semantics<arbitrary>], iteration_bounds = array<i64: 4>, scalar_prefetch = 0 : i64, scratch_operands = 0 : i64, tpu.core_type = #tpu.core_type<tc>, window_params = [{transform_indices = @transform_0, window_bounds = array<i64: 1, 608, 1024>}, {transform_indices = @transform_1, window_bounds = array<i64: 1, 608, 1024>}, {pipeline_mode = #tpu.pipeline_mode<synchronous>, transform_indices = @transform_2, window_bounds = array<i64: 1024, 1024>}, {pipeline_mode = #tpu.pipeline_mode<synchronous>, transform_indices = @transform_3, window_bounds = array<i64: 1, 1024>}, {transform_indices = @transform_4, window_bounds = array<i64: 1, 608, 1024>}]} {
    %get3A = arith.constant 0 : index
    %get3A_0 = arith.constant 0 : index
    %get3A_1 = arith.constant 0 : index
    %get3A_2 = vector.load %arg1[%get3A, %get3A_0, %get3A_1] : memref<1x608x1024xf32, #tpu.memory_space<vmem>>, vector<1x608x1024xf32>
    %get3A_3 = vector.shape_cast %get3A_2 : vector<1x608x1024xf32> to vector<608x1024xf32>
    %get3A_4 = arith.constant 0 : index
    %get3A_5 = arith.constant 0 : index
    %get3A_6 = arith.constant 0 : index
    %get3A_7 = vector.load %arg2[%get3A_4, %get3A_5, %get3A_6] : memref<1x608x1024xf32, #tpu.memory_space<vmem>>, vector<1x608x1024xf32>
    %get3A_8 = vector.shape_cast %get3A_7 : vector<1x608x1024xf32> to vector<608x1024xf32>
    %get3A_9 = arith.constant 0 : index
    %get3A_10 = arith.constant 0 : index
    %get3A_11 = vector.load %arg3[%get3A_9, %get3A_10] : memref<1024x1024xf32, #tpu.memory_space<vmem>>, vector<1024x1024xf32>
    %dot_general3A = arith.constant dense<0.000000e+00> : vector<608x1024xf32>
    %dot_general3A_12 = tpu.matmul %get3A_8, %get3A_11, %dot_general3A {dimension_numbers = #tpu.dot_dimension_numbers<[1], [0], [0], [1], [0, 0, 1, 1], [], []>, transpose_lhs_hint = false} : vector<608x1024xf32>, vector<1024x1024xf32>, vector<608x1024xf32> -> vector<608x1024xf32>
    %add3A = arith.addf %get3A_3, %dot_general3A_12 : vector<608x1024xf32>
    %get3A_13 = arith.constant 0 : index
    %get3A_14 = arith.constant 0 : index
    %get3A_15 = vector.load %arg4[%get3A_13, %get3A_14] : memref<1x1024xf32, #tpu.memory_space<vmem>>, vector<1x1024xf32>
    %add3A_16 = vector.broadcast %get3A_15 : vector<1x1024xf32> to vector<608x1024xf32>
    %add3A_17 = arith.addf %add3A, %add3A_16 : vector<608x1024xf32>
    %swap3A = arith.constant 0 : index
    %swap3A_18 = arith.constant 0 : index
    %swap3A_19 = arith.constant 0 : index
    %swap3A_20 = vector.load %arg5[%swap3A, %swap3A_18, %swap3A_19] : memref<1x608x1024xf32, #tpu.memory_space<vmem>>, vector<1x608x1024xf32>
    %swap3A_21 = vector.shape_cast %swap3A_20 : vector<1x608x1024xf32> to vector<608x1024xf32>
    %swap3A_22 = vector.shape_cast %add3A_17 : vector<608x1024xf32> to vector<1x608x1024xf32>
    tpu.vector_store %arg5[%swap3A, %swap3A_18, %swap3A_19], %swap3A_22 {strides = array<i32>} : memref<1x608x1024xf32, #tpu.memory_space<vmem>>, vector<1x608x1024xf32>,
    return
  }
  func.func @transform_0(%arg0: i32) -> (i32, i32, i32) {
    %c0_i32 = arith.constant 0 : i32
    %c0_i32_0 = arith.constant 0 : i32
    %c0_i32_1 = arith.constant 0 : i32
    return %arg0, %c0_i32, %c0_i32_0 : i32, i32, i32
  }
  func.func @transform_1(%arg0: i32) -> (i32, i32, i32) {
    %c0_i32 = arith.constant 0 : i32
    %c0_i32_0 = arith.constant 0 : i32
    %c0_i32_1 = arith.constant 0 : i32
    return %arg0, %c0_i32, %c0_i32_0 : i32, i32, i32
  }
  func.func @transform_2(%arg0: i32) -> (i32, i32) {
    %c0_i32 = arith.constant 0 : i32
    %c0_i32_0 = arith.constant 0 : i32
    %c0_i32_1 = arith.constant 0 : i32
    return %c0_i32, %c0_i32_0 : i32, i32
  }
  func.func @transform_3(%arg0: i32) -> (i32, i32) {
    %c0_i32 = arith.constant 0 : i32
    %c0_i32_0 = arith.constant 0 : i32
    %c0_i32_1 = arith.constant 0 : i32
    return %c0_i32, %c0_i32_0 : i32, i32
  }
  func.func @transform_4(%arg0: i32) -> (i32, i32, i32) {
    %c0_i32 = arith.constant 0 : i32
    %c0_i32_0 = arith.constant 0 : i32
    %c0_i32_1 = arith.constant 0 : i32
    return %arg0, %c0_i32, %c0_i32_0 : i32, i32, i32
  }
}

module attributes {stable_mosaic.version = 14 : i64} {
  func.func @_logits_body(%arg0: memref<2432x1024xf32, #tpu.memory_space<vmem>>, %arg1: memref<1024x128xf32, #tpu.memory_space<vmem>>, %arg2: memref<2432x128xf32, #tpu.memory_space<vmem>>) attributes {dimension_semantics = [], scalar_prefetch = 0 : i64, scratch_operands = 0 : i64, tpu.core_type = #tpu.core_type<tc>} {
    %get3A = arith.constant 0 : index
    %get3A_0 = arith.constant 0 : index
    %get3A_1 = vector.load %arg0[%get3A, %get3A_0] : memref<2432x1024xf32, #tpu.memory_space<vmem>>, vector<2432x1024xf32>
    %get3A_2 = arith.constant 0 : index
    %get3A_3 = arith.constant 0 : index
    %get3A_4 = vector.load %arg1[%get3A_2, %get3A_3] : memref<1024x128xf32, #tpu.memory_space<vmem>>, vector<1024x128xf32>
    %dot_general3A = arith.constant dense<0.000000e+00> : vector<2432x128xf32>
    %dot_general3A_5 = tpu.matmul %get3A_1, %get3A_4, %dot_general3A {dimension_numbers = #tpu.dot_dimension_numbers<[1], [0], [0], [1], [0, 0, 1, 1], [], []>, transpose_lhs_hint = false} : vector<2432x1024xf32>, vector<1024x128xf32>, vector<2432x128xf32> -> vector<2432x128xf32>
    %swap3A = arith.constant 0 : index
    %swap3A_6 = arith.constant 0 : index
    %swap3A_7 = vector.load %arg2[%swap3A, %swap3A_6] : memref<2432x128xf32, #tpu.memory_space<vmem>>, vector<2432x128xf32>
    tpu.vector_store %arg2[%swap3A, %swap3A_6], %dot_general3A_5 {strides = array<i32>} : memref<2432x128xf32, #tpu.memory_space<vmem>>, vector<2432x128xf32>,
    return
  }
}

module attributes {stable_mosaic.version = 14 : i64} {
  func.func @_router_b_body(%arg0: memref<2432x1xi32, #tpu.memory_space<vmem>>, %arg1: memref<2432x1xi32, #tpu.memory_space<vmem>>, %arg2: memref<2432x1xi32, #tpu.memory_space<vmem>>, %arg3: memref<2432x1xi32, #tpu.memory_space<vmem>>, %arg4: memref<32x1xi32, #tpu.memory_space<vmem>>) attributes {dimension_semantics = [], scalar_prefetch = 0 : i64, scratch_operands = 0 : i64, tpu.core_type = #tpu.core_type<tc>} {
    %iota3A = tpu.iota {dimensions = array<i32: 1>} : vector<2432x128xi32>
    %iota3A_0 = tpu.iota {dimensions = array<i32: 0>} : vector<2432x128xi32>
    %jit3A = arith.constant 608 : i32
    %eq3A = arith.constant 0 : i32
    %eq3A_1 = arith.cmpi eq, %jit3A, %eq3A : i32
    %jit3A_2 = arith.constant 1 : i32
    %select_n3A = arith.select %eq3A_1, %jit3A_2, %jit3A : i32
    %rem3A = vector.broadcast %select_n3A : i32 to vector<2432x128xi32>
    %rem3A_3 = arith.remsi %iota3A_0, %rem3A : vector<2432x128xi32>
    %ne3A = arith.constant 0 : i32
    %ne3A_4 = vector.broadcast %ne3A : i32 to vector<2432x128xi32>
    %ne3A_5 = arith.cmpi ne, %rem3A_3, %ne3A_4 : vector<2432x128xi32>
    %lt3A = arith.constant 0 : i32
    %lt3A_6 = vector.broadcast %lt3A : i32 to vector<2432x128xi32>
    %lt3A_7 = arith.cmpi slt, %rem3A_3, %lt3A_6 : vector<2432x128xi32>
    %lt3A_8 = arith.constant 0 : i32
    %lt3A_9 = arith.cmpi slt, %select_n3A, %lt3A_8 : i32
    %ne3A_10 = vector.broadcast %lt3A_9 : i1 to vector<2432x128xi1>
    %ne3A_11 = vector.broadcast %ne3A_10 : vector<2432x128xi1> to vector<2432x128xi1>
    %ne3A_12 = arith.xori %lt3A_7, %ne3A_11 : vector<2432x128xi1>
    %and3A = arith.andi %ne3A_12, %ne3A_5 : vector<2432x128xi1>
    %add3A = vector.broadcast %select_n3A : i32 to vector<2432x128xi32>
    %add3A_13 = arith.addi %rem3A_3, %add3A : vector<2432x128xi32>
    %select_n3A_14 = arith.select %and3A, %add3A_13, %rem3A_3 : vector<2432x128xi1>, vector<2432x128xi32>
    %lt3A_15 = arith.constant 601 : i32
    %lt3A_16 = vector.broadcast %lt3A_15 : i32 to vector<2432x128xi32>
    %lt3A_17 = arith.cmpi slt, %select_n3A_14, %lt3A_16 : vector<2432x128xi32>
    %convert_element_type3A = arith.extui %lt3A_17 : vector<2432x128xi1> to vector<2432x128xi32>
    %convert_element_type3A_18 = arith.sitofp %convert_element_type3A : vector<2432x128xi32> to vector<2432x128xf32>
    %slice3A = vector.extract_strided_slice %convert_element_type3A_18 {offsets = [0, 0], sizes = [2432, 1], strides = [1, 1]} : vector<2432x128xf32> to vector<2432x1xf32>
    %get3A = arith.constant 0 : index
    %get3A_19 = arith.constant 0 : index
    %get3A_20 = vector.load %arg0[%get3A, %get3A_19] : memref<2432x1xi32, #tpu.memory_space<vmem>>, vector<2432x1xi32>
    %eq3A_21 = vector.broadcast %get3A_20 : vector<2432x1xi32> to vector<2432x128xi32>
    %eq3A_22 = arith.cmpi eq, %iota3A, %eq3A_21 : vector<2432x128xi32>
    %lt3A_23 = arith.constant 8 : i32
    %lt3A_24 = vector.broadcast %lt3A_23 : i32 to vector<2432x128xi32>
    %lt3A_25 = arith.cmpi slt, %iota3A, %lt3A_24 : vector<2432x128xi32>
    %and3A_26 = arith.andi %eq3A_22, %lt3A_25 : vector<2432x128xi1>
    %convert_element_type3A_27 = arith.extui %and3A_26 : vector<2432x128xi1> to vector<2432x128xi32>
    %convert_element_type3A_28 = arith.sitofp %convert_element_type3A_27 : vector<2432x128xi32> to vector<2432x128xf32>
    %mul3A = arith.mulf %convert_element_type3A_28, %convert_element_type3A_18 : vector<2432x128xf32>
    %get3A_29 = arith.constant 0 : index
    %get3A_30 = arith.constant 0 : index
    %get3A_31 = vector.load %arg1[%get3A_29, %get3A_30] : memref<2432x1xi32, #tpu.memory_space<vmem>>, vector<2432x1xi32>
    %eq3A_32 = vector.broadcast %get3A_31 : vector<2432x1xi32> to vector<2432x128xi32>
    %eq3A_33 = arith.cmpi eq, %iota3A, %eq3A_32 : vector<2432x128xi32>
    %lt3A_34 = arith.constant 8 : i32
    %lt3A_35 = vector.broadcast %lt3A_34 : i32 to vector<2432x128xi32>
    %lt3A_36 = arith.cmpi slt, %iota3A, %lt3A_35 : vector<2432x128xi32>
    %and3A_37 = arith.andi %eq3A_33, %lt3A_36 : vector<2432x128xi1>
    %convert_element_type3A_38 = arith.extui %and3A_37 : vector<2432x128xi1> to vector<2432x128xi32>
    %convert_element_type3A_39 = arith.sitofp %convert_element_type3A_38 : vector<2432x128xi32> to vector<2432x128xf32>
    %mul3A_40 = arith.mulf %convert_element_type3A_39, %convert_element_type3A_18 : vector<2432x128xf32>
    %iota3A_41 = tpu.iota {dimensions = array<i32: 0>} : vector<128x128xi32>
    %iota3A_42 = tpu.iota {dimensions = array<i32: 1>} : vector<128x128xi32>
    %lt3A_43 = arith.cmpi slt, %iota3A_42, %iota3A_41 : vector<128x128xi32>
    %convert_element_type3A_44 = arith.extui %lt3A_43 : vector<128x128xi1> to vector<128x128xi32>
    %convert_element_type3A_45 = arith.sitofp %convert_element_type3A_44 : vector<128x128xi32> to vector<128x128xf32>
    %broadcast_in_dim3A = arith.constant 0.000000e+00 : f32
    %broadcast_in_dim3A_46 = vector.broadcast %broadcast_in_dim3A : f32 to vector<1x128xf32>
    %slice3A_47 = vector.extract_strided_slice %mul3A {offsets = [0, 0], sizes = [128, 128], strides = [1, 1]} : vector<2432x128xf32> to vector<128x128xf32>
    %dot_general3A = arith.constant dense<0.000000e+00> : vector<128x128xf32>
    %dot_general3A_48 = tpu.matmul %convert_element_type3A_45, %slice3A_47, %dot_general3A {dimension_numbers = #tpu.dot_dimension_numbers<[1], [0], [0], [1], [0, 0, 1, 1], [], []>, transpose_lhs_hint = false} : vector<128x128xf32>, vector<128x128xf32>, vector<128x128xf32> -> vector<128x128xf32>
    %add3A_49 = vector.broadcast %broadcast_in_dim3A_46 : vector<1x128xf32> to vector<128x128xf32>
    %add3A_50 = arith.addf %dot_general3A_48, %add3A_49 : vector<128x128xf32>
    %reduce_sum3A = arith.constant dense<0.000000e+00> : vector<128xf32>
    %reduce_sum3A_51 = vector.multi_reduction <add>, %slice3A_47, %reduce_sum3A [0] : vector<128x128xf32> to vector<128xf32>
    %broadcast_in_dim3A_52 = vector.shape_cast %reduce_sum3A_51 : vector<128xf32> to vector<1x128xf32>
    %add3A_53 = arith.addf %broadcast_in_dim3A_46, %broadcast_in_dim3A_52 : vector<1x128xf32>
    %slice3A_54 = vector.extract_strided_slice %mul3A {offsets = [128, 0], sizes = [128, 128], strides = [1, 1]} : vector<2432x128xf32> to vector<128x128xf32>
    %dot_general3A_55 = arith.constant dense<0.000000e+00> : vector<128x128xf32>
    %dot_general3A_56 = tpu.matmul %convert_element_type3A_45, %slice3A_54, %dot_general3A_55 {dimension_numbers = #tpu.dot_dimension_numbers<[1], [0], [0], [1], [0, 0, 1, 1], [], []>, transpose_lhs_hint = false} : vector<128x128xf32>, vector<128x128xf32>, vector<128x128xf32> -> vector<128x128xf32>
    %add3A_57 = vector.broadcast %add3A_53 : vector<1x128xf32> to vector<128x128xf32>
    %add3A_58 = arith.addf %dot_general3A_56, %add3A_57 : vector<128x128xf32>
    %reduce_sum3A_59 = arith.constant dense<0.000000e+00> : vector<128xf32>
    %reduce_sum3A_60 = vector.multi_reduction <add>, %slice3A_54, %reduce_sum3A_59 [0] : vector<128x128xf32> to vector<128xf32>
    %broadcast_in_dim3A_61 = vector.shape_cast %reduce_sum3A_60 : vector<128xf32> to vector<1x128xf32>
    %add3A_62 = arith.addf %add3A_53, %broadcast_in_dim3A_61 : vector<1x128xf32>
    %slice3A_63 = vector.extract_strided_slice %mul3A {offsets = [256, 0], sizes = [128, 128], strides = [1, 1]} : vector<2432x128xf32> to vector<128x128xf32>
    %dot_general3A_64 = arith.constant dense<0.000000e+00> : vector<128x128xf32>
    %dot_general3A_65 = tpu.matmul %convert_element_type3A_45, %slice3A_63, %dot_general3A_64 {dimension_numbers = #tpu.dot_dimension_numbers<[1], [0], [0], [1], [0, 0, 1, 1], [], []>, transpose_lhs_hint = false} : vector<128x128xf32>, vector<128x128xf32>, vector<128x128xf32> -> vector<128x128xf32>
    %add3A_66 = vector.broadcast %add3A_62 : vector<1x128xf32> to vector<128x128xf32>
    %add3A_67 = arith.addf %dot_general3A_65, %add3A_66 : vector<128x128xf32>
    %reduce_sum3A_68 = arith.constant dense<0.000000e+00> : vector<128xf32>
    %reduce_sum3A_69 = vector.multi_reduction <add>, %slice3A_63, %reduce_sum3A_68 [0] : vector<128x128xf32> to vector<128xf32>
    %broadcast_in_dim3A_70 = vector.shape_cast %reduce_sum3A_69 : vector<128xf32> to vector<1x128xf32>
    %add3A_71 = arith.addf %add3A_62, %broadcast_in_dim3A_70 : vector<1x128xf32>
    %slice3A_72 = vector.extract_strided_slice %mul3A {offsets = [384, 0], sizes = [128, 128], strides = [1, 1]} : vector<2432x128xf32> to vector<128x128xf32>
    %dot_general3A_73 = arith.constant dense<0.000000e+00> : vector<128x128xf32>
    %dot_general3A_74 = tpu.matmul %convert_element_type3A_45, %slice3A_72, %dot_general3A_73 {dimension_numbers = #tpu.dot_dimension_numbers<[1], [0], [0], [1], [0, 0, 1, 1], [], []>, transpose_lhs_hint = false} : vector<128x128xf32>, vector<128x128xf32>, vector<128x128xf32> -> vector<128x128xf32>
    %add3A_75 = vector.broadcast %add3A_71 : vector<1x128xf32> to vector<128x128xf32>
    %add3A_76 = arith.addf %dot_general3A_74, %add3A_75 : vector<128x128xf32>
    %reduce_sum3A_77 = arith.constant dense<0.000000e+00> : vector<128xf32>
    %reduce_sum3A_78 = vector.multi_reduction <add>, %slice3A_72, %reduce_sum3A_77 [0] : vector<128x128xf32> to vector<128xf32>
    %broadcast_in_dim3A_79 = vector.shape_cast %reduce_sum3A_78 : vector<128xf32> to vector<1x128xf32>
    %add3A_80 = arith.addf %add3A_71, %broadcast_in_dim3A_79 : vector<1x128xf32>
    %slice3A_81 = vector.extract_strided_slice %mul3A {offsets = [512, 0], sizes = [128, 128], strides = [1, 1]} : vector<2432x128xf32> to vector<128x128xf32>
    %dot_general3A_82 = arith.constant dense<0.000000e+00> : vector<128x128xf32>
    %dot_general3A_83 = tpu.matmul %convert_element_type3A_45, %slice3A_81, %dot_general3A_82 {dimension_numbers = #tpu.dot_dimension_numbers<[1], [0], [0], [1], [0, 0, 1, 1], [], []>, transpose_lhs_hint = false} : vector<128x128xf32>, vector<128x128xf32>, vector<128x128xf32> -> vector<128x128xf32>
    %add3A_84 = vector.broadcast %add3A_80 : vector<1x128xf32> to vector<128x128xf32>
    %add3A_85 = arith.addf %dot_general3A_83, %add3A_84 : vector<128x128xf32>
    %reduce_sum3A_86 = arith.constant dense<0.000000e+00> : vector<128xf32>
    %reduce_sum3A_87 = vector.multi_reduction <add>, %slice3A_81, %reduce_sum3A_86 [0] : vector<128x128xf32> to vector<128xf32>
    %broadcast_in_dim3A_88 = vector.shape_cast %reduce_sum3A_87 : vector<128xf32> to vector<1x128xf32>
    %add3A_89 = arith.addf %add3A_80, %broadcast_in_dim3A_88 : vector<1x128xf32>
    %slice3A_90 = vector.extract_strided_slice %mul3A {offsets = [640, 0], sizes = [128, 128], strides = [1, 1]} : vector<2432x128xf32> to vector<128x128xf32>
    %dot_general3A_91 = arith.constant dense<0.000000e+00> : vector<128x128xf32>
    %dot_general3A_92 = tpu.matmul %convert_element_type3A_45, %slice3A_90, %dot_general3A_91 {dimension_numbers = #tpu.dot_dimension_numbers<[1], [0], [0], [1], [0, 0, 1, 1], [], []>, transpose_lhs_hint = false} : vector<128x128xf32>, vector<128x128xf32>, vector<128x128xf32> -> vector<128x128xf32>
    %add3A_93 = vector.broadcast %add3A_89 : vector<1x128xf32> to vector<128x128xf32>
    %add3A_94 = arith.addf %dot_general3A_92, %add3A_93 : vector<128x128xf32>
    %reduce_sum3A_95 = arith.constant dense<0.000000e+00> : vector<128xf32>
    %reduce_sum3A_96 = vector.multi_reduction <add>, %slice3A_90, %reduce_sum3A_95 [0] : vector<128x128xf32> to vector<128xf32>
    %broadcast_in_dim3A_97 = vector.shape_cast %reduce_sum3A_96 : vector<128xf32> to vector<1x128xf32>
    %add3A_98 = arith.addf %add3A_89, %broadcast_in_dim3A_97 : vector<1x128xf32>
    %slice3A_99 = vector.extract_strided_slice %mul3A {offsets = [768, 0], sizes = [128, 128], strides = [1, 1]} : vector<2432x128xf32> to vector<128x128xf32>
    %dot_general3A_100 = arith.constant dense<0.000000e+00> : vector<128x128xf32>
    %dot_general3A_101 = tpu.matmul %convert_element_type3A_45, %slice3A_99, %dot_general3A_100 {dimension_numbers = #tpu.dot_dimension_numbers<[1], [0], [0], [1], [0, 0, 1, 1], [], []>, transpose_lhs_hint = false} : vector<128x128xf32>, vector<128x128xf32>, vector<128x128xf32> -> vector<128x128xf32>
    %add3A_102 = vector.broadcast %add3A_98 : vector<1x128xf32> to vector<128x128xf32>
    %add3A_103 = arith.addf %dot_general3A_101, %add3A_102 : vector<128x128xf32>
    %reduce_sum3A_104 = arith.constant dense<0.000000e+00> : vector<128xf32>
    %reduce_sum3A_105 = vector.multi_reduction <add>, %slice3A_99, %reduce_sum3A_104 [0] : vector<128x128xf32> to vector<128xf32>
    %broadcast_in_dim3A_106 = vector.shape_cast %reduce_sum3A_105 : vector<128xf32> to vector<1x128xf32>
    %add3A_107 = arith.addf %add3A_98, %broadcast_in_dim3A_106 : vector<1x128xf32>
    %slice3A_108 = vector.extract_strided_slice %mul3A {offsets = [896, 0], sizes = [128, 128], strides = [1, 1]} : vector<2432x128xf32> to vector<128x128xf32>
    %dot_general3A_109 = arith.constant dense<0.000000e+00> : vector<128x128xf32>
    %dot_general3A_110 = tpu.matmul %convert_element_type3A_45, %slice3A_108, %dot_general3A_109 {dimension_numbers = #tpu.dot_dimension_numbers<[1], [0], [0], [1], [0, 0, 1, 1], [], []>, transpose_lhs_hint = false} : vector<128x128xf32>, vector<128x128xf32>, vector<128x128xf32> -> vector<128x128xf32>
    %add3A_111 = vector.broadcast %add3A_107 : vector<1x128xf32> to vector<128x128xf32>
    %add3A_112 = arith.addf %dot_general3A_110, %add3A_111 : vector<128x128xf32>
    %reduce_sum3A_113 = arith.constant dense<0.000000e+00> : vector<128xf32>
    %reduce_sum3A_114 = vector.multi_reduction <add>, %slice3A_108, %reduce_sum3A_113 [0] : vector<128x128xf32> to vector<128xf32>
    %broadcast_in_dim3A_115 = vector.shape_cast %reduce_sum3A_114 : vector<128xf32> to vector<1x128xf32>
    %add3A_116 = arith.addf %add3A_107, %broadcast_in_dim3A_115 : vector<1x128xf32>
    %slice3A_117 = vector.extract_strided_slice %mul3A {offsets = [1024, 0], sizes = [128, 128], strides = [1, 1]} : vector<2432x128xf32> to vector<128x128xf32>
    %dot_general3A_118 = arith.constant dense<0.000000e+00> : vector<128x128xf32>
    %dot_general3A_119 = tpu.matmul %convert_element_type3A_45, %slice3A_117, %dot_general3A_118 {dimension_numbers = #tpu.dot_dimension_numbers<[1], [0], [0], [1], [0, 0, 1, 1], [], []>, transpose_lhs_hint = false} : vector<128x128xf32>, vector<128x128xf32>, vector<128x128xf32> -> vector<128x128xf32>
    %add3A_120 = vector.broadcast %add3A_116 : vector<1x128xf32> to vector<128x128xf32>
    %add3A_121 = arith.addf %dot_general3A_119, %add3A_120 : vector<128x128xf32>
    %reduce_sum3A_122 = arith.constant dense<0.000000e+00> : vector<128xf32>
    %reduce_sum3A_123 = vector.multi_reduction <add>, %slice3A_117, %reduce_sum3A_122 [0] : vector<128x128xf32> to vector<128xf32>
    %broadcast_in_dim3A_124 = vector.shape_cast %reduce_sum3A_123 : vector<128xf32> to vector<1x128xf32>
    %add3A_125 = arith.addf %add3A_116, %broadcast_in_dim3A_124 : vector<1x128xf32>
    %slice3A_126 = vector.extract_strided_slice %mul3A {offsets = [1152, 0], sizes = [128, 128], strides = [1, 1]} : vector<2432x128xf32> to vector<128x128xf32>
    %dot_general3A_127 = arith.constant dense<0.000000e+00> : vector<128x128xf32>
    %dot_general3A_128 = tpu.matmul %convert_element_type3A_45, %slice3A_126, %dot_general3A_127 {dimension_numbers = #tpu.dot_dimension_numbers<[1], [0], [0], [1], [0, 0, 1, 1], [], []>, transpose_lhs_hint = false} : vector<128x128xf32>, vector<128x128xf32>, vector<128x128xf32> -> vector<128x128xf32>
    %add3A_129 = vector.broadcast %add3A_125 : vector<1x128xf32> to vector<128x128xf32>
    %add3A_130 = arith.addf %dot_general3A_128, %add3A_129 : vector<128x128xf32>
    %reduce_sum3A_131 = arith.constant dense<0.000000e+00> : vector<128xf32>
    %reduce_sum3A_132 = vector.multi_reduction <add>, %slice3A_126, %reduce_sum3A_131 [0] : vector<128x128xf32> to vector<128xf32>
    %broadcast_in_dim3A_133 = vector.shape_cast %reduce_sum3A_132 : vector<128xf32> to vector<1x128xf32>
    %add3A_134 = arith.addf %add3A_125, %broadcast_in_dim3A_133 : vector<1x128xf32>
    %slice3A_135 = vector.extract_strided_slice %mul3A {offsets = [1280, 0], sizes = [128, 128], strides = [1, 1]} : vector<2432x128xf32> to vector<128x128xf32>
    %dot_general3A_136 = arith.constant dense<0.000000e+00> : vector<128x128xf32>
    %dot_general3A_137 = tpu.matmul %convert_element_type3A_45, %slice3A_135, %dot_general3A_136 {dimension_numbers = #tpu.dot_dimension_numbers<[1], [0], [0], [1], [0, 0, 1, 1], [], []>, transpose_lhs_hint = false} : vector<128x128xf32>, vector<128x128xf32>, vector<128x128xf32> -> vector<128x128xf32>
    %add3A_138 = vector.broadcast %add3A_134 : vector<1x128xf32> to vector<128x128xf32>
    %add3A_139 = arith.addf %dot_general3A_137, %add3A_138 : vector<128x128xf32>
    %reduce_sum3A_140 = arith.constant dense<0.000000e+00> : vector<128xf32>
    %reduce_sum3A_141 = vector.multi_reduction <add>, %slice3A_135, %reduce_sum3A_140 [0] : vector<128x128xf32> to vector<128xf32>
    %broadcast_in_dim3A_142 = vector.shape_cast %reduce_sum3A_141 : vector<128xf32> to vector<1x128xf32>
    %add3A_143 = arith.addf %add3A_134, %broadcast_in_dim3A_142 : vector<1x128xf32>
    %slice3A_144 = vector.extract_strided_slice %mul3A {offsets = [1408, 0], sizes = [128, 128], strides = [1, 1]} : vector<2432x128xf32> to vector<128x128xf32>
    %dot_general3A_145 = arith.constant dense<0.000000e+00> : vector<128x128xf32>
    %dot_general3A_146 = tpu.matmul %convert_element_type3A_45, %slice3A_144, %dot_general3A_145 {dimension_numbers = #tpu.dot_dimension_numbers<[1], [0], [0], [1], [0, 0, 1, 1], [], []>, transpose_lhs_hint = false} : vector<128x128xf32>, vector<128x128xf32>, vector<128x128xf32> -> vector<128x128xf32>
    %add3A_147 = vector.broadcast %add3A_143 : vector<1x128xf32> to vector<128x128xf32>
    %add3A_148 = arith.addf %dot_general3A_146, %add3A_147 : vector<128x128xf32>
    %reduce_sum3A_149 = arith.constant dense<0.000000e+00> : vector<128xf32>
    %reduce_sum3A_150 = vector.multi_reduction <add>, %slice3A_144, %reduce_sum3A_149 [0] : vector<128x128xf32> to vector<128xf32>
    %broadcast_in_dim3A_151 = vector.shape_cast %reduce_sum3A_150 : vector<128xf32> to vector<1x128xf32>
    %add3A_152 = arith.addf %add3A_143, %broadcast_in_dim3A_151 : vector<1x128xf32>
    %slice3A_153 = vector.extract_strided_slice %mul3A {offsets = [1536, 0], sizes = [128, 128], strides = [1, 1]} : vector<2432x128xf32> to vector<128x128xf32>
    %dot_general3A_154 = arith.constant dense<0.000000e+00> : vector<128x128xf32>
    %dot_general3A_155 = tpu.matmul %convert_element_type3A_45, %slice3A_153, %dot_general3A_154 {dimension_numbers = #tpu.dot_dimension_numbers<[1], [0], [0], [1], [0, 0, 1, 1], [], []>, transpose_lhs_hint = false} : vector<128x128xf32>, vector<128x128xf32>, vector<128x128xf32> -> vector<128x128xf32>
    %add3A_156 = vector.broadcast %add3A_152 : vector<1x128xf32> to vector<128x128xf32>
    %add3A_157 = arith.addf %dot_general3A_155, %add3A_156 : vector<128x128xf32>
    %reduce_sum3A_158 = arith.constant dense<0.000000e+00> : vector<128xf32>
    %reduce_sum3A_159 = vector.multi_reduction <add>, %slice3A_153, %reduce_sum3A_158 [0] : vector<128x128xf32> to vector<128xf32>
    %broadcast_in_dim3A_160 = vector.shape_cast %reduce_sum3A_159 : vector<128xf32> to vector<1x128xf32>
    %add3A_161 = arith.addf %add3A_152, %broadcast_in_dim3A_160 : vector<1x128xf32>
    %slice3A_162 = vector.extract_strided_slice %mul3A {offsets = [1664, 0], sizes = [128, 128], strides = [1, 1]} : vector<2432x128xf32> to vector<128x128xf32>
    %dot_general3A_163 = arith.constant dense<0.000000e+00> : vector<128x128xf32>
    %dot_general3A_164 = tpu.matmul %convert_element_type3A_45, %slice3A_162, %dot_general3A_163 {dimension_numbers = #tpu.dot_dimension_numbers<[1], [0], [0], [1], [0, 0, 1, 1], [], []>, transpose_lhs_hint = false} : vector<128x128xf32>, vector<128x128xf32>, vector<128x128xf32> -> vector<128x128xf32>
    %add3A_165 = vector.broadcast %add3A_161 : vector<1x128xf32> to vector<128x128xf32>
    %add3A_166 = arith.addf %dot_general3A_164, %add3A_165 : vector<128x128xf32>
    %reduce_sum3A_167 = arith.constant dense<0.000000e+00> : vector<128xf32>
    %reduce_sum3A_168 = vector.multi_reduction <add>, %slice3A_162, %reduce_sum3A_167 [0] : vector<128x128xf32> to vector<128xf32>
    %broadcast_in_dim3A_169 = vector.shape_cast %reduce_sum3A_168 : vector<128xf32> to vector<1x128xf32>
    %add3A_170 = arith.addf %add3A_161, %broadcast_in_dim3A_169 : vector<1x128xf32>
    %slice3A_171 = vector.extract_strided_slice %mul3A {offsets = [1792, 0], sizes = [128, 128], strides = [1, 1]} : vector<2432x128xf32> to vector<128x128xf32>
    %dot_general3A_172 = arith.constant dense<0.000000e+00> : vector<128x128xf32>
    %dot_general3A_173 = tpu.matmul %convert_element_type3A_45, %slice3A_171, %dot_general3A_172 {dimension_numbers = #tpu.dot_dimension_numbers<[1], [0], [0], [1], [0, 0, 1, 1], [], []>, transpose_lhs_hint = false} : vector<128x128xf32>, vector<128x128xf32>, vector<128x128xf32> -> vector<128x128xf32>
    %add3A_174 = vector.broadcast %add3A_170 : vector<1x128xf32> to vector<128x128xf32>
    %add3A_175 = arith.addf %dot_general3A_173, %add3A_174 : vector<128x128xf32>
    %reduce_sum3A_176 = arith.constant dense<0.000000e+00> : vector<128xf32>
    %reduce_sum3A_177 = vector.multi_reduction <add>, %slice3A_171, %reduce_sum3A_176 [0] : vector<128x128xf32> to vector<128xf32>
    %broadcast_in_dim3A_178 = vector.shape_cast %reduce_sum3A_177 : vector<128xf32> to vector<1x128xf32>
    %add3A_179 = arith.addf %add3A_170, %broadcast_in_dim3A_178 : vector<1x128xf32>
    %slice3A_180 = vector.extract_strided_slice %mul3A {offsets = [1920, 0], sizes = [128, 128], strides = [1, 1]} : vector<2432x128xf32> to vector<128x128xf32>
    %dot_general3A_181 = arith.constant dense<0.000000e+00> : vector<128x128xf32>
    %dot_general3A_182 = tpu.matmul %convert_element_type3A_45, %slice3A_180, %dot_general3A_181 {dimension_numbers = #tpu.dot_dimension_numbers<[1], [0], [0], [1], [0, 0, 1, 1], [], []>, transpose_lhs_hint = false} : vector<128x128xf32>, vector<128x128xf32>, vector<128x128xf32> -> vector<128x128xf32>
    %add3A_183 = vector.broadcast %add3A_179 : vector<1x128xf32> to vector<128x128xf32>
    %add3A_184 = arith.addf %dot_general3A_182, %add3A_183 : vector<128x128xf32>
    %reduce_sum3A_185 = arith.constant dense<0.000000e+00> : vector<128xf32>
    %reduce_sum3A_186 = vector.multi_reduction <add>, %slice3A_180, %reduce_sum3A_185 [0] : vector<128x128xf32> to vector<128xf32>
    %broadcast_in_dim3A_187 = vector.shape_cast %reduce_sum3A_186 : vector<128xf32> to vector<1x128xf32>
    %add3A_188 = arith.addf %add3A_179, %broadcast_in_dim3A_187 : vector<1x128xf32>
    %slice3A_189 = vector.extract_strided_slice %mul3A {offsets = [2048, 0], sizes = [128, 128], strides = [1, 1]} : vector<2432x128xf32> to vector<128x128xf32>
    %dot_general3A_190 = arith.constant dense<0.000000e+00> : vector<128x128xf32>
    %dot_general3A_191 = tpu.matmul %convert_element_type3A_45, %slice3A_189, %dot_general3A_190 {dimension_numbers = #tpu.dot_dimension_numbers<[1], [0], [0], [1], [0, 0, 1, 1], [], []>, transpose_lhs_hint = false} : vector<128x128xf32>, vector<128x128xf32>, vector<128x128xf32> -> vector<128x128xf32>
    %add3A_192 = vector.broadcast %add3A_188 : vector<1x128xf32> to vector<128x128xf32>
    %add3A_193 = arith.addf %dot_general3A_191, %add3A_192 : vector<128x128xf32>
    %reduce_sum3A_194 = arith.constant dense<0.000000e+00> : vector<128xf32>
    %reduce_sum3A_195 = vector.multi_reduction <add>, %slice3A_189, %reduce_sum3A_194 [0] : vector<128x128xf32> to vector<128xf32>
    %broadcast_in_dim3A_196 = vector.shape_cast %reduce_sum3A_195 : vector<128xf32> to vector<1x128xf32>
    %add3A_197 = arith.addf %add3A_188, %broadcast_in_dim3A_196 : vector<1x128xf32>
    %slice3A_198 = vector.extract_strided_slice %mul3A {offsets = [2176, 0], sizes = [128, 128], strides = [1, 1]} : vector<2432x128xf32> to vector<128x128xf32>
    %dot_general3A_199 = arith.constant dense<0.000000e+00> : vector<128x128xf32>
    %dot_general3A_200 = tpu.matmul %convert_element_type3A_45, %slice3A_198, %dot_general3A_199 {dimension_numbers = #tpu.dot_dimension_numbers<[1], [0], [0], [1], [0, 0, 1, 1], [], []>, transpose_lhs_hint = false} : vector<128x128xf32>, vector<128x128xf32>, vector<128x128xf32> -> vector<128x128xf32>
    %add3A_201 = vector.broadcast %add3A_197 : vector<1x128xf32> to vector<128x128xf32>
    %add3A_202 = arith.addf %dot_general3A_200, %add3A_201 : vector<128x128xf32>
    %reduce_sum3A_203 = arith.constant dense<0.000000e+00> : vector<128xf32>
    %reduce_sum3A_204 = vector.multi_reduction <add>, %slice3A_198, %reduce_sum3A_203 [0] : vector<128x128xf32> to vector<128xf32>
    %broadcast_in_dim3A_205 = vector.shape_cast %reduce_sum3A_204 : vector<128xf32> to vector<1x128xf32>
    %add3A_206 = arith.addf %add3A_197, %broadcast_in_dim3A_205 : vector<1x128xf32>
    %slice3A_207 = vector.extract_strided_slice %mul3A {offsets = [2304, 0], sizes = [128, 128], strides = [1, 1]} : vector<2432x128xf32> to vector<128x128xf32>
    %dot_general3A_208 = arith.constant dense<0.000000e+00> : vector<128x128xf32>
    %dot_general3A_209 = tpu.matmul %convert_element_type3A_45, %slice3A_207, %dot_general3A_208 {dimension_numbers = #tpu.dot_dimension_numbers<[1], [0], [0], [1], [0, 0, 1, 1], [], []>, transpose_lhs_hint = false} : vector<128x128xf32>, vector<128x128xf32>, vector<128x128xf32> -> vector<128x128xf32>
    %add3A_210 = vector.broadcast %add3A_206 : vector<1x128xf32> to vector<128x128xf32>
    %add3A_211 = arith.addf %dot_general3A_209, %add3A_210 : vector<128x128xf32>
    %reduce_sum3A_212 = arith.constant dense<0.000000e+00> : vector<128xf32>
    %reduce_sum3A_213 = vector.multi_reduction <add>, %slice3A_207, %reduce_sum3A_212 [0] : vector<128x128xf32> to vector<128xf32>
    %broadcast_in_dim3A_214 = vector.shape_cast %reduce_sum3A_213 : vector<128xf32> to vector<1x128xf32>
    %add3A_215 = arith.addf %add3A_206, %broadcast_in_dim3A_214 : vector<1x128xf32>
    %concatenate3A = tpu.concatenate %add3A_50, %add3A_58, %add3A_67, %add3A_76, %add3A_85, %add3A_94, %add3A_103, %add3A_112, %add3A_121, %add3A_130, %add3A_139, %add3A_148, %add3A_157, %add3A_166, %add3A_175, %add3A_184, %add3A_193, %add3A_202, %add3A_211 in 0 : vector<128x128xf32>, vector<128x128xf32>, vector<128x128xf32>, vector<128x128xf32>, vector<128x128xf32>, vector<128x128xf32>, vector<128x128xf32>, vector<128x128xf32>, vector<128x128xf32>, vector<128x128xf32>, vector<128x128xf32>, vector<128x128xf32>, vector<128x128xf32>, vector<128x128xf32>, vector<128x128xf32>, vector<128x128xf32>, vector<128x128xf32>, vector<128x128xf32>, vector<128x128xf32> -> vector<2432x128xf32>
    %slice3A_216 = vector.extract_strided_slice %mul3A_40 {offsets = [0, 0], sizes = [128, 128], strides = [1, 1]} : vector<2432x128xf32> to vector<128x128xf32>
    %dot_general3A_217 = arith.constant dense<0.000000e+00> : vector<128x128xf32>
    %dot_general3A_218 = tpu.matmul %convert_element_type3A_45, %slice3A_216, %dot_general3A_217 {dimension_numbers = #tpu.dot_dimension_numbers<[1], [0], [0], [1], [0, 0, 1, 1], [], []>, transpose_lhs_hint = false} : vector<128x128xf32>, vector<128x128xf32>, vector<128x128xf32> -> vector<128x128xf32>
    %add3A_219 = vector.broadcast %add3A_215 : vector<1x128xf32> to vector<128x128xf32>
    %add3A_220 = arith.addf %dot_general3A_218, %add3A_219 : vector<128x128xf32>
    %reduce_sum3A_221 = arith.constant dense<0.000000e+00> : vector<128xf32>
    %reduce_sum3A_222 = vector.multi_reduction <add>, %slice3A_216, %reduce_sum3A_221 [0] : vector<128x128xf32> to vector<128xf32>
    %broadcast_in_dim3A_223 = vector.shape_cast %reduce_sum3A_222 : vector<128xf32> to vector<1x128xf32>
    %add3A_224 = arith.addf %add3A_215, %broadcast_in_dim3A_223 : vector<1x128xf32>
    %slice3A_225 = vector.extract_strided_slice %mul3A_40 {offsets = [128, 0], sizes = [128, 128], strides = [1, 1]} : vector<2432x128xf32> to vector<128x128xf32>
    %dot_general3A_226 = arith.constant dense<0.000000e+00> : vector<128x128xf32>
    %dot_general3A_227 = tpu.matmul %convert_element_type3A_45, %slice3A_225, %dot_general3A_226 {dimension_numbers = #tpu.dot_dimension_numbers<[1], [0], [0], [1], [0, 0, 1, 1], [], []>, transpose_lhs_hint = false} : vector<128x128xf32>, vector<128x128xf32>, vector<128x128xf32> -> vector<128x128xf32>
    %add3A_228 = vector.broadcast %add3A_224 : vector<1x128xf32> to vector<128x128xf32>
    %add3A_229 = arith.addf %dot_general3A_227, %add3A_228 : vector<128x128xf32>
    %reduce_sum3A_230 = arith.constant dense<0.000000e+00> : vector<128xf32>
    %reduce_sum3A_231 = vector.multi_reduction <add>, %slice3A_225, %reduce_sum3A_230 [0] : vector<128x128xf32> to vector<128xf32>
    %broadcast_in_dim3A_232 = vector.shape_cast %reduce_sum3A_231 : vector<128xf32> to vector<1x128xf32>
    %add3A_233 = arith.addf %add3A_224, %broadcast_in_dim3A_232 : vector<1x128xf32>
    %slice3A_234 = vector.extract_strided_slice %mul3A_40 {offsets = [256, 0], sizes = [128, 128], strides = [1, 1]} : vector<2432x128xf32> to vector<128x128xf32>
    %dot_general3A_235 = arith.constant dense<0.000000e+00> : vector<128x128xf32>
    %dot_general3A_236 = tpu.matmul %convert_element_type3A_45, %slice3A_234, %dot_general3A_235 {dimension_numbers = #tpu.dot_dimension_numbers<[1], [0], [0], [1], [0, 0, 1, 1], [], []>, transpose_lhs_hint = false} : vector<128x128xf32>, vector<128x128xf32>, vector<128x128xf32> -> vector<128x128xf32>
    %add3A_237 = vector.broadcast %add3A_233 : vector<1x128xf32> to vector<128x128xf32>
    %add3A_238 = arith.addf %dot_general3A_236, %add3A_237 : vector<128x128xf32>
    %reduce_sum3A_239 = arith.constant dense<0.000000e+00> : vector<128xf32>
    %reduce_sum3A_240 = vector.multi_reduction <add>, %slice3A_234, %reduce_sum3A_239 [0] : vector<128x128xf32> to vector<128xf32>
    %broadcast_in_dim3A_241 = vector.shape_cast %reduce_sum3A_240 : vector<128xf32> to vector<1x128xf32>
    %add3A_242 = arith.addf %add3A_233, %broadcast_in_dim3A_241 : vector<1x128xf32>
    %slice3A_243 = vector.extract_strided_slice %mul3A_40 {offsets = [384, 0], sizes = [128, 128], strides = [1, 1]} : vector<2432x128xf32> to vector<128x128xf32>
    %dot_general3A_244 = arith.constant dense<0.000000e+00> : vector<128x128xf32>
    %dot_general3A_245 = tpu.matmul %convert_element_type3A_45, %slice3A_243, %dot_general3A_244 {dimension_numbers = #tpu.dot_dimension_numbers<[1], [0], [0], [1], [0, 0, 1, 1], [], []>, transpose_lhs_hint = false} : vector<128x128xf32>, vector<128x128xf32>, vector<128x128xf32> -> vector<128x128xf32>
    %add3A_246 = vector.broadcast %add3A_242 : vector<1x128xf32> to vector<128x128xf32>
    %add3A_247 = arith.addf %dot_general3A_245, %add3A_246 : vector<128x128xf32>
    %reduce_sum3A_248 = arith.constant dense<0.000000e+00> : vector<128xf32>
    %reduce_sum3A_249 = vector.multi_reduction <add>, %slice3A_243, %reduce_sum3A_248 [0] : vector<128x128xf32> to vector<128xf32>
    %broadcast_in_dim3A_250 = vector.shape_cast %reduce_sum3A_249 : vector<128xf32> to vector<1x128xf32>
    %add3A_251 = arith.addf %add3A_242, %broadcast_in_dim3A_250 : vector<1x128xf32>
    %slice3A_252 = vector.extract_strided_slice %mul3A_40 {offsets = [512, 0], sizes = [128, 128], strides = [1, 1]} : vector<2432x128xf32> to vector<128x128xf32>
    %dot_general3A_253 = arith.constant dense<0.000000e+00> : vector<128x128xf32>
    %dot_general3A_254 = tpu.matmul %convert_element_type3A_45, %slice3A_252, %dot_general3A_253 {dimension_numbers = #tpu.dot_dimension_numbers<[1], [0], [0], [1], [0, 0, 1, 1], [], []>, transpose_lhs_hint = false} : vector<128x128xf32>, vector<128x128xf32>, vector<128x128xf32> -> vector<128x128xf32>
    %add3A_255 = vector.broadcast %add3A_251 : vector<1x128xf32> to vector<128x128xf32>
    %add3A_256 = arith.addf %dot_general3A_254, %add3A_255 : vector<128x128xf32>
    %reduce_sum3A_257 = arith.constant dense<0.000000e+00> : vector<128xf32>
    %reduce_sum3A_258 = vector.multi_reduction <add>, %slice3A_252, %reduce_sum3A_257 [0] : vector<128x128xf32> to vector<128xf32>
    %broadcast_in_dim3A_259 = vector.shape_cast %reduce_sum3A_258 : vector<128xf32> to vector<1x128xf32>
    %add3A_260 = arith.addf %add3A_251, %broadcast_in_dim3A_259 : vector<1x128xf32>
    %slice3A_261 = vector.extract_strided_slice %mul3A_40 {offsets = [640, 0], sizes = [128, 128], strides = [1, 1]} : vector<2432x128xf32> to vector<128x128xf32>
    %dot_general3A_262 = arith.constant dense<0.000000e+00> : vector<128x128xf32>
    %dot_general3A_263 = tpu.matmul %convert_element_type3A_45, %slice3A_261, %dot_general3A_262 {dimension_numbers = #tpu.dot_dimension_numbers<[1], [0], [0], [1], [0, 0, 1, 1], [], []>, transpose_lhs_hint = false} : vector<128x128xf32>, vector<128x128xf32>, vector<128x128xf32> -> vector<128x128xf32>
    %add3A_264 = vector.broadcast %add3A_260 : vector<1x128xf32> to vector<128x128xf32>
    %add3A_265 = arith.addf %dot_general3A_263, %add3A_264 : vector<128x128xf32>
    %reduce_sum3A_266 = arith.constant dense<0.000000e+00> : vector<128xf32>
    %reduce_sum3A_267 = vector.multi_reduction <add>, %slice3A_261, %reduce_sum3A_266 [0] : vector<128x128xf32> to vector<128xf32>
    %broadcast_in_dim3A_268 = vector.shape_cast %reduce_sum3A_267 : vector<128xf32> to vector<1x128xf32>
    %add3A_269 = arith.addf %add3A_260, %broadcast_in_dim3A_268 : vector<1x128xf32>
    %slice3A_270 = vector.extract_strided_slice %mul3A_40 {offsets = [768, 0], sizes = [128, 128], strides = [1, 1]} : vector<2432x128xf32> to vector<128x128xf32>
    %dot_general3A_271 = arith.constant dense<0.000000e+00> : vector<128x128xf32>
    %dot_general3A_272 = tpu.matmul %convert_element_type3A_45, %slice3A_270, %dot_general3A_271 {dimension_numbers = #tpu.dot_dimension_numbers<[1], [0], [0], [1], [0, 0, 1, 1], [], []>, transpose_lhs_hint = false} : vector<128x128xf32>, vector<128x128xf32>, vector<128x128xf32> -> vector<128x128xf32>
    %add3A_273 = vector.broadcast %add3A_269 : vector<1x128xf32> to vector<128x128xf32>
    %add3A_274 = arith.addf %dot_general3A_272, %add3A_273 : vector<128x128xf32>
    %reduce_sum3A_275 = arith.constant dense<0.000000e+00> : vector<128xf32>
    %reduce_sum3A_276 = vector.multi_reduction <add>, %slice3A_270, %reduce_sum3A_275 [0] : vector<128x128xf32> to vector<128xf32>
    %broadcast_in_dim3A_277 = vector.shape_cast %reduce_sum3A_276 : vector<128xf32> to vector<1x128xf32>
    %add3A_278 = arith.addf %add3A_269, %broadcast_in_dim3A_277 : vector<1x128xf32>
    %slice3A_279 = vector.extract_strided_slice %mul3A_40 {offsets = [896, 0], sizes = [128, 128], strides = [1, 1]} : vector<2432x128xf32> to vector<128x128xf32>
    %dot_general3A_280 = arith.constant dense<0.000000e+00> : vector<128x128xf32>
    %dot_general3A_281 = tpu.matmul %convert_element_type3A_45, %slice3A_279, %dot_general3A_280 {dimension_numbers = #tpu.dot_dimension_numbers<[1], [0], [0], [1], [0, 0, 1, 1], [], []>, transpose_lhs_hint = false} : vector<128x128xf32>, vector<128x128xf32>, vector<128x128xf32> -> vector<128x128xf32>
    %add3A_282 = vector.broadcast %add3A_278 : vector<1x128xf32> to vector<128x128xf32>
    %add3A_283 = arith.addf %dot_general3A_281, %add3A_282 : vector<128x128xf32>
    %reduce_sum3A_284 = arith.constant dense<0.000000e+00> : vector<128xf32>
    %reduce_sum3A_285 = vector.multi_reduction <add>, %slice3A_279, %reduce_sum3A_284 [0] : vector<128x128xf32> to vector<128xf32>
    %broadcast_in_dim3A_286 = vector.shape_cast %reduce_sum3A_285 : vector<128xf32> to vector<1x128xf32>
    %add3A_287 = arith.addf %add3A_278, %broadcast_in_dim3A_286 : vector<1x128xf32>
    %slice3A_288 = vector.extract_strided_slice %mul3A_40 {offsets = [1024, 0], sizes = [128, 128], strides = [1, 1]} : vector<2432x128xf32> to vector<128x128xf32>
    %dot_general3A_289 = arith.constant dense<0.000000e+00> : vector<128x128xf32>
    %dot_general3A_290 = tpu.matmul %convert_element_type3A_45, %slice3A_288, %dot_general3A_289 {dimension_numbers = #tpu.dot_dimension_numbers<[1], [0], [0], [1], [0, 0, 1, 1], [], []>, transpose_lhs_hint = false} : vector<128x128xf32>, vector<128x128xf32>, vector<128x128xf32> -> vector<128x128xf32>
    %add3A_291 = vector.broadcast %add3A_287 : vector<1x128xf32> to vector<128x128xf32>
    %add3A_292 = arith.addf %dot_general3A_290, %add3A_291 : vector<128x128xf32>
    %reduce_sum3A_293 = arith.constant dense<0.000000e+00> : vector<128xf32>
    %reduce_sum3A_294 = vector.multi_reduction <add>, %slice3A_288, %reduce_sum3A_293 [0] : vector<128x128xf32> to vector<128xf32>
    %broadcast_in_dim3A_295 = vector.shape_cast %reduce_sum3A_294 : vector<128xf32> to vector<1x128xf32>
    %add3A_296 = arith.addf %add3A_287, %broadcast_in_dim3A_295 : vector<1x128xf32>
    %slice3A_297 = vector.extract_strided_slice %mul3A_40 {offsets = [1152, 0], sizes = [128, 128], strides = [1, 1]} : vector<2432x128xf32> to vector<128x128xf32>
    %dot_general3A_298 = arith.constant dense<0.000000e+00> : vector<128x128xf32>
    %dot_general3A_299 = tpu.matmul %convert_element_type3A_45, %slice3A_297, %dot_general3A_298 {dimension_numbers = #tpu.dot_dimension_numbers<[1], [0], [0], [1], [0, 0, 1, 1], [], []>, transpose_lhs_hint = false} : vector<128x128xf32>, vector<128x128xf32>, vector<128x128xf32> -> vector<128x128xf32>
    %add3A_300 = vector.broadcast %add3A_296 : vector<1x128xf32> to vector<128x128xf32>
    %add3A_301 = arith.addf %dot_general3A_299, %add3A_300 : vector<128x128xf32>
    %reduce_sum3A_302 = arith.constant dense<0.000000e+00> : vector<128xf32>
    %reduce_sum3A_303 = vector.multi_reduction <add>, %slice3A_297, %reduce_sum3A_302 [0] : vector<128x128xf32> to vector<128xf32>
    %broadcast_in_dim3A_304 = vector.shape_cast %reduce_sum3A_303 : vector<128xf32> to vector<1x128xf32>
    %add3A_305 = arith.addf %add3A_296, %broadcast_in_dim3A_304 : vector<1x128xf32>
    %slice3A_306 = vector.extract_strided_slice %mul3A_40 {offsets = [1280, 0], sizes = [128, 128], strides = [1, 1]} : vector<2432x128xf32> to vector<128x128xf32>
    %dot_general3A_307 = arith.constant dense<0.000000e+00> : vector<128x128xf32>
    %dot_general3A_308 = tpu.matmul %convert_element_type3A_45, %slice3A_306, %dot_general3A_307 {dimension_numbers = #tpu.dot_dimension_numbers<[1], [0], [0], [1], [0, 0, 1, 1], [], []>, transpose_lhs_hint = false} : vector<128x128xf32>, vector<128x128xf32>, vector<128x128xf32> -> vector<128x128xf32>
    %add3A_309 = vector.broadcast %add3A_305 : vector<1x128xf32> to vector<128x128xf32>
    %add3A_310 = arith.addf %dot_general3A_308, %add3A_309 : vector<128x128xf32>
    %reduce_sum3A_311 = arith.constant dense<0.000000e+00> : vector<128xf32>
    %reduce_sum3A_312 = vector.multi_reduction <add>, %slice3A_306, %reduce_sum3A_311 [0] : vector<128x128xf32> to vector<128xf32>
    %broadcast_in_dim3A_313 = vector.shape_cast %reduce_sum3A_312 : vector<128xf32> to vector<1x128xf32>
    %add3A_314 = arith.addf %add3A_305, %broadcast_in_dim3A_313 : vector<1x128xf32>
    %slice3A_315 = vector.extract_strided_slice %mul3A_40 {offsets = [1408, 0], sizes = [128, 128], strides = [1, 1]} : vector<2432x128xf32> to vector<128x128xf32>
    %dot_general3A_316 = arith.constant dense<0.000000e+00> : vector<128x128xf32>
    %dot_general3A_317 = tpu.matmul %convert_element_type3A_45, %slice3A_315, %dot_general3A_316 {dimension_numbers = #tpu.dot_dimension_numbers<[1], [0], [0], [1], [0, 0, 1, 1], [], []>, transpose_lhs_hint = false} : vector<128x128xf32>, vector<128x128xf32>, vector<128x128xf32> -> vector<128x128xf32>
    %add3A_318 = vector.broadcast %add3A_314 : vector<1x128xf32> to vector<128x128xf32>
    %add3A_319 = arith.addf %dot_general3A_317, %add3A_318 : vector<128x128xf32>
    %reduce_sum3A_320 = arith.constant dense<0.000000e+00> : vector<128xf32>
    %reduce_sum3A_321 = vector.multi_reduction <add>, %slice3A_315, %reduce_sum3A_320 [0] : vector<128x128xf32> to vector<128xf32>
    %broadcast_in_dim3A_322 = vector.shape_cast %reduce_sum3A_321 : vector<128xf32> to vector<1x128xf32>
    %add3A_323 = arith.addf %add3A_314, %broadcast_in_dim3A_322 : vector<1x128xf32>
    %slice3A_324 = vector.extract_strided_slice %mul3A_40 {offsets = [1536, 0], sizes = [128, 128], strides = [1, 1]} : vector<2432x128xf32> to vector<128x128xf32>
    %dot_general3A_325 = arith.constant dense<0.000000e+00> : vector<128x128xf32>
    %dot_general3A_326 = tpu.matmul %convert_element_type3A_45, %slice3A_324, %dot_general3A_325 {dimension_numbers = #tpu.dot_dimension_numbers<[1], [0], [0], [1], [0, 0, 1, 1], [], []>, transpose_lhs_hint = false} : vector<128x128xf32>, vector<128x128xf32>, vector<128x128xf32> -> vector<128x128xf32>
    %add3A_327 = vector.broadcast %add3A_323 : vector<1x128xf32> to vector<128x128xf32>
    %add3A_328 = arith.addf %dot_general3A_326, %add3A_327 : vector<128x128xf32>
    %reduce_sum3A_329 = arith.constant dense<0.000000e+00> : vector<128xf32>
    %reduce_sum3A_330 = vector.multi_reduction <add>, %slice3A_324, %reduce_sum3A_329 [0] : vector<128x128xf32> to vector<128xf32>
    %broadcast_in_dim3A_331 = vector.shape_cast %reduce_sum3A_330 : vector<128xf32> to vector<1x128xf32>
    %add3A_332 = arith.addf %add3A_323, %broadcast_in_dim3A_331 : vector<1x128xf32>
    %slice3A_333 = vector.extract_strided_slice %mul3A_40 {offsets = [1664, 0], sizes = [128, 128], strides = [1, 1]} : vector<2432x128xf32> to vector<128x128xf32>
    %dot_general3A_334 = arith.constant dense<0.000000e+00> : vector<128x128xf32>
    %dot_general3A_335 = tpu.matmul %convert_element_type3A_45, %slice3A_333, %dot_general3A_334 {dimension_numbers = #tpu.dot_dimension_numbers<[1], [0], [0], [1], [0, 0, 1, 1], [], []>, transpose_lhs_hint = false} : vector<128x128xf32>, vector<128x128xf32>, vector<128x128xf32> -> vector<128x128xf32>
    %add3A_336 = vector.broadcast %add3A_332 : vector<1x128xf32> to vector<128x128xf32>
    %add3A_337 = arith.addf %dot_general3A_335, %add3A_336 : vector<128x128xf32>
    %reduce_sum3A_338 = arith.constant dense<0.000000e+00> : vector<128xf32>
    %reduce_sum3A_339 = vector.multi_reduction <add>, %slice3A_333, %reduce_sum3A_338 [0] : vector<128x128xf32> to vector<128xf32>
    %broadcast_in_dim3A_340 = vector.shape_cast %reduce_sum3A_339 : vector<128xf32> to vector<1x128xf32>
    %add3A_341 = arith.addf %add3A_332, %broadcast_in_dim3A_340 : vector<1x128xf32>
    %slice3A_342 = vector.extract_strided_slice %mul3A_40 {offsets = [1792, 0], sizes = [128, 128], strides = [1, 1]} : vector<2432x128xf32> to vector<128x128xf32>
    %dot_general3A_343 = arith.constant dense<0.000000e+00> : vector<128x128xf32>
    %dot_general3A_344 = tpu.matmul %convert_element_type3A_45, %slice3A_342, %dot_general3A_343 {dimension_numbers = #tpu.dot_dimension_numbers<[1], [0], [0], [1], [0, 0, 1, 1], [], []>, transpose_lhs_hint = false} : vector<128x128xf32>, vector<128x128xf32>, vector<128x128xf32> -> vector<128x128xf32>
    %add3A_345 = vector.broadcast %add3A_341 : vector<1x128xf32> to vector<128x128xf32>
    %add3A_346 = arith.addf %dot_general3A_344, %add3A_345 : vector<128x128xf32>
    %reduce_sum3A_347 = arith.constant dense<0.000000e+00> : vector<128xf32>
    %reduce_sum3A_348 = vector.multi_reduction <add>, %slice3A_342, %reduce_sum3A_347 [0] : vector<128x128xf32> to vector<128xf32>
    %broadcast_in_dim3A_349 = vector.shape_cast %reduce_sum3A_348 : vector<128xf32> to vector<1x128xf32>
    %add3A_350 = arith.addf %add3A_341, %broadcast_in_dim3A_349 : vector<1x128xf32>
    %slice3A_351 = vector.extract_strided_slice %mul3A_40 {offsets = [1920, 0], sizes = [128, 128], strides = [1, 1]} : vector<2432x128xf32> to vector<128x128xf32>
    %dot_general3A_352 = arith.constant dense<0.000000e+00> : vector<128x128xf32>
    %dot_general3A_353 = tpu.matmul %convert_element_type3A_45, %slice3A_351, %dot_general3A_352 {dimension_numbers = #tpu.dot_dimension_numbers<[1], [0], [0], [1], [0, 0, 1, 1], [], []>, transpose_lhs_hint = false} : vector<128x128xf32>, vector<128x128xf32>, vector<128x128xf32> -> vector<128x128xf32>
    %add3A_354 = vector.broadcast %add3A_350 : vector<1x128xf32> to vector<128x128xf32>
    %add3A_355 = arith.addf %dot_general3A_353, %add3A_354 : vector<128x128xf32>
    %reduce_sum3A_356 = arith.constant dense<0.000000e+00> : vector<128xf32>
    %reduce_sum3A_357 = vector.multi_reduction <add>, %slice3A_351, %reduce_sum3A_356 [0] : vector<128x128xf32> to vector<128xf32>
    %broadcast_in_dim3A_358 = vector.shape_cast %reduce_sum3A_357 : vector<128xf32> to vector<1x128xf32>
    %add3A_359 = arith.addf %add3A_350, %broadcast_in_dim3A_358 : vector<1x128xf32>
    %slice3A_360 = vector.extract_strided_slice %mul3A_40 {offsets = [2048, 0], sizes = [128, 128], strides = [1, 1]} : vector<2432x128xf32> to vector<128x128xf32>
    %dot_general3A_361 = arith.constant dense<0.000000e+00> : vector<128x128xf32>
    %dot_general3A_362 = tpu.matmul %convert_element_type3A_45, %slice3A_360, %dot_general3A_361 {dimension_numbers = #tpu.dot_dimension_numbers<[1], [0], [0], [1], [0, 0, 1, 1], [], []>, transpose_lhs_hint = false} : vector<128x128xf32>, vector<128x128xf32>, vector<128x128xf32> -> vector<128x128xf32>
    %add3A_363 = vector.broadcast %add3A_359 : vector<1x128xf32> to vector<128x128xf32>
    %add3A_364 = arith.addf %dot_general3A_362, %add3A_363 : vector<128x128xf32>
    %reduce_sum3A_365 = arith.constant dense<0.000000e+00> : vector<128xf32>
    %reduce_sum3A_366 = vector.multi_reduction <add>, %slice3A_360, %reduce_sum3A_365 [0] : vector<128x128xf32> to vector<128xf32>
    %broadcast_in_dim3A_367 = vector.shape_cast %reduce_sum3A_366 : vector<128xf32> to vector<1x128xf32>
    %add3A_368 = arith.addf %add3A_359, %broadcast_in_dim3A_367 : vector<1x128xf32>
    %slice3A_369 = vector.extract_strided_slice %mul3A_40 {offsets = [2176, 0], sizes = [128, 128], strides = [1, 1]} : vector<2432x128xf32> to vector<128x128xf32>
    %dot_general3A_370 = arith.constant dense<0.000000e+00> : vector<128x128xf32>
    %dot_general3A_371 = tpu.matmul %convert_element_type3A_45, %slice3A_369, %dot_general3A_370 {dimension_numbers = #tpu.dot_dimension_numbers<[1], [0], [0], [1], [0, 0, 1, 1], [], []>, transpose_lhs_hint = false} : vector<128x128xf32>, vector<128x128xf32>, vector<128x128xf32> -> vector<128x128xf32>
    %add3A_372 = vector.broadcast %add3A_368 : vector<1x128xf32> to vector<128x128xf32>
    %add3A_373 = arith.addf %dot_general3A_371, %add3A_372 : vector<128x128xf32>
    %reduce_sum3A_374 = arith.constant dense<0.000000e+00> : vector<128xf32>
    %reduce_sum3A_375 = vector.multi_reduction <add>, %slice3A_369, %reduce_sum3A_374 [0] : vector<128x128xf32> to vector<128xf32>
    %broadcast_in_dim3A_376 = vector.shape_cast %reduce_sum3A_375 : vector<128xf32> to vector<1x128xf32>
    %add3A_377 = arith.addf %add3A_368, %broadcast_in_dim3A_376 : vector<1x128xf32>
    %slice3A_378 = vector.extract_strided_slice %mul3A_40 {offsets = [2304, 0], sizes = [128, 128], strides = [1, 1]} : vector<2432x128xf32> to vector<128x128xf32>
    %dot_general3A_379 = arith.constant dense<0.000000e+00> : vector<128x128xf32>
    %dot_general3A_380 = tpu.matmul %convert_element_type3A_45, %slice3A_378, %dot_general3A_379 {dimension_numbers = #tpu.dot_dimension_numbers<[1], [0], [0], [1], [0, 0, 1, 1], [], []>, transpose_lhs_hint = false} : vector<128x128xf32>, vector<128x128xf32>, vector<128x128xf32> -> vector<128x128xf32>
    %add3A_381 = vector.broadcast %add3A_377 : vector<1x128xf32> to vector<128x128xf32>
    %add3A_382 = arith.addf %dot_general3A_380, %add3A_381 : vector<128x128xf32>
    %reduce_sum3A_383 = arith.constant dense<0.000000e+00> : vector<128xf32>
    %reduce_sum3A_384 = vector.multi_reduction <add>, %slice3A_378, %reduce_sum3A_383 [0] : vector<128x128xf32> to vector<128xf32>
    %broadcast_in_dim3A_385 = vector.shape_cast %reduce_sum3A_384 : vector<128xf32> to vector<1x128xf32>
    %add3A_386 = arith.addf %add3A_377, %broadcast_in_dim3A_385 : vector<1x128xf32>
    %concatenate3A_387 = tpu.concatenate %add3A_220, %add3A_229, %add3A_238, %add3A_247, %add3A_256, %add3A_265, %add3A_274, %add3A_283, %add3A_292, %add3A_301, %add3A_310, %add3A_319, %add3A_328, %add3A_337, %add3A_346, %add3A_355, %add3A_364, %add3A_373, %add3A_382 in 0 : vector<128x128xf32>, vector<128x128xf32>, vector<128x128xf32>, vector<128x128xf32>, vector<128x128xf32>, vector<128x128xf32>, vector<128x128xf32>, vector<128x128xf32>, vector<128x128xf32>, vector<128x128xf32>, vector<128x128xf32>, vector<128x128xf32>, vector<128x128xf32>, vector<128x128xf32>, vector<128x128xf32>, vector<128x128xf32>, vector<128x128xf32>, vector<128x128xf32>, vector<128x128xf32> -> vector<2432x128xf32>
    %add3A_388 = arith.constant 2.550000e+02 : f32
    %add3A_389 = vector.broadcast %add3A_388 : f32 to vector<1x128xf32>
    %add3A_390 = arith.addf %add3A_386, %add3A_389 : vector<1x128xf32>
    %div3A = arith.constant 2.560000e+02 : f32
    %div3A_391 = vector.broadcast %div3A : f32 to vector<1x128xf32>
    %div3A_392 = arith.divf %add3A_390, %div3A_391 : vector<1x128xf32>
    %floor3A = math.floor %div3A_392 : vector<1x128xf32>
    %iota3A_393 = tpu.iota {dimensions = array<i32: 0>} : vector<128x128xi32>
    %iota3A_394 = tpu.iota {dimensions = array<i32: 1>} : vector<128x128xi32>
    %lt3A_395 = arith.cmpi slt, %iota3A_393, %iota3A_394 : vector<128x128xi32>
    %convert_element_type3A_396 = arith.extui %lt3A_395 : vector<128x128xi1> to vector<128x128xi32>
    %convert_element_type3A_397 = arith.sitofp %convert_element_type3A_396 : vector<128x128xi32> to vector<128x128xf32>
    %dot_general3A_398 = arith.constant dense<0.000000e+00> : vector<1x128xf32>
    %dot_general3A_399 = tpu.matmul %floor3A, %convert_element_type3A_397, %dot_general3A_398 {dimension_numbers = #tpu.dot_dimension_numbers<[1], [0], [0], [1], [0, 0, 1, 1], [], []>, transpose_lhs_hint = false} : vector<1x128xf32>, vector<128x128xf32>, vector<1x128xf32> -> vector<1x128xf32>
    %mul3A_400 = arith.constant 2.560000e+02 : f32
    %mul3A_401 = vector.broadcast %mul3A_400 : f32 to vector<1x128xf32>
    %mul3A_402 = arith.mulf %dot_general3A_399, %mul3A_401 : vector<1x128xf32>
    %add3A_403 = vector.broadcast %mul3A_402 : vector<1x128xf32> to vector<2432x128xf32>
    %add3A_404 = arith.addf %add3A_403, %concatenate3A : vector<2432x128xf32>
    %mul3A_405 = arith.mulf %mul3A, %add3A_404 : vector<2432x128xf32>
    %reduce_sum3A_406 = arith.constant dense<0.000000e+00> : vector<2432xf32>
    %reduce_sum3A_407 = vector.multi_reduction <add>, %mul3A_405, %reduce_sum3A_406 [1] : vector<2432x128xf32> to vector<2432xf32>
    %broadcast_in_dim3A_408 = vector.shape_cast %reduce_sum3A_407 : vector<2432xf32> to vector<2432x1xf32>
    %add3A_409 = vector.broadcast %mul3A_402 : vector<1x128xf32> to vector<2432x128xf32>
    %add3A_410 = arith.addf %add3A_409, %concatenate3A_387 : vector<2432x128xf32>
    %mul3A_411 = arith.mulf %mul3A_40, %add3A_410 : vector<2432x128xf32>
    %reduce_sum3A_412 = arith.constant dense<0.000000e+00> : vector<2432xf32>
    %reduce_sum3A_413 = vector.multi_reduction <add>, %mul3A_411, %reduce_sum3A_412 [1] : vector<2432x128xf32> to vector<2432xf32>
    %broadcast_in_dim3A_414 = vector.shape_cast %reduce_sum3A_413 : vector<2432xf32> to vector<2432x1xf32>
    %gt3A = arith.constant 0.000000e+00 : f32
    %gt3A_415 = vector.broadcast %gt3A : f32 to vector<2432x1xf32>
    %gt3A_416 = arith.cmpf ogt, %slice3A, %gt3A_415 : vector<2432x1xf32>
    %jit3A_417 = arith.constant 7.167000e+03 : f32
    %broadcast_in_dim3A_418 = vector.broadcast %jit3A_417 : f32 to vector<2432x1xf32>
    %select_n3A_419 = arith.select %gt3A_416, %broadcast_in_dim3A_408, %broadcast_in_dim3A_418 : vector<2432x1xi1>, vector<2432x1xf32>
    %convert_element_type3A_420 = arith.fptosi %select_n3A_419 : vector<2432x1xf32> to vector<2432x1xi32>
    %swap3A = arith.constant 0 : index
    %swap3A_421 = arith.constant 0 : index
    %swap3A_422 = vector.load %arg2[%swap3A, %swap3A_421] : memref<2432x1xi32, #tpu.memory_space<vmem>>, vector<2432x1xi32>
    tpu.vector_store %arg2[%swap3A, %swap3A_421], %convert_element_type3A_420 {strides = array<i32>} : memref<2432x1xi32, #tpu.memory_space<vmem>>, vector<2432x1xi32>,
    %gt3A_423 = arith.constant 0.000000e+00 : f32
    %gt3A_424 = vector.broadcast %gt3A_423 : f32 to vector<2432x1xf32>
    %gt3A_425 = arith.cmpf ogt, %slice3A, %gt3A_424 : vector<2432x1xf32>
    %jit3A_426 = arith.constant 7.167000e+03 : f32
    %broadcast_in_dim3A_427 = vector.broadcast %jit3A_426 : f32 to vector<2432x1xf32>
    %select_n3A_428 = arith.select %gt3A_425, %broadcast_in_dim3A_414, %broadcast_in_dim3A_427 : vector<2432x1xi1>, vector<2432x1xf32>
    %convert_element_type3A_429 = arith.fptosi %select_n3A_428 : vector<2432x1xf32> to vector<2432x1xi32>
    %swap3A_430 = arith.constant 0 : index
    %swap3A_431 = arith.constant 0 : index
    %swap3A_432 = vector.load %arg3[%swap3A_430, %swap3A_431] : memref<2432x1xi32, #tpu.memory_space<vmem>>, vector<2432x1xi32>
    tpu.vector_store %arg3[%swap3A_430, %swap3A_431], %convert_element_type3A_429 {strides = array<i32>} : memref<2432x1xi32, #tpu.memory_space<vmem>>, vector<2432x1xi32>,
    %iota3A_433 = tpu.iota {dimensions = array<i32: 0>} : vector<32x128xi32>
    %iota3A_434 = tpu.iota {dimensions = array<i32: 1>} : vector<32x128xi32>
    %convert_element_type3A_435 = arith.fptosi %dot_general3A_399 : vector<1x128xf32> to vector<1x128xi32>
    %le3A = vector.broadcast %convert_element_type3A_435 : vector<1x128xi32> to vector<32x128xi32>
    %le3A_436 = arith.cmpi sle, %le3A, %iota3A_433 : vector<32x128xi32>
    %lt3A_437 = arith.constant 8 : i32
    %lt3A_438 = vector.broadcast %lt3A_437 : i32 to vector<32x128xi32>
    %lt3A_439 = arith.cmpi slt, %iota3A_434, %lt3A_438 : vector<32x128xi32>
    %and3A_440 = arith.andi %le3A_436, %lt3A_439 : vector<32x128xi1>
    %jit3A_441 = arith.constant 0 : i32
    %broadcast_in_dim3A_442 = vector.broadcast %jit3A_441 : i32 to vector<32x128xi32>
    %select_n3A_443 = arith.select %and3A_440, %iota3A_434, %broadcast_in_dim3A_442 : vector<32x128xi1>, vector<32x128xi32>
    %reduce_max3A = arith.constant dense<-2147483648> : vector<32xi32>
    %reduce_max3A_444 = vector.multi_reduction <maxsi>, %select_n3A_443, %reduce_max3A [1] : vector<32x128xi32> to vector<32xi32>
    %broadcast_in_dim3A_445 = vector.shape_cast %reduce_max3A_444 : vector<32xi32> to vector<32x1xi32>
    %swap3A_446 = arith.constant 0 : index
    %swap3A_447 = arith.constant 0 : index
    %swap3A_448 = vector.load %arg4[%swap3A_446, %swap3A_447] : memref<32x1xi32, #tpu.memory_space<vmem>>, vector<32x1xi32>
    tpu.vector_store %arg4[%swap3A_446, %swap3A_447], %broadcast_in_dim3A_445 {strides = array<i32>} : memref<32x1xi32, #tpu.memory_space<vmem>>, vector<32x1xi32>,
    return
  }
}

module attributes {stable_mosaic.version = 14 : i64} {
  func.func @_ffn1_body(%arg0: i32, %arg1: memref<32xi32, #tpu.memory_space<smem>>, %arg2: memref<256x1024xf32, #tpu.memory_space<vmem>>, %arg3: memref<1x1024x1024xf32, #tpu.memory_space<vmem>>, %arg4: memref<1x1x1024xf32, #tpu.memory_space<vmem>>, %arg5: memref<256x1024xf32, #tpu.memory_space<vmem>>) attributes {dimension_semantics = [#tpu.dimension_semantics<arbitrary>], iteration_bounds = array<i64: 28>, scalar_prefetch = 1 : i64, scratch_operands = 0 : i64, tpu.core_type = #tpu.core_type<tc>, window_params = [{transform_indices = @transform_0, window_bounds = array<i64: 256, 1024>}, {transform_indices = @transform_1, window_bounds = array<i64: 1, 1024, 1024>}, {transform_indices = @transform_2, window_bounds = array<i64: 1, 1, 1024>}, {transform_indices = @transform_3, window_bounds = array<i64: 256, 1024>}]} {
    %get3A = arith.constant 0 : index
    %get3A_0 = arith.constant 0 : index
    %get3A_1 = vector.load %arg2[%get3A, %get3A_0] : memref<256x1024xf32, #tpu.memory_space<vmem>>, vector<256x1024xf32>
    %eq3A = arith.cmpf oeq, %get3A_1, %get3A_1 : vector<256x1024xf32>
    %jit3A = arith.constant 0.000000e+00 : f32
    %broadcast_in_dim3A = vector.broadcast %jit3A : f32 to vector<256x1024xf32>
    %select_n3A = arith.select %eq3A, %get3A_1, %broadcast_in_dim3A : vector<256x1024xi1>, vector<256x1024xf32>
    %jit3A_2 = arith.constant -1.000000e+30 : f32
    %jit3A_3 = arith.constant 1.000000e+30 : f32
    %max3A = vector.broadcast %jit3A_2 : f32 to vector<256x1024xf32>
    %max3A_4 = arith.maximumf %max3A, %select_n3A : vector<256x1024xf32>
    %min3A = vector.broadcast %jit3A_3 : f32 to vector<256x1024xf32>
    %min3A_5 = arith.minimumf %min3A, %max3A_4 : vector<256x1024xf32>
    %get3A_6 = arith.constant 0 : index
    %get3A_7 = arith.constant 0 : index
    %get3A_8 = arith.constant 0 : index
    %get3A_9 = vector.load %arg3[%get3A_6, %get3A_7, %get3A_8] : memref<1x1024x1024xf32, #tpu.memory_space<vmem>>, vector<1x1024x1024xf32>
    %get3A_10 = vector.shape_cast %get3A_9 : vector<1x1024x1024xf32> to vector<1024x1024xf32>
    %dot_general3A = arith.constant dense<0.000000e+00> : vector<256x1024xf32>
    %dot_general3A_11 = tpu.matmul %min3A_5, %get3A_10, %dot_general3A {dimension_numbers = #tpu.dot_dimension_numbers<[1], [0], [0], [1], [0, 0, 1, 1], [], []>, transpose_lhs_hint = false} : vector<256x1024xf32>, vector<1024x1024xf32>, vector<256x1024xf32> -> vector<256x1024xf32>
    %get3A_12 = arith.constant 0 : index
    %get3A_13 = arith.constant 0 : index
    %get3A_14 = arith.constant 0 : index
    %get3A_15 = vector.load %arg4[%get3A_12, %get3A_13, %get3A_14] : memref<1x1x1024xf32, #tpu.memory_space<vmem>>, vector<1x1x1024xf32>
    %get3A_16 = vector.shape_cast %get3A_15 : vector<1x1x1024xf32> to vector<1x1024xf32>
    %add3A = vector.broadcast %get3A_16 : vector<1x1024xf32> to vector<256x1024xf32>
    %add3A_17 = arith.addf %dot_general3A_11, %add3A : vector<256x1024xf32>
    %swap3A = arith.constant 0 : index
    %swap3A_18 = arith.constant 0 : index
    %swap3A_19 = vector.load %arg5[%swap3A, %swap3A_18] : memref<256x1024xf32, #tpu.memory_space<vmem>>, vector<256x1024xf32>
    tpu.vector_store %arg5[%swap3A, %swap3A_18], %add3A_17 {strides = array<i32>} : memref<256x1024xf32, #tpu.memory_space<vmem>>, vector<256x1024xf32>,
    return
  }
  func.func @transform_0(%arg0: i32, %arg1: memref<32xi32, #tpu.memory_space<smem>>) -> (i32, i32) {
    %c0_i32 = arith.constant 0 : i32
    %c0_i32_0 = arith.constant 0 : i32
    return %arg0, %c0_i32 : i32, i32
  }
  func.func @transform_1(%arg0: i32, %arg1: memref<32xi32, #tpu.memory_space<smem>>) -> (i32, i32, i32) {
    %get3A = arith.index_cast %arg0 : i32 to index
    %get3A_0 = memref.load %arg1[%get3A] : memref<32xi32, #tpu.memory_space<smem>>
    %c0_i32 = arith.constant 0 : i32
    %c0_i32_1 = arith.constant 0 : i32
    %c0_i32_2 = arith.constant 0 : i32
    return %get3A_0, %c0_i32, %c0_i32_1 : i32, i32, i32
  }
  func.func @transform_2(%arg0: i32, %arg1: memref<32xi32, #tpu.memory_space<smem>>) -> (i32, i32, i32) {
    %get3A = arith.index_cast %arg0 : i32 to index
    %get3A_0 = memref.load %arg1[%get3A] : memref<32xi32, #tpu.memory_space<smem>>
    %c0_i32 = arith.constant 0 : i32
    %c0_i32_1 = arith.constant 0 : i32
    %c0_i32_2 = arith.constant 0 : i32
    return %get3A_0, %c0_i32, %c0_i32_1 : i32, i32, i32
  }
  func.func @transform_3(%arg0: i32, %arg1: memref<32xi32, #tpu.memory_space<smem>>) -> (i32, i32) {
    %c0_i32 = arith.constant 0 : i32
    %c0_i32_0 = arith.constant 0 : i32
    return %arg0, %c0_i32 : i32, i32
  }
}

module attributes {stable_mosaic.version = 14 : i64} {
  func.func @_ffn2_body(%arg0: i32, %arg1: memref<32xi32, #tpu.memory_space<smem>>, %arg2: memref<256x1024xf32, #tpu.memory_space<vmem>>, %arg3: memref<1x1024x1024xf32, #tpu.memory_space<vmem>>, %arg4: memref<1x1x1024xf32, #tpu.memory_space<vmem>>, %arg5: memref<256x1024xf32, #tpu.memory_space<vmem>>) attributes {dimension_semantics = [#tpu.dimension_semantics<arbitrary>], iteration_bounds = array<i64: 28>, scalar_prefetch = 1 : i64, scratch_operands = 0 : i64, tpu.core_type = #tpu.core_type<tc>, window_params = [{transform_indices = @transform_0, window_bounds = array<i64: 256, 1024>}, {transform_indices = @transform_1, window_bounds = array<i64: 1, 1024, 1024>}, {transform_indices = @transform_2, window_bounds = array<i64: 1, 1, 1024>}, {transform_indices = @transform_3, window_bounds = array<i64: 256, 1024>}]} {
    %get3A = arith.constant 0 : index
    %get3A_0 = arith.constant 0 : index
    %get3A_1 = vector.load %arg2[%get3A, %get3A_0] : memref<256x1024xf32, #tpu.memory_space<vmem>>, vector<256x1024xf32>
    %get3A_2 = arith.constant 0 : index
    %get3A_3 = arith.constant 0 : index
    %get3A_4 = arith.constant 0 : index
    %get3A_5 = vector.load %arg3[%get3A_2, %get3A_3, %get3A_4] : memref<1x1024x1024xf32, #tpu.memory_space<vmem>>, vector<1x1024x1024xf32>
    %get3A_6 = vector.shape_cast %get3A_5 : vector<1x1024x1024xf32> to vector<1024x1024xf32>
    %dot_general3A = arith.constant dense<0.000000e+00> : vector<256x1024xf32>
    %dot_general3A_7 = tpu.matmul %get3A_1, %get3A_6, %dot_general3A {dimension_numbers = #tpu.dot_dimension_numbers<[1], [0], [0], [1], [0, 0, 1, 1], [], []>, transpose_lhs_hint = false} : vector<256x1024xf32>, vector<1024x1024xf32>, vector<256x1024xf32> -> vector<256x1024xf32>
    %get3A_8 = arith.constant 0 : index
    %get3A_9 = arith.constant 0 : index
    %get3A_10 = arith.constant 0 : index
    %get3A_11 = vector.load %arg4[%get3A_8, %get3A_9, %get3A_10] : memref<1x1x1024xf32, #tpu.memory_space<vmem>>, vector<1x1x1024xf32>
    %get3A_12 = vector.shape_cast %get3A_11 : vector<1x1x1024xf32> to vector<1x1024xf32>
    %add3A = vector.broadcast %get3A_12 : vector<1x1024xf32> to vector<256x1024xf32>
    %add3A_13 = arith.addf %dot_general3A_7, %add3A : vector<256x1024xf32>
    %swap3A = arith.constant 0 : index
    %swap3A_14 = arith.constant 0 : index
    %swap3A_15 = vector.load %arg5[%swap3A, %swap3A_14] : memref<256x1024xf32, #tpu.memory_space<vmem>>, vector<256x1024xf32>
    tpu.vector_store %arg5[%swap3A, %swap3A_14], %add3A_13 {strides = array<i32>} : memref<256x1024xf32, #tpu.memory_space<vmem>>, vector<256x1024xf32>,
    return
  }
  func.func @transform_0(%arg0: i32, %arg1: memref<32xi32, #tpu.memory_space<smem>>) -> (i32, i32) {
    %c0_i32 = arith.constant 0 : i32
    %c0_i32_0 = arith.constant 0 : i32
    return %arg0, %c0_i32 : i32, i32
  }
  func.func @transform_1(%arg0: i32, %arg1: memref<32xi32, #tpu.memory_space<smem>>) -> (i32, i32, i32) {
    %get3A = arith.index_cast %arg0 : i32 to index
    %get3A_0 = memref.load %arg1[%get3A] : memref<32xi32, #tpu.memory_space<smem>>
    %c0_i32 = arith.constant 0 : i32
    %c0_i32_1 = arith.constant 0 : i32
    %c0_i32_2 = arith.constant 0 : i32
    return %get3A_0, %c0_i32, %c0_i32_1 : i32, i32, i32
  }
  func.func @transform_2(%arg0: i32, %arg1: memref<32xi32, #tpu.memory_space<smem>>) -> (i32, i32, i32) {
    %get3A = arith.index_cast %arg0 : i32 to index
    %get3A_0 = memref.load %arg1[%get3A] : memref<32xi32, #tpu.memory_space<smem>>
    %c0_i32 = arith.constant 0 : i32
    %c0_i32_1 = arith.constant 0 : i32
    %c0_i32_2 = arith.constant 0 : i32
    return %get3A_0, %c0_i32, %c0_i32_1 : i32, i32, i32
  }
  func.func @transform_3(%arg0: i32, %arg1: memref<32xi32, #tpu.memory_space<smem>>) -> (i32, i32) {
    %c0_i32 = arith.constant 0 : i32
    %c0_i32_0 = arith.constant 0 : i32
    return %arg0, %c0_i32 : i32, i32
  }
}

module attributes {stable_mosaic.version = 14 : i64} {
  func.func @_final_body(%arg0: memref<808x1024xf32, #tpu.memory_space<vmem>>, %arg1: memref<808x1024xf32, #tpu.memory_space<vmem>>, %arg2: memref<1x1024xf32, #tpu.memory_space<vmem>>, %arg3: memref<1x1024xf32, #tpu.memory_space<vmem>>, %arg4: memref<1024x128xf32, #tpu.memory_space<vmem>>, %arg5: memref<1x128xf32, #tpu.memory_space<vmem>>, %arg6: memref<808x128xf32, #tpu.memory_space<vmem>>) attributes {dimension_semantics = [], scalar_prefetch = 0 : i64, scratch_operands = 0 : i64, tpu.core_type = #tpu.core_type<tc>} {
    %get3A = arith.constant 0 : index
    %get3A_0 = arith.constant 0 : index
    %get3A_1 = vector.load %arg0[%get3A, %get3A_0] : memref<808x1024xf32, #tpu.memory_space<vmem>>, vector<808x1024xf32>
    %get3A_2 = arith.constant 0 : index
    %get3A_3 = arith.constant 0 : index
    %get3A_4 = vector.load %arg1[%get3A_2, %get3A_3] : memref<808x1024xf32, #tpu.memory_space<vmem>>, vector<808x1024xf32>
    %add3A = arith.addf %get3A_1, %get3A_4 : vector<808x1024xf32>
    %get3A_5 = arith.constant 0 : index
    %get3A_6 = arith.constant 0 : index
    %get3A_7 = vector.load %arg2[%get3A_5, %get3A_6] : memref<1x1024xf32, #tpu.memory_space<vmem>>, vector<1x1024xf32>
    %get3A_8 = arith.constant 0 : index
    %get3A_9 = arith.constant 0 : index
    %get3A_10 = vector.load %arg3[%get3A_8, %get3A_9] : memref<1x1024xf32, #tpu.memory_space<vmem>>, vector<1x1024xf32>
    %reduce_sum3A = arith.constant dense<0.000000e+00> : vector<808xf32>
    %reduce_sum3A_11 = vector.multi_reduction <add>, %add3A, %reduce_sum3A [1] : vector<808x1024xf32> to vector<808xf32>
    %broadcast_in_dim3A = vector.shape_cast %reduce_sum3A_11 : vector<808xf32> to vector<808x1xf32>
    %div3A = arith.constant 1.024000e+03 : f32
    %div3A_12 = vector.broadcast %div3A : f32 to vector<808x1xf32>
    %div3A_13 = arith.divf %broadcast_in_dim3A, %div3A_12 : vector<808x1xf32>
    %sub3A = vector.broadcast %div3A_13 : vector<808x1xf32> to vector<808x1024xf32>
    %sub3A_14 = arith.subf %add3A, %sub3A : vector<808x1024xf32>
    %integer_pow3A = arith.mulf %sub3A_14, %sub3A_14 : vector<808x1024xf32>
    %reduce_sum3A_15 = arith.constant dense<0.000000e+00> : vector<808xf32>
    %reduce_sum3A_16 = vector.multi_reduction <add>, %integer_pow3A, %reduce_sum3A_15 [1] : vector<808x1024xf32> to vector<808xf32>
    %broadcast_in_dim3A_17 = vector.shape_cast %reduce_sum3A_16 : vector<808xf32> to vector<808x1xf32>
    %div3A_18 = arith.constant 1.024000e+03 : f32
    %div3A_19 = vector.broadcast %div3A_18 : f32 to vector<808x1xf32>
    %div3A_20 = arith.divf %broadcast_in_dim3A_17, %div3A_19 : vector<808x1xf32>
    %sub3A_21 = vector.broadcast %div3A_13 : vector<808x1xf32> to vector<808x1024xf32>
    %sub3A_22 = arith.subf %add3A, %sub3A_21 : vector<808x1024xf32>
    %add3A_23 = arith.constant 9.99999974E-6 : f32
    %add3A_24 = vector.broadcast %add3A_23 : f32 to vector<808x1xf32>
    %add3A_25 = arith.addf %div3A_20, %add3A_24 : vector<808x1xf32>
    %sqrt3A = math.sqrt %add3A_25 : vector<808x1xf32>
    %div3A_26 = vector.broadcast %sqrt3A : vector<808x1xf32> to vector<808x1024xf32>
    %div3A_27 = arith.divf %sub3A_22, %div3A_26 : vector<808x1024xf32>
    %mul3A = vector.broadcast %get3A_7 : vector<1x1024xf32> to vector<808x1024xf32>
    %mul3A_28 = arith.mulf %div3A_27, %mul3A : vector<808x1024xf32>
    %add3A_29 = vector.broadcast %get3A_10 : vector<1x1024xf32> to vector<808x1024xf32>
    %add3A_30 = arith.addf %mul3A_28, %add3A_29 : vector<808x1024xf32>
    %get3A_31 = arith.constant 0 : index
    %get3A_32 = arith.constant 0 : index
    %get3A_33 = vector.load %arg4[%get3A_31, %get3A_32] : memref<1024x128xf32, #tpu.memory_space<vmem>>, vector<1024x128xf32>
    %dot_general3A = arith.constant dense<0.000000e+00> : vector<808x128xf32>
    %dot_general3A_34 = tpu.matmul %add3A_30, %get3A_33, %dot_general3A {dimension_numbers = #tpu.dot_dimension_numbers<[1], [0], [0], [1], [0, 0, 1, 1], [], []>, transpose_lhs_hint = false} : vector<808x1024xf32>, vector<1024x128xf32>, vector<808x128xf32> -> vector<808x128xf32>
    %get3A_35 = arith.constant 0 : index
    %get3A_36 = arith.constant 0 : index
    %get3A_37 = vector.load %arg5[%get3A_35, %get3A_36] : memref<1x128xf32, #tpu.memory_space<vmem>>, vector<1x128xf32>
    %add3A_38 = vector.broadcast %get3A_37 : vector<1x128xf32> to vector<808x128xf32>
    %add3A_39 = arith.addf %dot_general3A_34, %add3A_38 : vector<808x128xf32>
    %tanh3A = math.tanh %add3A_39 : vector<808x128xf32>
    %swap3A = arith.constant 0 : index
    %swap3A_40 = arith.constant 0 : index
    %swap3A_41 = vector.load %arg6[%swap3A, %swap3A_40] : memref<808x128xf32, #tpu.memory_space<vmem>>, vector<808x128xf32>
    tpu.vector_store %arg6[%swap3A, %swap3A_40], %tanh3A {strides = array<i32>} : memref<808x128xf32, #tpu.memory_space<vmem>>, vector<808x128xf32>,
    return
  }
}

</mosaic_0001>

<sc_bundles>
// kernel: kernel.23.cloned.1.call-start
scs
__scs_entry_jumppad:
0x0: {  	(pc) =	sbr.rel $0x88, $3  }
0x1: {  	(tag) =	ssettag $0x0;
	lr =	simm.s32 $0x1  }
0x2: {  	[smem:$0x3F77] =	sst lr;
	_ =	strace $0xD0000000  }
0x3: {  	_ = 	snop  }
0x4: {  	_ = 	snop  }
0x5: {  	_ = 	snop  }
0x6: {  	_ = 	snop  }
0x7: {  	_ = 	snop  }
__scs_overlays_trampoline_lowered:
0x8: {  	[smem:$0x3F86] =	sst s0  }
0x9: {  	[smem:$0x3F87] =	sst s1  }
0xa: {  	[smem:$0x3F88] =	sst s2  }
0xb: {  	[smem:$0x3F89] =	sst s3  }
0xc: {  	[smem:$0x3F8A] =	sst s4  }
0xd: {  	[smem:$0x3F8B] =	sst s5  }
0xe: {  	[smem:$0x3F8C] =	sst s6  }
0xf: {  	[smem:$0x3F8D] =	sst s7  }
0x10: {  	[smem:$0x3F8E] =	sst s8  }
0x11: {  	[smem:$0x3F8F] =	sst s9;
	s0 =	simm.s32 @!p0 $0x0  }
0x12: {  	s1 =	sld [smem:$0x3F75];
	s0 =	simm.s32 @p0 $0x1  }
0x13: {  	[smem:$0x3F90] =	sst s0;
	s0 =	simm.s32 @!p1 $0x0  }
0x14: {  	s2 =	sld [smem:$0x3F74];
	s0 =	simm.s32 @p1 $0x1  }
0x15: {  	[smem:$0x3F91] =	sst s0;
	s0 =	simm.s32 @!p2 $0x0  }
0x16: {  	s3 =	sld [smem:$0x3FDB];
	s0 =	simm.s32 @p2 $0x1  }
0x17: {  	s4 =	simm.s32 $0x1BF5;
	[smem:$0x3F93] =	sst s0  }
0x18: {  	s0 =	sld [smem:$0x3F76];
	_ =	swait.ge [sflag:s4], $0x0  }
0x19: {  	s7 =	sld [smem:$0x3F77]  }
0x1a: {  	s8 =	sadd.s32 $0xFFFFE003, lr  }
0x1b: {  	s9 =	sadd.s32 $0xFFFFFEF7, lr;
	s5 =	simm.s32 $0xFFFFFFFF;
	p2 =	slt.u32 s8, $0xFFFFF086  }
0x1c: {  	p1 =	slt.u32 s9, $0xF7A;
	s5 =	simm.s32 @!p2 $0x0  }
0x1d: {  	s5 =	simm.s32 @p1 $0x1;
	p0 =	seq.s32 s7, s2  }
0x1e: {  	s7 =	smul.u32 @!p0 $0xF7A, s2;
	p2 =	seq.s32 @!p0 s5, $0x0  }
0x1f: {  	s9 =	smul.u32 $0xF7A, s1;
	s8 =	simm.s32 @!p0 $0x1BF5;
	p2 =	por !p2, p0  }
0x20: {  	[sflag:s8] =	ssyncset.s32 @!p0 $0xFFFFF086;
	s6 =	sadd.s32 @!p0 s3, s7;
	s7 =	simm.s32 @!p0 $0x108  }
0x21: {  	s3 =	sadd.s32 s3, s9;
	s6 =	sadd.s32 @!p0 $0x88, s6;
	s7 =	simm.s32 @p2 $0x1082  }
0x22: {  	[simem:s7], [sflag:s8] =	dma.local @!p0 [hbm:s6], $0xF7A  }
0x23: {  	s9 =	sor.u32 $0xD0000000, s2;
	s6 =	simm.s32 $0x108;
	_ =	swait.ge @!p0 [sflag:s8], $0x0  }
0x24: {  	s3 =	sadd.s32 $0x88, s3;
	s6 =	simm.s32 @!p1 $0x1082;
	[sflag:s4] =	ssyncset.s32 $0xFFFFF086  }
0x25: {  	[simem:s6], [sflag:s4] =	dma.local [hbm:s3], $0xF7A  }
0x26: {  	[smem:$0x3F77] =	sst s1;
	(tag) =	ssettag s2;
	_ =	strace s9  }
0x27: {  	s1 =	sld [smem:$0x3F87]  }
0x28: {  	s2 =	sld [smem:$0x3F88]  }
0x29: {  	s4 =	sld [smem:$0x3F8A]  }
0x2a: {  	p0 =	seq.s32 s5, $0x0;
	s5 =	sld [smem:$0x3F8B]  }
0x2b: {  	s6 =	sld [smem:$0x3F8C]  }
0x2c: {  	s7 =	sld [smem:$0x3F8D]  }
0x2d: {  	s3 =	simm.s32 $0x108;
	s8 =	sld [smem:$0x3F8E]  }
0x2e: {  	s3 =	simm.s32 @!p0 $0x1082;
	s9 =	sld [smem:$0x3F8F]  }
0x2f: {  	lr =	sadd.s32 s0, s3;
	s0 =	sld [smem:$0x3F86]  }
0x30: {  	s3 =	sld [smem:$0x3F89]  }
0x31: {  	[smem:$0x3F92] =	sst s10  }
0x32: {  	s10 =	sld [smem:$0x3F90];
	_ =	sdelay $0x3  }
0x33: {  	p0 =	seq.s32 s10, $0x1;
	s10 =	sld [smem:$0x3F92];
	_ =	sdelay $0x3  }
0x34: {  	[smem:$0x3F92] =	sst s10  }
0x35: {  	s10 =	sld [smem:$0x3F91];
	_ =	sdelay $0x3  }
0x36: {  	p1 =	seq.s32 s10, $0x1;
	s10 =	sld [smem:$0x3F92];
	_ =	sdelay $0x3  }
0x37: {  	[smem:$0x3F92] =	sst s10  }
0x38: {  	s10 =	sld [smem:$0x3F93]  }
0x39: {  	_ = 	snop;
	(pc) =	sbr.ind lr, $3  }
0x3a: {  	_ = 	snop  }
0x3b: {  	_ = 	snop  }
0x3c: {  	p2 =	seq.s32 s10, $0x1;
	s10 =	sld [smem:$0x3F92]  }
0x3d: {  	_ =	shalt  }
0x3e: {  	_ =	shalt  }
0x3f: {  	_ =	shalt  }
0x40: {  	_ =	shalt  }
0x41: {  	_ =	shalt  }
0x42: {  	_ =	shalt  }
0x43: {  	_ =	shalt  }
0x44: {  	_ =	shalt  }
0x45: {  	_ =	shalt  }
0x46: {  	_ =	shalt  }
0x47: {  	_ =	shalt  }
0x48: {  	_ =	shalt  }
0x49: {  	_ =	shalt  }
0x4a: {  	_ =	shalt  }
0x4b: {  	_ =	shalt  }
0x4c: {  	_ =	shalt  }
0x4d: {  	_ =	shalt  }
0x4e: {  	_ =	shalt  }
0x4f: {  	_ =	shalt  }
0x50: {  	_ =	shalt  }
0x51: {  	_ =	shalt  }
0x52: {  	_ =	shalt  }
0x53: {  	_ =	shalt  }
0x54: {  	_ =	shalt  }
0x55: {  	_ =	shalt  }
0x56: {  	_ =	shalt  }
0x57: {  	_ =	shalt  }
0x58: {  	_ =	shalt  }
0x59: {  	_ =	shalt  }
0x5a: {  	_ =	shalt  }
0x5b: {  	_ =	shalt  }
0x5c: {  	_ =	shalt  }
0x5d: {  	_ =	shalt  }
0x5e: {  	_ =	shalt  }
0x5f: {  	_ =	shalt  }
0x60: {  	_ =	shalt  }
0x61: {  	_ =	shalt  }
0x62: {  	_ =	shalt  }
0x63: {  	_ =	shalt  }
0x64: {  	_ =	shalt  }
0x65: {  	_ =	shalt  }
0x66: {  	_ =	shalt  }
0x67: {  	_ =	shalt  }
0x68: {  	_ =	shalt  }
0x69: {  	_ =	shalt  }
0x6a: {  	_ =	shalt  }
0x6b: {  	_ =	shalt  }
0x6c: {  	_ =	shalt  }
0x6d: {  	_ =	shalt  }
0x6e: {  	_ =	shalt  }
0x6f: {  	_ =	shalt  }
0x70: {  	_ =	shalt  }
0x71: {  	_ =	shalt  }
0x72: {  	_ =	shalt  }
0x73: {  	_ =	shalt  }
0x74: {  	_ =	shalt  }
0x75: {  	_ =	shalt  }
0x76: {  	_ =	shalt  }
0x77: {  	_ =	shalt  }
0x78: {  	_ =	shalt  }
0x79: {  	_ =	shalt  }
0x7a: {  	_ =	shalt  }
0x7b: {  	_ =	shalt  }
0x7c: {  	_ =	shalt  }
0x7d: {  	_ =	shalt  }
0x7e: {  	_ =	shalt  }
0x7f: {  	_ =	shalt  }
0x80: {  	_ =	shalt  }
0x81: {  	_ =	shalt  }
0x82: {  	_ =	shalt  }
0x83: {  	_ =	shalt  }
0x84: {  	_ =	shalt  }
0x85: {  	_ =	shalt  }
0x86: {  	_ =	shalt  }
0x87: {  	_ =	shalt  }
.Lfunc_end0:
.L_simem_size_0:
called_computation_lowered:
.L_overlay_start_0:
0x88: {  	s2 =	sld [smem:$0x3FD9]  }
0x89: {  	s3 =	sld [smem:$0x3FFE];
	_ =	sdelay $0x1  }
0x8a: {  	s1 =	srdreg.scid  }
0x8b: {  	s0 =	sand.u32 $0x1, s1  }
0x8c: {  	s14 =	sshll.u32 s0, $0xA;
	s2 =	sadd.s32 s3, s2  }
0x8d: {  	s2 =	sadd.s32 s2, s14  }
0x8e: {  	[smem:$0x3F9E] =	sst s2  }
0x8f: {  	_ = 	snop  }
0x90: {  	s2 =	sld [smem:$0x3FD0];
	_ =	sdelay $0x2  }
0x91: {  	s15 =	simm.s32 $0xA;
	s4 =	simm.s32 $0x10  }
0x92: {  	[smem:s4], [sflag:s15] =	dma.local [hbm:s2], $0x1  }
0x93: {  	_ =	swait.eq [sflag:s15], $0x1  }
0x94: {  	[sflag:s15] =	ssyncset.done $0x0  }
0x95: {  	[sflag:s15] =	ssyncadd.s32 $0xFFFFFFFF  }
0x96: {  	s16 =	sld [smem:$0x10];
	(tm) =	ssettm $0x1  }
0x97: {  	s17 =	sld [smem:$0x3FFB];
	_ =	sdelay $0x3  }
0x98: {  	_ =	strace s17  }
0x99: {  	s3 =	sld [smem:$0x3FFC];
	_ =	sdelay $0x3  }
0x9a: {  	_ =	strace s3  }
0x9b: {  	s3 =	sld [smem:$0x3FFD];
	_ =	sdelay $0x3  }
0x9c: {  	_ =	strace s3  }
0x9d: {  	_ =	strace $0x8FFFFFFF  }
0x9e: {  	s18 =	sld [smem:$0x3FDB];
	_ =	sdelay $0x1  }
0x9f: {  	s19 =	simm.s32 $_scs_section_size  }
0xa0: {  	s5 =	simm.s32 $_size__tile_overlayer_lowered;
	s6 =	simm.s32 $_tile_overlayer_lowered  }
0xa1: {  	s22 =	simm.s32 $0x1BFF;
	s21 =	sshll.u32 s6, $0x1;
	s3 =	sadd.s32 s19, s18  }
0xa2: {  	s7 =	simm.s32 $0x0;
	s20 =	sshll.u32 s5, $0x1;
	s5 =	sadd.s32 s21, s3  }
0xa3: {  	[timem:s7], [sflag:s22] =	dma.local [hbm:s5], s20  }
0xa4: {  	_ =	swait.ge [sflag:s22], s20  }
0xa5: {  	s4 =	ssub.s32 $0x0, s20;
	[sflag:s22] =	ssyncset.done $0x0  }
0xa6: {  	[sflag:s22] =	ssyncadd.s32 s4;
	_ =	sdelay $0x1  }
0xa7: {  	s23 =	simm.s32 $0x1B8B  }
0xa8: {  	_ =	swait.ge [sflag:s23], $0x1  }
0xa9: {  	[sflag:s23] =	ssyncset.done $0x0  }
0xaa: {  	s25 =	simm.s32 $0x1B8E;
	s24 =	sld [smem:$0x3FFE];
	[sflag:s23] =	ssyncadd.s32 $0xFFFFFFFF  }
0xab: {  	s26 =	simm.s32 $execute0_lowered;
	[smem:$0x3FD2] =	sst s25  }
0xac: {  	s5 =	sshll.u32 s26, $0x1;
	_ =	strace $0x80000046;
	[dreg:$0x1] =	wrdreg $0xFFFFFFFF  }
0xad: {  	s28 =	simm.s32 $_size_execute0_lowered;
	s3 =	sadd.s32 s3, s5;
	[dreg:$0x0] =	wrdreg $0x0  }
0xae: {  	s5 =	sshll.u32 s28, $0x1;
	[dreg:$0x2] =	wrdreg s3  }
0xaf: {  	[dreg:$0x3] =	wrdreg s5  }
0xb0: {  	[dreg:$0x4] =	wrdreg $0xC0  }
0xb1: {  	_ =	task [dreg:s7], $0x5FFFF  }
0xb2: {  	[dreg:$0x1] =	wrdreg $0xFFFFFFFF  }
0xb3: {  	[dreg:$0x0] =	wrdreg $0x60  }
0xb4: {  	[dreg:$0x2] =	wrdreg s24  }
0xb5: {  	[dreg:$0x3] =	wrdreg s16  }
0xb6: {  	[dreg:$0x4] =	wrdreg $0x9  }
0xb7: {  	_ =	task.clear_ibuf [dreg:s7], $0x5FFFF;
	_ =	strace $0x90000046  }
0xb8: {  	s29 =	simm.s32 $0x9;
	_ =	strace $0x80000048  }
0xb9: {  	_ =	swait.ge [sflag:s29], $0x1  }
0xba: {  	[sflag:s29] =	ssyncadd.s32 $0xFFFFFFFF  }
0xbb: {  	_ =	strace $0x90000048  }
0xbc: {  	_ =	sfence  }
0xbd: {  	s30 =	sld [smem:$0x0];
	_ =	sdelay $0x2  }
0xbe: {  	s31 =	sshll.u32 s1, $0xD;
	s1 =	sshrl.u32 s1, $0x2  }
0xbf: {  	s3 =	sand.u32 $0x4000, s31;
	s1 =	sadd.s32 s1, s30  }
0xc0: {  	s0 =	sor.u32 s3, s0;
	s1 =	sshll.u32 s1, $0x11  }
0xc1: {  	s0 =	sor.u32 s1, s0  }
0xc2: {  	s0 =	sadd.s32 $0x8F2B, s0  }
0xc3: {  	[sflag:s0] =	ssyncadd.remote.s32 $0x1  }
0xc4: {  	_ =	sfence.sel $0xFFFF  }
0xc5: {  	[dreg:$0x0] =	wrdreg $0xFFFFFFFF;
	(pc) =	sbr.abs _section_cstart, $3  }
0xc6: {  	[dreg:$0x1] =	wrdreg $0xFFFFFFFF  }
0xc7: {  	_ =	task.clear_ibuf [dreg:s7], $0x2FFFF;
	_ =	strace $0x9FFFFFFF  }
0xc8: {  	(tm) =	ssettm $0x7FFFFFFF  }
0xc9: {  	_ =	shalt  }
tec
execute0_lowered:
.L_overlay_start_1:
0x0: {  	(tag) =	ssettag $0x1  }
0x1: {  	s0 =	srdreg.scid;
	s1 =	rddreg [dreg:$0x0]  }
0x2: {  	s2 =	stileid.u32;
	s4 =	rddreg [dreg:$0x1];
	s8 =	simm.s32 $0x100  }
0x3: {  	s29 =	simm.s32 $0x1100;
	s30 =	simm.s32 $0x1900;
	s31 =	simm.s32 $0x2100  }
0x4: {  	s10 =	simm.s32 $0x3900;
	s11 =	simm.s32 $0x4100;
	s12 =	simm.s32 $0x4900  }
0x5: {  	s13 =	simm.s32 $0x5100;
	s14 =	simm.s32 $0x5900;
	s15 =	simm.s32 $0x6100  }
0x6: {  	s16 =	simm.s32 $0x6900;
	s17 =	simm.s32 $0x7100;
	s18 =	simm.s32 $0x7900  }
0x7: {  	s19 =	simm.s32 $0x8100;
	s20 =	simm.s32 $0x8900;
	s21 =	simm.s32 $0x9100  }
0x8: {  	s22 =	simm.s32 $0x9900;
	s23 =	simm.s32 $0xA100;
	s24 =	simm.s32 $0xA900  }
0x9: {  	s25 =	simm.s32 $0xB100;
	s0 =	sand.u32 $0x1, s0;
	s2 =	sshll.u32 s2, $0x1  }
0xa: {  	s9 =	simm.s32 $0xB900;
	s3 =	sor.u32 s0, s2;
	s2 =	simm.s32 $0x0  }
0xb: {  	s0 =	ssub.s32 $0x2, s0;
	s5 =	smul.u32 $0x2800, s3;
	[smem:$0x7FF] =	sst s2  }
0xc: {  	s6 =	sshll.u32 s3, $0x5;
	s3 =	sadd.s32 $0x9D600, s1;
	s26 =	sshrl.u32 s0, $0x1  }
0xd: {  	_ =	strace $0x80000047;
	s4 =	sadd.s32 s4, s6;
	s0 =	ssub.s32 s0, s26  }
0xe: {  	v2 =	vlaneseq.u32;
	s6 =	sadd.s32 $0x9D900, s1;
	s26 =	simm.s32 $0x1;
	s5 =	sadd.s32 s5, s1  }
0xf: {  	vm0 =	vmmov $0xffff;
	v1 =	vshrl.u32 v2, $0x3;
	[dreg:$0x3] =	wrdreg s4;
	s4 =	sadd.s32 $0x9D700, s1;
	s28 =	sadd.s32 $0x4C000, s5  }
0x10: {  	v0 =	vand.u32 $0x7, v2;
	v2 =	vor.u32 $0x8, v2;
	v1 =	vmul.u32 $0x8, v1;
	s7 =	smax.u32 s0, $0x1;
	s5 =	sadd.s32 $0x9D800, s1;
	[dreg:$0x4] =	wrdreg s28  }
.LBB2_1:
0x11: {  	s28 =	rddreg [dreg:$0x3];
	s0 =	simm.s32 $0x2  }
0x12: {  	[tilespmem:s2], [sflag:$0x2] =	stream.linear.gather [hbm4b:s28+s2], $0x100, $0x38;
	[tilespmem:$0x14100] =	vst v63  }
0x13: {  	_ =	swait.ge [sflag:s0], $0x100  }
0x14: {  	[sflag:s0] =	ssyncset.done $0x0  }
0x15: {  	s1 =	rddreg [dreg:$0x4];
	[sflag:s0] =	ssyncadd.s32 $0xFFFFFF00  }
0x16: {  	[tilespmem:s8], [sflag:$0x2] =	stream.linear.gather [hbm4b:s1+s2], $0x14000, $0x38;
	[tilespmem:$0x14100] =	vst v63  }
0x17: {  	_ =	swait.ge [sflag:s0], $0x14000  }
0x18: {  	[sflag:s0] =	ssyncset.done $0x0  }
0x19: {  	[sflag:s0] =	ssyncadd.s32 $0xFFFEC000  }
0x1a: {  	v3 =	vld [tilespmem:$0x0];
	_ =	sdelay $0x4  }
0x1b: {  	v4 =	vshll.u32 v3, $0x3  }
0x1c: {  	v3 =	vand.u32 $0x7, v3;
	v4 =	vand.u32 $0xFFFFFFC0, v4  }
0x1d: {  	v3 =	vor.u32 v3, v4  }
0x1e: {  	v4 =	vperm.xlane v3, v0;
	_ =	sdelay $0x1  }
0x1f: {  	v4 =	vadd.s32 v1, v4;
	_ =	sdelay $0x4  }
0x20: {  	[hbm4b:s3+s2] =	stream.indirect_vreg.scatter [tilespmem:s8], [sflag:$0x1], $0x80, v4, vm0, $0xb8;
	[tilespmem:$0x14100] =	vst v63  }
0x21: {  	s28 =	simm.s32 $0x900;
	v3 =	vperm.xlane v3, v2  }
0x22: {  	[hbm4b:s4+s2] =	stream.indirect_vreg.scatter [tilespmem:s28], [sflag:$0x1], $0x80, v4, vm0, $0xb8;
	[tilespmem:$0x14100] =	vst v63  }
0x23: {  	v3 =	vadd.s32 v1, v3  }
0x24: {  	[hbm4b:s5+s2] =	stream.indirect_vreg.scatter [tilespmem:s29], [sflag:$0x1], $0x80, v4, vm0, $0xb8;
	[tilespmem:$0x14100] =	vst v63  }
0x25: {  	_ = 	snop  }
0x26: {  	[hbm4b:s6+s2] =	stream.indirect_vreg.scatter [tilespmem:s30], [sflag:$0x1], $0x80, v4, vm0, $0xb8;
	[tilespmem:$0x14100] =	vst v63  }
0x27: {  	_ = 	snop  }
0x28: {  	[hbm4b:s3+s2] =	stream.indirect_vreg.scatter [tilespmem:s31], [sflag:$0x1], $0x80, v3, vm0, $0xb8;
	[tilespmem:$0x14100] =	vst v63  }
0x29: {  	s1 =	simm.s32 $0x2900  }
0x2a: {  	[hbm4b:s4+s2] =	stream.indirect_vreg.scatter [tilespmem:s1], [sflag:$0x1], $0x80, v3, vm0, $0xb8;
	[tilespmem:$0x14100] =	vst v63  }
0x2b: {  	s0 =	simm.s32 $0x3100  }
0x2c: {  	[hbm4b:s5+s2] =	stream.indirect_vreg.scatter [tilespmem:s0], [sflag:$0x1], $0x80, v3, vm0, $0xb8;
	[tilespmem:$0x14100] =	vst v63  }
0x2d: {  	_ = 	snop  }
0x2e: {  	[hbm4b:s6+s2] =	stream.indirect_vreg.scatter [tilespmem:s10], [sflag:$0x1], $0x80, v3, vm0, $0xb8;
	[tilespmem:$0x14100] =	vst v63  }
0x2f: {  	v3 =	vld [tilespmem:$0x10];
	_ =	sdelay $0x4  }
0x30: {  	v55 =	vshll.u32 v3, $0x3  }
0x31: {  	v3 =	vand.u32 $0x7, v3;
	v4 =	vand.u32 $0xFFFFFFC0, v55  }
0x32: {  	v3 =	vor.u32 v3, v4  }
0x33: {  	v4 =	vperm.xlane v3, v0;
	_ =	sdelay $0x1  }
0x34: {  	v4 =	vadd.s32 v1, v4;
	_ =	sdelay $0x4  }
0x35: {  	[hbm4b:s3+s2] =	stream.indirect_vreg.scatter [tilespmem:s11], [sflag:$0x1], $0x80, v4, vm0, $0xb8;
	[tilespmem:$0x14100] =	vst v63  }
0x36: {  	v3 =	vperm.xlane v3, v2  }
0x37: {  	[hbm4b:s4+s2] =	stream.indirect_vreg.scatter [tilespmem:s12], [sflag:$0x1], $0x80, v4, vm0, $0xb8;
	[tilespmem:$0x14100] =	vst v63  }
0x38: {  	v3 =	vadd.s32 v1, v3  }
0x39: {  	[hbm4b:s5+s2] =	stream.indirect_vreg.scatter [tilespmem:s13], [sflag:$0x1], $0x80, v4, vm0, $0xb8;
	[tilespmem:$0x14100] =	vst v63  }
0x3a: {  	_ = 	snop  }
0x3b: {  	[hbm4b:s6+s2] =	stream.indirect_vreg.scatter [tilespmem:s14], [sflag:$0x1], $0x80, v4, vm0, $0xb8;
	[tilespmem:$0x14100] =	vst v63  }
0x3c: {  	_ = 	snop  }
0x3d: {  	[hbm4b:s3+s2] =	stream.indirect_vreg.scatter [tilespmem:s15], [sflag:$0x1], $0x80, v3, vm0, $0xb8;
	[tilespmem:$0x14100] =	vst v63  }
0x3e: {  	_ = 	snop  }
0x3f: {  	[hbm4b:s4+s2] =	stream.indirect_vreg.scatter [tilespmem:s16], [sflag:$0x1], $0x80, v3, vm0, $0xb8;
	[tilespmem:$0x14100] =	vst v63  }
0x40: {  	_ = 	snop  }
0x41: {  	[hbm4b:s5+s2] =	stream.indirect_vreg.scatter [tilespmem:s17], [sflag:$0x1], $0x80, v3, vm0, $0xb8;
	[tilespmem:$0x14100] =	vst v63  }
0x42: {  	_ = 	snop  }
0x43: {  	[hbm4b:s6+s2] =	stream.indirect_vreg.scatter [tilespmem:s18], [sflag:$0x1], $0x80, v3, vm0, $0xb8;
	[tilespmem:$0x14100] =	vst v63  }
0x44: {  	v3 =	vld [tilespmem:$0x20];
	_ =	sdelay $0x4  }
0x45: {  	v56 =	vshll.u32 v3, $0x3  }
0x46: {  	v3 =	vand.u32 $0x7, v3;
	v4 =	vand.u32 $0xFFFFFFC0, v56  }
0x47: {  	v3 =	vor.u32 v3, v4  }
0x48: {  	v4 =	vperm.xlane v3, v0;
	_ =	sdelay $0x1  }
0x49: {  	v4 =	vadd.s32 v1, v4;
	_ =	sdelay $0x4  }
0x4a: {  	[hbm4b:s3+s2] =	stream.indirect_vreg.scatter [tilespmem:s19], [sflag:$0x1], $0x80, v4, vm0, $0xb8;
	[tilespmem:$0x14100] =	vst v63  }
0x4b: {  	v3 =	vperm.xlane v3, v2  }
0x4c: {  	[hbm4b:s4+s2] =	stream.indirect_vreg.scatter [tilespmem:s20], [sflag:$0x1], $0x80, v4, vm0, $0xb8;
	[tilespmem:$0x14100] =	vst v63  }
0x4d: {  	v3 =	vadd.s32 v1, v3  }
0x4e: {  	[hbm4b:s5+s2] =	stream.indirect_vreg.scatter [tilespmem:s21], [sflag:$0x1], $0x80, v4, vm0, $0xb8;
	[tilespmem:$0x14100] =	vst v63  }
0x4f: {  	_ = 	snop  }
0x50: {  	[hbm4b:s6+s2] =	stream.indirect_vreg.scatter [tilespmem:s22], [sflag:$0x1], $0x80, v4, vm0, $0xb8;
	[tilespmem:$0x14100] =	vst v63  }
0x51: {  	_ = 	snop  }
0x52: {  	[hbm4b:s3+s2] =	stream.indirect_vreg.scatter [tilespmem:s23], [sflag:$0x1], $0x80, v3, vm0, $0xb8;
	[tilespmem:$0x14100] =	vst v63  }
0x53: {  	_ = 	snop  }
0x54: {  	[hbm4b:s4+s2] =	stream.indirect_vreg.scatter [tilespmem:s24], [sflag:$0x1], $0x80, v3, vm0, $0xb8;
	[tilespmem:$0x14100] =	vst v63  }
0x55: {  	_ = 	snop  }
0x56: {  	[hbm4b:s5+s2] =	stream.indirect_vreg.scatter [tilespmem:s25], [sflag:$0x1], $0x80, v3, vm0, $0xb8;
	[tilespmem:$0x14100] =	vst v63  }
0x57: {  	_ = 	snop  }
0x58: {  	[hbm4b:s6+s2] =	stream.indirect_vreg.scatter [tilespmem:s9], [sflag:$0x1], $0x80, v3, vm0, $0xb8;
	[tilespmem:$0x14100] =	vst v63  }
0x59: {  	v3 =	vld [tilespmem:$0x30];
	_ =	sdelay $0x4  }
0x5a: {  	v57 =	vshll.u32 v3, $0x3  }
0x5b: {  	v3 =	vand.u32 $0x7, v3;
	v4 =	vand.u32 $0xFFFFFFC0, v57  }
0x5c: {  	v3 =	vor.u32 v3, v4  }
0x5d: {  	v4 =	vperm.xlane v3, v0;
	_ =	sdelay $0x1  }
0x5e: {  	v4 =	vadd.s32 v1, v4;
	_ =	sdelay $0x3  }
0x5f: {  	s0 =	simm.s32 $0xC100  }
0x60: {  	[hbm4b:s3+s2] =	stream.indirect_vreg.scatter [tilespmem:s0], [sflag:$0x1], $0x80, v4, vm0, $0xb8;
	[tilespmem:$0x14100] =	vst v63  }
0x61: {  	v3 =	vperm.xlane v3, v2;
	s0 =	simm.s32 $0xC900  }
0x62: {  	[hbm4b:s4+s2] =	stream.indirect_vreg.scatter [tilespmem:s0], [sflag:$0x1], $0x80, v4, vm0, $0xb8;
	[tilespmem:$0x14100] =	vst v63  }
0x63: {  	v3 =	vadd.s32 v1, v3;
	s0 =	simm.s32 $0xD100  }
0x64: {  	[hbm4b:s5+s2] =	stream.indirect_vreg.scatter [tilespmem:s0], [sflag:$0x1], $0x80, v4, vm0, $0xb8;
	[tilespmem:$0x14100] =	vst v63  }
0x65: {  	s0 =	simm.s32 $0xD900  }
0x66: {  	[hbm4b:s6+s2] =	stream.indirect_vreg.scatter [tilespmem:s0], [sflag:$0x1], $0x80, v4, vm0, $0xb8;
	[tilespmem:$0x14100] =	vst v63  }
0x67: {  	s0 =	simm.s32 $0xE100  }
0x68: {  	[hbm4b:s3+s2] =	stream.indirect_vreg.scatter [tilespmem:s0], [sflag:$0x1], $0x80, v3, vm0, $0xb8;
	[tilespmem:$0x14100] =	vst v63  }
0x69: {  	s0 =	simm.s32 $0xE900  }
0x6a: {  	[hbm4b:s4+s2] =	stream.indirect_vreg.scatter [tilespmem:s0], [sflag:$0x1], $0x80, v3, vm0, $0xb8;
	[tilespmem:$0x14100] =	vst v63  }
0x6b: {  	s0 =	simm.s32 $0xF100  }
0x6c: {  	[hbm4b:s5+s2] =	stream.indirect_vreg.scatter [tilespmem:s0], [sflag:$0x1], $0x80, v3, vm0, $0xb8;
	[tilespmem:$0x14100] =	vst v63  }
0x6d: {  	s0 =	simm.s32 $0xF900  }
0x6e: {  	[hbm4b:s6+s2] =	stream.indirect_vreg.scatter [tilespmem:s0], [sflag:$0x1], $0x80, v3, vm0, $0xb8;
	[tilespmem:$0x14100] =	vst v63  }
0x6f: {  	v3 =	vld [tilespmem:$0x40];
	_ =	sdelay $0x4  }
0x70: {  	v58 =	vshll.u32 v3, $0x3  }
0x71: {  	v3 =	vand.u32 $0x7, v3;
	v4 =	vand.u32 $0xFFFFFFC0, v58  }
0x72: {  	v3 =	vor.u32 v3, v4  }
0x73: {  	v4 =	vperm.xlane v3, v0;
	_ =	sdelay $0x1  }
0x74: {  	v4 =	vadd.s32 v1, v4;
	_ =	sdelay $0x3  }
0x75: {  	s0 =	simm.s32 $0x10100  }
0x76: {  	[hbm4b:s3+s2] =	stream.indirect_vreg.scatter [tilespmem:s0], [sflag:$0x1], $0x80, v4, vm0, $0xb8;
	[tilespmem:$0x14100] =	vst v63  }
0x77: {  	v3 =	vperm.xlane v3, v2;
	s0 =	simm.s32 $0x10900  }
0x78: {  	[hbm4b:s4+s2] =	stream.indirect_vreg.scatter [tilespmem:s0], [sflag:$0x1], $0x80, v4, vm0, $0xb8;
	[tilespmem:$0x14100] =	vst v63  }
0x79: {  	v3 =	vadd.s32 v1, v3;
	s0 =	simm.s32 $0x11100  }
0x7a: {  	[hbm4b:s5+s2] =	stream.indirect_vreg.scatter [tilespmem:s0], [sflag:$0x1], $0x80, v4, vm0, $0xb8;
	[tilespmem:$0x14100] =	vst v63  }
0x7b: {  	s0 =	simm.s32 $0x11900  }
0x7c: {  	[hbm4b:s6+s2] =	stream.indirect_vreg.scatter [tilespmem:s0], [sflag:$0x1], $0x80, v4, vm0, $0xb8;
	[tilespmem:$0x14100] =	vst v63  }
0x7d: {  	s0 =	simm.s32 $0x12100  }
0x7e: {  	[hbm4b:s3+s2] =	stream.indirect_vreg.scatter [tilespmem:s0], [sflag:$0x1], $0x80, v3, vm0, $0xb8;
	[tilespmem:$0x14100] =	vst v63  }
0x7f: {  	s0 =	simm.s32 $0x12900  }
0x80: {  	[hbm4b:s4+s2] =	stream.indirect_vreg.scatter [tilespmem:s0], [sflag:$0x1], $0x80, v3, vm0, $0xb8;
	[tilespmem:$0x14100] =	vst v63  }
0x81: {  	s0 =	simm.s32 $0x13100  }
0x82: {  	[hbm4b:s5+s2] =	stream.indirect_vreg.scatter [tilespmem:s0], [sflag:$0x1], $0x80, v3, vm0, $0xb8;
	[tilespmem:$0x14100] =	vst v63  }
0x83: {  	s0 =	simm.s32 $0x13900  }
0x84: {  	[hbm4b:s6+s2] =	stream.indirect_vreg.scatter [tilespmem:s0], [sflag:$0x1], $0x80, v3, vm0, $0xb8;
	[tilespmem:$0x14100] =	vst v63  }
0x85: {  	_ =	swait.ge [sflag:s26], $0x14000  }
0x86: {  	[sflag:s26] =	ssyncset.done $0x0  }
0x87: {  	[sflag:s26] =	ssyncadd.s32 $0xFFFEC000  }
0x88: {  	v3 =	vld [tilespmem:$0x80];
	_ =	sdelay $0x4  }
0x89: {  	v59 =	vshll.u32 v3, $0x3  }
0x8a: {  	v3 =	vand.u32 $0x7, v3;
	v4 =	vand.u32 $0xFFFFFFC0, v59  }
0x8b: {  	v3 =	vor.u32 v3, v4  }
0x8c: {  	v4 =	vperm.xlane v3, v0;
	_ =	sdelay $0x1  }
0x8d: {  	v4 =	vadd.s32 v1, v4;
	_ =	sdelay $0x4  }
0x8e: {  	[hbm4b:s3+s2] =	stream.indirect_vreg.scatter [tilespmem:s8], [sflag:$0x1], $0x80, v4, vm0, $0xb8;
	[tilespmem:$0x14100] =	vst v63  }
0x8f: {  	v3 =	vperm.xlane v3, v2  }
0x90: {  	[hbm4b:s4+s2] =	stream.indirect_vreg.scatter [tilespmem:s28], [sflag:$0x1], $0x80, v4, vm0, $0xb8;
	[tilespmem:$0x14100] =	vst v63  }
0x91: {  	v3 =	vadd.s32 v1, v3  }
0x92: {  	[hbm4b:s5+s2] =	stream.indirect_vreg.scatter [tilespmem:s29], [sflag:$0x1], $0x80, v4, vm0, $0xb8;
	[tilespmem:$0x14100] =	vst v63  }
0x93: {  	_ = 	snop  }
0x94: {  	[hbm4b:s6+s2] =	stream.indirect_vreg.scatter [tilespmem:s30], [sflag:$0x1], $0x80, v4, vm0, $0xb8;
	[tilespmem:$0x14100] =	vst v63  }
0x95: {  	_ = 	snop  }
0x96: {  	[hbm4b:s3+s2] =	stream.indirect_vreg.scatter [tilespmem:s31], [sflag:$0x1], $0x80, v3, vm0, $0xb8;
	[tilespmem:$0x14100] =	vst v63  }
0x97: {  	_ = 	snop  }
0x98: {  	[hbm4b:s4+s2] =	stream.indirect_vreg.scatter [tilespmem:s1], [sflag:$0x1], $0x80, v3, vm0, $0xb8;
	[tilespmem:$0x14100] =	vst v63  }
0x99: {  	s28 =	simm.s32 $0x3100  }
0x9a: {  	[hbm4b:s5+s2] =	stream.indirect_vreg.scatter [tilespmem:s28], [sflag:$0x1], $0x80, v3, vm0, $0xb8;
	[tilespmem:$0x14100] =	vst v63  }
0x9b: {  	_ = 	snop  }
0x9c: {  	[hbm4b:s6+s2] =	stream.indirect_vreg.scatter [tilespmem:s10], [sflag:$0x1], $0x80, v3, vm0, $0xb8;
	[tilespmem:$0x14100] =	vst v63  }
0x9d: {  	v3 =	vld [tilespmem:$0x90];
	_ =	sdelay $0x4  }
0x9e: {  	v60 =	vshll.u32 v3, $0x3  }
0x9f: {  	v3 =	vand.u32 $0x7, v3;
	v4 =	vand.u32 $0xFFFFFFC0, v60  }
0xa0: {  	v3 =	vor.u32 v3, v4  }
0xa1: {  	v4 =	vperm.xlane v3, v0;
	_ =	sdelay $0x1  }
0xa2: {  	v4 =	vadd.s32 v1, v4;
	_ =	sdelay $0x4  }
0xa3: {  	[hbm4b:s3+s2] =	stream.indirect_vreg.scatter [tilespmem:s11], [sflag:$0x1], $0x80, v4, vm0, $0xb8;
	[tilespmem:$0x14100] =	vst v63  }
0xa4: {  	v3 =	vperm.xlane v3, v2  }
0xa5: {  	[hbm4b:s4+s2] =	stream.indirect_vreg.scatter [tilespmem:s12], [sflag:$0x1], $0x80, v4, vm0, $0xb8;
	[tilespmem:$0x14100] =	vst v63  }
0xa6: {  	v3 =	vadd.s32 v1, v3  }
0xa7: {  	[hbm4b:s5+s2] =	stream.indirect_vreg.scatter [tilespmem:s13], [sflag:$0x1], $0x80, v4, vm0, $0xb8;
	[tilespmem:$0x14100] =	vst v63  }
0xa8: {  	_ = 	snop  }
0xa9: {  	[hbm4b:s6+s2] =	stream.indirect_vreg.scatter [tilespmem:s14], [sflag:$0x1], $0x80, v4, vm0, $0xb8;
	[tilespmem:$0x14100] =	vst v63  }
0xaa: {  	_ = 	snop  }
0xab: {  	[hbm4b:s3+s2] =	stream.indirect_vreg.scatter [tilespmem:s15], [sflag:$0x1], $0x80, v3, vm0, $0xb8;
	[tilespmem:$0x14100] =	vst v63  }
0xac: {  	_ = 	snop  }
0xad: {  	[hbm4b:s4+s2] =	stream.indirect_vreg.scatter [tilespmem:s16], [sflag:$0x1], $0x80, v3, vm0, $0xb8;
	[tilespmem:$0x14100] =	vst v63  }
0xae: {  	_ = 	snop  }
0xaf: {  	[hbm4b:s5+s2] =	stream.indirect_vreg.scatter [tilespmem:s17], [sflag:$0x1], $0x80, v3, vm0, $0xb8;
	[tilespmem:$0x14100] =	vst v63  }
0xb0: {  	_ = 	snop  }
0xb1: {  	[hbm4b:s6+s2] =	stream.indirect_vreg.scatter [tilespmem:s18], [sflag:$0x1], $0x80, v3, vm0, $0xb8;
	[tilespmem:$0x14100] =	vst v63  }
0xb2: {  	v3 =	vld [tilespmem:$0xA0];
	_ =	sdelay $0x4  }
0xb3: {  	v61 =	vshll.u32 v3, $0x3  }
0xb4: {  	v3 =	vand.u32 $0x7, v3;
	v4 =	vand.u32 $0xFFFFFFC0, v61  }
0xb5: {  	v3 =	vor.u32 v3, v4  }
0xb6: {  	v4 =	vperm.xlane v3, v0;
	_ =	sdelay $0x1  }
0xb7: {  	v4 =	vadd.s32 v1, v4;
	_ =	sdelay $0x4  }
0xb8: {  	[hbm4b:s3+s2] =	stream.indirect_vreg.scatter [tilespmem:s19], [sflag:$0x1], $0x80, v4, vm0, $0xb8;
	[tilespmem:$0x14100] =	vst v63  }
0xb9: {  	v3 =	vperm.xlane v3, v2  }
0xba: {  	[hbm4b:s4+s2] =	stream.indirect_vreg.scatter [tilespmem:s20], [sflag:$0x1], $0x80, v4, vm0, $0xb8;
	[tilespmem:$0x14100] =	vst v63  }
0xbb: {  	v3 =	vadd.s32 v1, v3  }
0xbc: {  	[hbm4b:s5+s2] =	stream.indirect_vreg.scatter [tilespmem:s21], [sflag:$0x1], $0x80, v4, vm0, $0xb8;
	[tilespmem:$0x14100] =	vst v63  }
0xbd: {  	_ = 	snop  }
0xbe: {  	[hbm4b:s6+s2] =	stream.indirect_vreg.scatter [tilespmem:s22], [sflag:$0x1], $0x80, v4, vm0, $0xb8;
	[tilespmem:$0x14100] =	vst v63  }
0xbf: {  	_ = 	snop  }
0xc0: {  	[hbm4b:s3+s2] =	stream.indirect_vreg.scatter [tilespmem:s23], [sflag:$0x1], $0x80, v3, vm0, $0xb8;
	[tilespmem:$0x14100] =	vst v63  }
0xc1: {  	_ = 	snop  }
0xc2: {  	[hbm4b:s4+s2] =	stream.indirect_vreg.scatter [tilespmem:s24], [sflag:$0x1], $0x80, v3, vm0, $0xb8;
	[tilespmem:$0x14100] =	vst v63  }
0xc3: {  	_ = 	snop  }
0xc4: {  	[hbm4b:s5+s2] =	stream.indirect_vreg.scatter [tilespmem:s25], [sflag:$0x1], $0x80, v3, vm0, $0xb8;
	[tilespmem:$0x14100] =	vst v63  }
0xc5: {  	_ = 	snop  }
0xc6: {  	[hbm4b:s6+s2] =	stream.indirect_vreg.scatter [tilespmem:s9], [sflag:$0x1], $0x80, v3, vm0, $0xb8;
	[tilespmem:$0x14100] =	vst v63  }
0xc7: {  	v3 =	vld [tilespmem:$0xB0];
	_ =	sdelay $0x4  }
0xc8: {  	v62 =	vshll.u32 v3, $0x3  }
0xc9: {  	v3 =	vand.u32 $0x7, v3;
	v4 =	vand.u32 $0xFFFFFFC0, v62  }
0xca: {  	v3 =	vor.u32 v3, v4  }
0xcb: {  	v4 =	vperm.xlane v3, v0;
	_ =	sdelay $0x1  }
0xcc: {  	v4 =	vadd.s32 v1, v4;
	_ =	sdelay $0x3  }
0xcd: {  	s28 =	simm.s32 $0xC100  }
0xce: {  	[hbm4b:s3+s2] =	stream.indirect_vreg.scatter [tilespmem:s28], [sflag:$0x1], $0x80, v4, vm0, $0xb8;
	[tilespmem:$0x14100] =	vst v63  }
0xcf: {  	v3 =	vperm.xlane v3, v2;
	s28 =	simm.s32 $0xC900  }
0xd0: {  	[hbm4b:s4+s2] =	stream.indirect_vreg.scatter [tilespmem:s28], [sflag:$0x1], $0x80, v4, vm0, $0xb8;
	[tilespmem:$0x14100] =	vst v63  }
0xd1: {  	v3 =	vadd.s32 v1, v3;
	s28 =	simm.s32 $0xD100  }
0xd2: {  	[hbm4b:s5+s2] =	stream.indirect_vreg.scatter [tilespmem:s28], [sflag:$0x1], $0x80, v4, vm0, $0xb8;
	[tilespmem:$0x14100] =	vst v63  }
0xd3: {  	s28 =	simm.s32 $0xD900  }
0xd4: {  	[hbm4b:s6+s2] =	stream.indirect_vreg.scatter [tilespmem:s28], [sflag:$0x1], $0x80, v4, vm0, $0xb8;
	[tilespmem:$0x14100] =	vst v63  }
0xd5: {  	s28 =	simm.s32 $0xE100  }
0xd6: {  	[hbm4b:s3+s2] =	stream.indirect_vreg.scatter [tilespmem:s28], [sflag:$0x1], $0x80, v3, vm0, $0xb8;
	[tilespmem:$0x14100] =	vst v63  }
0xd7: {  	s28 =	simm.s32 $0xE900  }
0xd8: {  	[hbm4b:s4+s2] =	stream.indirect_vreg.scatter [tilespmem:s28], [sflag:$0x1], $0x80, v3, vm0, $0xb8;
	[tilespmem:$0x14100] =	vst v63  }
0xd9: {  	s28 =	simm.s32 $0xF100  }
0xda: {  	[hbm4b:s5+s2] =	stream.indirect_vreg.scatter [tilespmem:s28], [sflag:$0x1], $0x80, v3, vm0, $0xb8;
	[tilespmem:$0x14100] =	vst v63  }
0xdb: {  	s28 =	simm.s32 $0xF900  }
0xdc: {  	[hbm4b:s6+s2] =	stream.indirect_vreg.scatter [tilespmem:s28], [sflag:$0x1], $0x80, v3, vm0, $0xb8;
	[tilespmem:$0x14100] =	vst v63  }
0xdd: {  	v3 =	vld [tilespmem:$0xC0];
	_ =	sdelay $0x4  }
0xde: {  	v63 =	vshll.u32 v3, $0x3  }
0xdf: {  	v3 =	vand.u32 $0x7, v3;
	v4 =	vand.u32 $0xFFFFFFC0, v63  }
0xe0: {  	v3 =	vor.u32 v3, v4  }
0xe1: {  	v4 =	vperm.xlane v3, v0;
	_ =	sdelay $0x1  }
0xe2: {  	v4 =	vadd.s32 v1, v4;
	_ =	sdelay $0x3  }
0xe3: {  	s28 =	simm.s32 $0x10100  }
0xe4: {  	[hbm4b:s3+s2] =	stream.indirect_vreg.scatter [tilespmem:s28], [sflag:$0x1], $0x80, v4, vm0, $0xb8;
	[tilespmem:$0x14100] =	vst v63  }
0xe5: {  	v3 =	vperm.xlane v3, v2;
	s28 =	simm.s32 $0x10900  }
0xe6: {  	[hbm4b:s4+s2] =	stream.indirect_vreg.scatter [tilespmem:s28], [sflag:$0x1], $0x80, v4, vm0, $0xb8;
	[tilespmem:$0x14100] =	vst v63  }
0xe7: {  	v3 =	vadd.s32 v1, v3;
	s28 =	simm.s32 $0x11100  }
0xe8: {  	[hbm4b:s5+s2] =	stream.indirect_vreg.scatter [tilespmem:s28], [sflag:$0x1], $0x80, v4, vm0, $0xb8;
	[tilespmem:$0x14100] =	vst v63  }
0xe9: {  	s28 =	simm.s32 $0x11900  }
0xea: {  	[hbm4b:s6+s2] =	stream.indirect_vreg.scatter [tilespmem:s28], [sflag:$0x1], $0x80, v4, vm0, $0xb8;
	[tilespmem:$0x14100] =	vst v63  }
0xeb: {  	s28 =	simm.s32 $0x12100  }
0xec: {  	[hbm4b:s3+s2] =	stream.indirect_vreg.scatter [tilespmem:s28], [sflag:$0x1], $0x80, v3, vm0, $0xb8;
	[tilespmem:$0x14100] =	vst v63  }
0xed: {  	s28 =	simm.s32 $0x12900  }
0xee: {  	[hbm4b:s4+s2] =	stream.indirect_vreg.scatter [tilespmem:s28], [sflag:$0x1], $0x80, v3, vm0, $0xb8;
	[tilespmem:$0x14100] =	vst v63  }
0xef: {  	p0 =	sne.s32 s7, $0x1;
	s28 =	simm.s32 $0x13100  }
0xf0: {  	[hbm4b:s5+s2] =	stream.indirect_vreg.scatter [tilespmem:s28], [sflag:$0x1], $0x80, v3, vm0, $0xb8;
	[tilespmem:$0x14100] =	vst v63  }
.Ltmp0:
0xf1: {  	_ = 	snop;
	(pc) =	sbr.rel @p0 .LBB2_1-.Ltmp0, $4  }
0xf2: {  	[hbm4b:s6+s2] =	stream.indirect_vreg.scatter [tilespmem:s0], [sflag:$0x1], $0x80, v3, vm0, $0xb8;
	[tilespmem:$0x14100] =	vst v63  }
0xf3: {  	_ =	swait.ge [sflag:s26], $0x14000  }
0xf4: {  	[sflag:s26] =	ssyncset.done $0x0  }
0xf5: {  	s7 =	sadd.s32 $0xFFFFFFFF, s7;
	[sflag:s26] =	ssyncadd.s32 $0xFFFEC000  }
0xf6: {  	_ =	sfence.sel $0x180000  }
0xf7: {  	[bflag:$0x0] =	sbarrier.arrive $0xFFFF  }
0xf8: {  	_ =	strace $0x90000047  }
0xf9: {  	s0 =	stileid.u32;
	[bflag:$0x2] =	sbarrier.arrive $0xFFFF  }
0xfa: {  	p0 =	sne.s32 s0, $0x0;
	s0 =	rddreg [dreg:$0x2]  }
0xfb: {  	s0 =	sadd.s32 @!p0 $0x100000, s0  }
0xfc: {  	[sflag:s0] =	ssyncadd.tile.s32 @!p0 $0x1;
	_ =	shalt  }
.Lfunc_end2:
_tile_overlayer_lowered:
.L_overlay_start_2:
0xfd: {  	(tag) =	ssettag $0x2  }
0xfe: {  	s0 =	rddreg [dreg:$0x0];
	s2 =	stileid.u32  }
0xff: {  	s1 =	rddreg [dreg:$0x1];
	p0 =	sne.s32 s2, $0x0  }
0x100: {  	s3 =	rddreg [dreg:$0x2];
	[bflag:$0x3] =	sbarrier.arrive $0xFFFF;
	s2 =	simm.s32 @!p0 $0x1C02  }
0x101: {  	[timem:s3], [sflag:s2] =	dma.local @!p0 [hbm:s0], s1  }
0x102: {  	s0 =	simm.s32 @!p0 $0x2  }
0x103: {  	_ =	swait.ge @!p0 [sflag:s0], s1  }
0x104: {  	s1 =	ssub.s32 @!p0 $0x0, s1;
	[sflag:s0] =	ssyncset.done @!p0 $0x0  }
0x105: {  	[sflag:s0] =	ssyncadd.s32 @!p0 s1  }
0x106: {  	[bflag:$0x3] =	sbarrier.arrive $0xFFFF  }
0x107: {  	_ =	shalt  }

// kernel: kernel.26.cloned.1.call-start
scs
__scs_entry_jumppad:
0x0: {  	(pc) =	sbr.rel $0x88, $3  }
0x1: {  	(tag) =	ssettag $0x0;
	lr =	simm.s32 $0x1  }
0x2: {  	[smem:$0x3F77] =	sst lr;
	_ =	strace $0xD0000000  }
0x3: {  	_ = 	snop  }
0x4: {  	_ = 	snop  }
0x5: {  	_ = 	snop  }
0x6: {  	_ = 	snop  }
0x7: {  	_ = 	snop  }
__scs_overlays_trampoline_lowered:
0x8: {  	[smem:$0x3F86] =	sst s0  }
0x9: {  	[smem:$0x3F87] =	sst s1  }
0xa: {  	[smem:$0x3F88] =	sst s2  }
0xb: {  	[smem:$0x3F89] =	sst s3  }
0xc: {  	[smem:$0x3F8A] =	sst s4  }
0xd: {  	[smem:$0x3F8B] =	sst s5  }
0xe: {  	[smem:$0x3F8C] =	sst s6  }
0xf: {  	[smem:$0x3F8D] =	sst s7  }
0x10: {  	[smem:$0x3F8E] =	sst s8  }
0x11: {  	[smem:$0x3F8F] =	sst s9;
	s0 =	simm.s32 @!p0 $0x0  }
0x12: {  	s1 =	sld [smem:$0x3F75];
	s0 =	simm.s32 @p0 $0x1  }
0x13: {  	[smem:$0x3F90] =	sst s0;
	s0 =	simm.s32 @!p1 $0x0  }
0x14: {  	s2 =	sld [smem:$0x3F74];
	s0 =	simm.s32 @p1 $0x1  }
0x15: {  	[smem:$0x3F91] =	sst s0;
	s0 =	simm.s32 @!p2 $0x0  }
0x16: {  	s3 =	sld [smem:$0x3FDB];
	s0 =	simm.s32 @p2 $0x1  }
0x17: {  	s4 =	simm.s32 $0x1BF5;
	[smem:$0x3F93] =	sst s0  }
0x18: {  	s0 =	sld [smem:$0x3F76];
	_ =	swait.ge [sflag:s4], $0x0  }
0x19: {  	s7 =	sld [smem:$0x3F77]  }
0x1a: {  	s8 =	sadd.s32 $0xFFFFE003, lr  }
0x1b: {  	s9 =	sadd.s32 $0xFFFFFEF7, lr;
	s5 =	simm.s32 $0xFFFFFFFF;
	p2 =	slt.u32 s8, $0xFFFFF086  }
0x1c: {  	p1 =	slt.u32 s9, $0xF7A;
	s5 =	simm.s32 @!p2 $0x0  }
0x1d: {  	s5 =	simm.s32 @p1 $0x1;
	p0 =	seq.s32 s7, s2  }
0x1e: {  	s7 =	smul.u32 @!p0 $0xF7A, s2;
	p2 =	seq.s32 @!p0 s5, $0x0  }
0x1f: {  	s9 =	smul.u32 $0xF7A, s1;
	s8 =	simm.s32 @!p0 $0x1BF5;
	p2 =	por !p2, p0  }
0x20: {  	[sflag:s8] =	ssyncset.s32 @!p0 $0xFFFFF086;
	s6 =	sadd.s32 @!p0 s3, s7;
	s7 =	simm.s32 @!p0 $0x108  }
0x21: {  	s3 =	sadd.s32 s3, s9;
	s6 =	sadd.s32 @!p0 $0x88, s6;
	s7 =	simm.s32 @p2 $0x1082  }
0x22: {  	[simem:s7], [sflag:s8] =	dma.local @!p0 [hbm:s6], $0xF7A  }
0x23: {  	s9 =	sor.u32 $0xD0000000, s2;
	s6 =	simm.s32 $0x108;
	_ =	swait.ge @!p0 [sflag:s8], $0x0  }
0x24: {  	s3 =	sadd.s32 $0x88, s3;
	s6 =	simm.s32 @!p1 $0x1082;
	[sflag:s4] =	ssyncset.s32 $0xFFFFF086  }
0x25: {  	[simem:s6], [sflag:s4] =	dma.local [hbm:s3], $0xF7A  }
0x26: {  	[smem:$0x3F77] =	sst s1;
	(tag) =	ssettag s2;
	_ =	strace s9  }
0x27: {  	s1 =	sld [smem:$0x3F87]  }
0x28: {  	s2 =	sld [smem:$0x3F88]  }
0x29: {  	s4 =	sld [smem:$0x3F8A]  }
0x2a: {  	p0 =	seq.s32 s5, $0x0;
	s5 =	sld [smem:$0x3F8B]  }
0x2b: {  	s6 =	sld [smem:$0x3F8C]  }
0x2c: {  	s7 =	sld [smem:$0x3F8D]  }
0x2d: {  	s3 =	simm.s32 $0x108;
	s8 =	sld [smem:$0x3F8E]  }
0x2e: {  	s3 =	simm.s32 @!p0 $0x1082;
	s9 =	sld [smem:$0x3F8F]  }
0x2f: {  	lr =	sadd.s32 s0, s3;
	s0 =	sld [smem:$0x3F86]  }
0x30: {  	s3 =	sld [smem:$0x3F89]  }
0x31: {  	[smem:$0x3F92] =	sst s10  }
0x32: {  	s10 =	sld [smem:$0x3F90];
	_ =	sdelay $0x3  }
0x33: {  	p0 =	seq.s32 s10, $0x1;
	s10 =	sld [smem:$0x3F92];
	_ =	sdelay $0x3  }
0x34: {  	[smem:$0x3F92] =	sst s10  }
0x35: {  	s10 =	sld [smem:$0x3F91];
	_ =	sdelay $0x3  }
0x36: {  	p1 =	seq.s32 s10, $0x1;
	s10 =	sld [smem:$0x3F92];
	_ =	sdelay $0x3  }
0x37: {  	[smem:$0x3F92] =	sst s10  }
0x38: {  	s10 =	sld [smem:$0x3F93]  }
0x39: {  	_ = 	snop;
	(pc) =	sbr.ind lr, $3  }
0x3a: {  	_ = 	snop  }
0x3b: {  	_ = 	snop  }
0x3c: {  	p2 =	seq.s32 s10, $0x1;
	s10 =	sld [smem:$0x3F92]  }
0x3d: {  	_ =	shalt  }
0x3e: {  	_ =	shalt  }
0x3f: {  	_ =	shalt  }
0x40: {  	_ =	shalt  }
0x41: {  	_ =	shalt  }
0x42: {  	_ =	shalt  }
0x43: {  	_ =	shalt  }
0x44: {  	_ =	shalt  }
0x45: {  	_ =	shalt  }
0x46: {  	_ =	shalt  }
0x47: {  	_ =	shalt  }
0x48: {  	_ =	shalt  }
0x49: {  	_ =	shalt  }
0x4a: {  	_ =	shalt  }
0x4b: {  	_ =	shalt  }
0x4c: {  	_ =	shalt  }
0x4d: {  	_ =	shalt  }
0x4e: {  	_ =	shalt  }
0x4f: {  	_ =	shalt  }
0x50: {  	_ =	shalt  }
0x51: {  	_ =	shalt  }
0x52: {  	_ =	shalt  }
0x53: {  	_ =	shalt  }
0x54: {  	_ =	shalt  }
0x55: {  	_ =	shalt  }
0x56: {  	_ =	shalt  }
0x57: {  	_ =	shalt  }
0x58: {  	_ =	shalt  }
0x59: {  	_ =	shalt  }
0x5a: {  	_ =	shalt  }
0x5b: {  	_ =	shalt  }
0x5c: {  	_ =	shalt  }
0x5d: {  	_ =	shalt  }
0x5e: {  	_ =	shalt  }
0x5f: {  	_ =	shalt  }
0x60: {  	_ =	shalt  }
0x61: {  	_ =	shalt  }
0x62: {  	_ =	shalt  }
0x63: {  	_ =	shalt  }
0x64: {  	_ =	shalt  }
0x65: {  	_ =	shalt  }
0x66: {  	_ =	shalt  }
0x67: {  	_ =	shalt  }
0x68: {  	_ =	shalt  }
0x69: {  	_ =	shalt  }
0x6a: {  	_ =	shalt  }
0x6b: {  	_ =	shalt  }
0x6c: {  	_ =	shalt  }
0x6d: {  	_ =	shalt  }
0x6e: {  	_ =	shalt  }
0x6f: {  	_ =	shalt  }
0x70: {  	_ =	shalt  }
0x71: {  	_ =	shalt  }
0x72: {  	_ =	shalt  }
0x73: {  	_ =	shalt  }
0x74: {  	_ =	shalt  }
0x75: {  	_ =	shalt  }
0x76: {  	_ =	shalt  }
0x77: {  	_ =	shalt  }
0x78: {  	_ =	shalt  }
0x79: {  	_ =	shalt  }
0x7a: {  	_ =	shalt  }
0x7b: {  	_ =	shalt  }
0x7c: {  	_ =	shalt  }
0x7d: {  	_ =	shalt  }
0x7e: {  	_ =	shalt  }
0x7f: {  	_ =	shalt  }
0x80: {  	_ =	shalt  }
0x81: {  	_ =	shalt  }
0x82: {  	_ =	shalt  }
0x83: {  	_ =	shalt  }
0x84: {  	_ =	shalt  }
0x85: {  	_ =	shalt  }
0x86: {  	_ =	shalt  }
0x87: {  	_ =	shalt  }
.Lfunc_end0:
.L_simem_size_0:
called_computation.1_lowered:
.L_overlay_start_0:
0x88: {  	s2 =	sld [smem:$0x3FD9]  }
0x89: {  	s3 =	sld [smem:$0x3FFE];
	_ =	sdelay $0x1  }
0x8a: {  	s1 =	srdreg.scid  }
0x8b: {  	s0 =	sand.u32 $0x1, s1  }
0x8c: {  	s14 =	sshll.u32 s0, $0xA;
	s2 =	sadd.s32 s3, s2  }
0x8d: {  	s2 =	sadd.s32 s2, s14  }
0x8e: {  	[smem:$0x3F9E] =	sst s2  }
0x8f: {  	_ = 	snop  }
0x90: {  	s2 =	sld [smem:$0x3FD0];
	_ =	sdelay $0x2  }
0x91: {  	s15 =	simm.s32 $0xA;
	s4 =	simm.s32 $0x10  }
0x92: {  	[smem:s4], [sflag:s15] =	dma.local [hbm:s2], $0x1  }
0x93: {  	_ =	swait.eq [sflag:s15], $0x1  }
0x94: {  	[sflag:s15] =	ssyncset.done $0x0  }
0x95: {  	[sflag:s15] =	ssyncadd.s32 $0xFFFFFFFF  }
0x96: {  	s16 =	sld [smem:$0x10];
	(tm) =	ssettm $0x1  }
0x97: {  	s17 =	sld [smem:$0x3FFB];
	_ =	sdelay $0x3  }
0x98: {  	_ =	strace s17  }
0x99: {  	s3 =	sld [smem:$0x3FFC];
	_ =	sdelay $0x3  }
0x9a: {  	_ =	strace s3  }
0x9b: {  	s3 =	sld [smem:$0x3FFD];
	_ =	sdelay $0x3  }
0x9c: {  	_ =	strace s3  }
0x9d: {  	_ =	strace $0x8FFFFFFF  }
0x9e: {  	s18 =	sld [smem:$0x3FDB];
	_ =	sdelay $0x1  }
0x9f: {  	s19 =	simm.s32 $_scs_section_size  }
0xa0: {  	s5 =	simm.s32 $_size__tile_overlayer_lowered;
	s6 =	simm.s32 $_tile_overlayer_lowered  }
0xa1: {  	s22 =	simm.s32 $0x1BFF;
	s21 =	sshll.u32 s6, $0x1;
	s3 =	sadd.s32 s19, s18  }
0xa2: {  	s7 =	simm.s32 $0x0;
	s20 =	sshll.u32 s5, $0x1;
	s5 =	sadd.s32 s21, s3  }
0xa3: {  	[timem:s7], [sflag:s22] =	dma.local [hbm:s5], s20  }
0xa4: {  	_ =	swait.ge [sflag:s22], s20  }
0xa5: {  	s4 =	ssub.s32 $0x0, s20;
	[sflag:s22] =	ssyncset.done $0x0  }
0xa6: {  	[sflag:s22] =	ssyncadd.s32 s4;
	_ =	sdelay $0x1  }
0xa7: {  	s23 =	simm.s32 $0x1B8B  }
0xa8: {  	_ =	swait.ge [sflag:s23], $0x1  }
0xa9: {  	[sflag:s23] =	ssyncset.done $0x0  }
0xaa: {  	s25 =	simm.s32 $0x1B8E;
	s24 =	sld [smem:$0x3FFE];
	[sflag:s23] =	ssyncadd.s32 $0xFFFFFFFF  }
0xab: {  	s26 =	simm.s32 $execute0_lowered;
	[smem:$0x3FD2] =	sst s25  }
0xac: {  	s5 =	sshll.u32 s26, $0x1;
	_ =	strace $0x80000049;
	[dreg:$0x1] =	wrdreg $0xFFFFFFFF  }
0xad: {  	s28 =	simm.s32 $_size_execute0_lowered;
	s3 =	sadd.s32 s3, s5;
	[dreg:$0x0] =	wrdreg $0x0  }
0xae: {  	s5 =	sshll.u32 s28, $0x1;
	[dreg:$0x2] =	wrdreg s3  }
0xaf: {  	[dreg:$0x3] =	wrdreg s5  }
0xb0: {  	[dreg:$0x4] =	wrdreg $0xC0  }
0xb1: {  	_ =	task [dreg:s7], $0x5FFFF  }
0xb2: {  	[dreg:$0x1] =	wrdreg $0xFFFFFFFF  }
0xb3: {  	[dreg:$0x0] =	wrdreg $0x60  }
0xb4: {  	[dreg:$0x2] =	wrdreg s24  }
0xb5: {  	[dreg:$0x3] =	wrdreg s16  }
0xb6: {  	[dreg:$0x4] =	wrdreg $0x9  }
0xb7: {  	_ =	task.clear_ibuf [dreg:s7], $0x5FFFF;
	_ =	strace $0x90000049  }
0xb8: {  	s29 =	simm.s32 $0x9;
	_ =	strace $0x8000004B  }
0xb9: {  	_ =	swait.ge [sflag:s29], $0x1  }
0xba: {  	[sflag:s29] =	ssyncadd.s32 $0xFFFFFFFF  }
0xbb: {  	_ =	strace $0x9000004B  }
0xbc: {  	_ =	sfence  }
0xbd: {  	s30 =	sld [smem:$0x0];
	_ =	sdelay $0x2  }
0xbe: {  	s31 =	sshll.u32 s1, $0xD;
	s1 =	sshrl.u32 s1, $0x2  }
0xbf: {  	s3 =	sand.u32 $0x4000, s31;
	s1 =	sadd.s32 s1, s30  }
0xc0: {  	s0 =	sor.u32 s3, s0;
	s1 =	sshll.u32 s1, $0x11  }
0xc1: {  	s0 =	sor.u32 s1, s0  }
0xc2: {  	s0 =	sadd.s32 $0x8F2B, s0  }
0xc3: {  	[sflag:s0] =	ssyncadd.remote.s32 $0x1  }
0xc4: {  	_ =	sfence.sel $0xFFFF  }
0xc5: {  	[dreg:$0x0] =	wrdreg $0xFFFFFFFF;
	(pc) =	sbr.abs _section_cstart, $3  }
0xc6: {  	[dreg:$0x1] =	wrdreg $0xFFFFFFFF  }
0xc7: {  	_ =	task.clear_ibuf [dreg:s7], $0x2FFFF;
	_ =	strace $0x9FFFFFFF  }
0xc8: {  	(tm) =	ssettm $0x7FFFFFFF  }
0xc9: {  	_ =	shalt  }
tec
execute0_lowered:
.L_overlay_start_1:
0x0: {  	(tag) =	ssettag $0x1  }
0x1: {  	s0 =	rddreg [dreg:$0x0]  }
0x2: {  	s1 =	rddreg [dreg:$0x1]  }
0x3: {  	s3 =	srdreg.scid;
	s4 =	stileid.u32;
	s2 =	simm.s32 $0x0  }
0x4: {  	s29 =	simm.s32 $0x900;
	s30 =	simm.s32 $0x1100;
	s31 =	simm.s32 $0x1900  }
0x5: {  	s10 =	simm.s32 $0x3100;
	s11 =	simm.s32 $0x3900;
	s12 =	simm.s32 $0x4100  }
0x6: {  	s13 =	simm.s32 $0x4900;
	s14 =	simm.s32 $0x5100;
	s15 =	simm.s32 $0x5900  }
0x7: {  	s16 =	simm.s32 $0x6100;
	s17 =	simm.s32 $0x6900;
	s18 =	simm.s32 $0x7100  }
0x8: {  	s19 =	simm.s32 $0x7900;
	s20 =	simm.s32 $0x8100;
	s21 =	simm.s32 $0x8900  }
0x9: {  	s22 =	simm.s32 $0x9100;
	s23 =	simm.s32 $0x9900;
	s24 =	simm.s32 $0xA100  }
0xa: {  	s25 =	simm.s32 $0xA900;
	s3 =	sand.u32 $0x1, s3;
	s4 =	sshll.u32 s4, $0x1  }
0xb: {  	s9 =	simm.s32 $0xB100;
	[smem:$0x7FF] =	sst s2;
	s4 =	sor.u32 s3, s4  }
0xc: {  	_ =	strace $0x8000004A;
	s6 =	ssub.s32 $0x2, s3;
	s3 =	sadd.s32 $0x9D600, s0  }
0xd: {  	s5 =	smul.u32 $0x2800, s4;
	s7 =	sshrl.u32 s6, $0x1;
	s4 =	sshll.u32 s4, $0x5  }
0xe: {  	s7 =	ssub.s32 s6, s7;
	s1 =	sadd.s32 s1, s4;
	s4 =	sadd.s32 $0x9D700, s0  }
0xf: {  	s6 =	sadd.s32 $0x9D900, s0;
	s8 =	sadd.s32 s5, s0;
	[dreg:$0x3] =	wrdreg s1  }
0x10: {  	v2 =	vlaneseq.u32;
	s5 =	sadd.s32 $0x9D800, s0;
	s7 =	smax.u32 s7, $0x1;
	s26 =	sadd.s32 $0x4C000, s8  }
0x11: {  	vm0 =	vmmov $0xffff;
	v1 =	vshrl.u32 v2, $0x3;
	s1 =	simm.s32 $0x2900;
	s28 =	sadd.s32 $0x17D600, s8;
	[dreg:$0x4] =	wrdreg s26  }
0x12: {  	v0 =	vand.u32 $0x7, v2;
	v2 =	vor.u32 $0x8, v2;
	v1 =	vmul.u32 $0x8, v1;
	s8 =	simm.s32 $0x2;
	[dreg:$0x5] =	wrdreg s28;
	s26 =	simm.s32 $0x1  }
.LBB2_1:
0x13: {  	s28 =	rddreg [dreg:$0x3]  }
0x14: {  	[tilespmem:s2], [sflag:$0x2] =	stream.linear.gather [hbm4b:s28+s2], $0x100, $0x38;
	[tilespmem:$0x14100] =	vst v63  }
0x15: {  	_ =	swait.ge [sflag:s8], $0x100  }
0x16: {  	[sflag:s8] =	ssyncset.done $0x0  }
0x17: {  	[sflag:s8] =	ssyncadd.s32 $0xFFFFFF00  }
0x18: {  	v3 =	vld [tilespmem:$0x0];
	_ =	sdelay $0x4  }
0x19: {  	v4 =	vshll.u32 v3, $0x3  }
0x1a: {  	v3 =	vand.u32 $0x7, v3;
	v4 =	vand.u32 $0xFFFFFFC0, v4  }
0x1b: {  	v3 =	vor.u32 v3, v4  }
0x1c: {  	v4 =	vperm.xlane v3, v0;
	_ =	sdelay $0x1  }
0x1d: {  	v4 =	vadd.s32 v1, v4;
	_ =	sdelay $0x3  }
0x1e: {  	s0 =	simm.s32 $0x100  }
0x1f: {  	[tilespmem:s0], [sflag:$0x1] =	stream.indirect_vreg.gather [hbm4b:s3+s2], $0x80, v4, vm0, $0xb8;
	[tilespmem:$0x14100] =	vst v63  }
0x20: {  	v3 =	vperm.xlane v3, v2  }
0x21: {  	[tilespmem:s29], [sflag:$0x1] =	stream.indirect_vreg.gather [hbm4b:s4+s2], $0x80, v4, vm0, $0xb8;
	[tilespmem:$0x14100] =	vst v63  }
0x22: {  	v3 =	vadd.s32 v1, v3  }
0x23: {  	[tilespmem:s30], [sflag:$0x1] =	stream.indirect_vreg.gather [hbm4b:s5+s2], $0x80, v4, vm0, $0xb8;
	[tilespmem:$0x14100] =	vst v63  }
0x24: {  	_ = 	snop  }
0x25: {  	[tilespmem:s31], [sflag:$0x1] =	stream.indirect_vreg.gather [hbm4b:s6+s2], $0x80, v4, vm0, $0xb8;
	[tilespmem:$0x14100] =	vst v63  }
0x26: {  	s28 =	simm.s32 $0x2100  }
0x27: {  	[tilespmem:s28], [sflag:$0x1] =	stream.indirect_vreg.gather [hbm4b:s3+s2], $0x80, v3, vm0, $0xb8;
	[tilespmem:$0x14100] =	vst v63  }
0x28: {  	_ = 	snop  }
0x29: {  	[tilespmem:s1], [sflag:$0x1] =	stream.indirect_vreg.gather [hbm4b:s4+s2], $0x80, v3, vm0, $0xb8;
	[tilespmem:$0x14100] =	vst v63  }
0x2a: {  	_ = 	snop  }
0x2b: {  	[tilespmem:s10], [sflag:$0x1] =	stream.indirect_vreg.gather [hbm4b:s5+s2], $0x80, v3, vm0, $0xb8;
	[tilespmem:$0x14100] =	vst v63  }
0x2c: {  	_ = 	snop  }
0x2d: {  	[tilespmem:s11], [sflag:$0x1] =	stream.indirect_vreg.gather [hbm4b:s6+s2], $0x80, v3, vm0, $0xb8;
	[tilespmem:$0x14100] =	vst v63  }
0x2e: {  	v3 =	vld [tilespmem:$0x10];
	_ =	sdelay $0x4  }
0x2f: {  	v55 =	vshll.u32 v3, $0x3  }
0x30: {  	v3 =	vand.u32 $0x7, v3;
	v4 =	vand.u32 $0xFFFFFFC0, v55  }
0x31: {  	v3 =	vor.u32 v3, v4  }
0x32: {  	v4 =	vperm.xlane v3, v0;
	_ =	sdelay $0x1  }
0x33: {  	v4 =	vadd.s32 v1, v4;
	_ =	sdelay $0x4  }
0x34: {  	[tilespmem:s12], [sflag:$0x1] =	stream.indirect_vreg.gather [hbm4b:s3+s2], $0x80, v4, vm0, $0xb8;
	[tilespmem:$0x14100] =	vst v63  }
0x35: {  	v3 =	vperm.xlane v3, v2  }
0x36: {  	[tilespmem:s13], [sflag:$0x1] =	stream.indirect_vreg.gather [hbm4b:s4+s2], $0x80, v4, vm0, $0xb8;
	[tilespmem:$0x14100] =	vst v63  }
0x37: {  	v3 =	vadd.s32 v1, v3  }
0x38: {  	[tilespmem:s14], [sflag:$0x1] =	stream.indirect_vreg.gather [hbm4b:s5+s2], $0x80, v4, vm0, $0xb8;
	[tilespmem:$0x14100] =	vst v63  }
0x39: {  	_ = 	snop  }
0x3a: {  	[tilespmem:s15], [sflag:$0x1] =	stream.indirect_vreg.gather [hbm4b:s6+s2], $0x80, v4, vm0, $0xb8;
	[tilespmem:$0x14100] =	vst v63  }
0x3b: {  	_ = 	snop  }
0x3c: {  	[tilespmem:s16], [sflag:$0x1] =	stream.indirect_vreg.gather [hbm4b:s3+s2], $0x80, v3, vm0, $0xb8;
	[tilespmem:$0x14100] =	vst v63  }
0x3d: {  	_ = 	snop  }
0x3e: {  	[tilespmem:s17], [sflag:$0x1] =	stream.indirect_vreg.gather [hbm4b:s4+s2], $0x80, v3, vm0, $0xb8;
	[tilespmem:$0x14100] =	vst v63  }
0x3f: {  	_ = 	snop  }
0x40: {  	[tilespmem:s18], [sflag:$0x1] =	stream.indirect_vreg.gather [hbm4b:s5+s2], $0x80, v3, vm0, $0xb8;
	[tilespmem:$0x14100] =	vst v63  }
0x41: {  	_ = 	snop  }
0x42: {  	[tilespmem:s19], [sflag:$0x1] =	stream.indirect_vreg.gather [hbm4b:s6+s2], $0x80, v3, vm0, $0xb8;
	[tilespmem:$0x14100] =	vst v63  }
0x43: {  	v3 =	vld [tilespmem:$0x20];
	_ =	sdelay $0x4  }
0x44: {  	v56 =	vshll.u32 v3, $0x3  }
0x45: {  	v3 =	vand.u32 $0x7, v3;
	v4 =	vand.u32 $0xFFFFFFC0, v56  }
0x46: {  	v3 =	vor.u32 v3, v4  }
0x47: {  	v4 =	vperm.xlane v3, v0;
	_ =	sdelay $0x1  }
0x48: {  	v4 =	vadd.s32 v1, v4;
	_ =	sdelay $0x4  }
0x49: {  	[tilespmem:s20], [sflag:$0x1] =	stream.indirect_vreg.gather [hbm4b:s3+s2], $0x80, v4, vm0, $0xb8;
	[tilespmem:$0x14100] =	vst v63  }
0x4a: {  	v3 =	vperm.xlane v3, v2  }
0x4b: {  	[tilespmem:s21], [sflag:$0x1] =	stream.indirect_vreg.gather [hbm4b:s4+s2], $0x80, v4, vm0, $0xb8;
	[tilespmem:$0x14100] =	vst v63  }
0x4c: {  	v3 =	vadd.s32 v1, v3  }
0x4d: {  	[tilespmem:s22], [sflag:$0x1] =	stream.indirect_vreg.gather [hbm4b:s5+s2], $0x80, v4, vm0, $0xb8;
	[tilespmem:$0x14100] =	vst v63  }
0x4e: {  	_ = 	snop  }
0x4f: {  	[tilespmem:s23], [sflag:$0x1] =	stream.indirect_vreg.gather [hbm4b:s6+s2], $0x80, v4, vm0, $0xb8;
	[tilespmem:$0x14100] =	vst v63  }
0x50: {  	_ = 	snop  }
0x51: {  	[tilespmem:s24], [sflag:$0x1] =	stream.indirect_vreg.gather [hbm4b:s3+s2], $0x80, v3, vm0, $0xb8;
	[tilespmem:$0x14100] =	vst v63  }
0x52: {  	_ = 	snop  }
0x53: {  	[tilespmem:s25], [sflag:$0x1] =	stream.indirect_vreg.gather [hbm4b:s4+s2], $0x80, v3, vm0, $0xb8;
	[tilespmem:$0x14100] =	vst v63  }
0x54: {  	_ = 	snop  }
0x55: {  	[tilespmem:s9], [sflag:$0x1] =	stream.indirect_vreg.gather [hbm4b:s5+s2], $0x80, v3, vm0, $0xb8;
	[tilespmem:$0x14100] =	vst v63  }
0x56: {  	s28 =	simm.s32 $0xB900  }
0x57: {  	[tilespmem:s28], [sflag:$0x1] =	stream.indirect_vreg.gather [hbm4b:s6+s2], $0x80, v3, vm0, $0xb8;
	[tilespmem:$0x14100] =	vst v63  }
0x58: {  	v3 =	vld [tilespmem:$0x30];
	_ =	sdelay $0x4  }
0x59: {  	v57 =	vshll.u32 v3, $0x3  }
0x5a: {  	v3 =	vand.u32 $0x7, v3;
	v4 =	vand.u32 $0xFFFFFFC0, v57  }
0x5b: {  	v3 =	vor.u32 v3, v4  }
0x5c: {  	v4 =	vperm.xlane v3, v0;
	_ =	sdelay $0x1  }
0x5d: {  	v4 =	vadd.s32 v1, v4;
	_ =	sdelay $0x3  }
0x5e: {  	s28 =	simm.s32 $0xC100  }
0x5f: {  	[tilespmem:s28], [sflag:$0x1] =	stream.indirect_vreg.gather [hbm4b:s3+s2], $0x80, v4, vm0, $0xb8;
	[tilespmem:$0x14100] =	vst v63  }
0x60: {  	v3 =	vperm.xlane v3, v2;
	s28 =	simm.s32 $0xC900  }
0x61: {  	[tilespmem:s28], [sflag:$0x1] =	stream.indirect_vreg.gather [hbm4b:s4+s2], $0x80, v4, vm0, $0xb8;
	[tilespmem:$0x14100] =	vst v63  }
0x62: {  	v3 =	vadd.s32 v1, v3;
	s28 =	simm.s32 $0xD100  }
0x63: {  	[tilespmem:s28], [sflag:$0x1] =	stream.indirect_vreg.gather [hbm4b:s5+s2], $0x80, v4, vm0, $0xb8;
	[tilespmem:$0x14100] =	vst v63  }
0x64: {  	s28 =	simm.s32 $0xD900  }
0x65: {  	[tilespmem:s28], [sflag:$0x1] =	stream.indirect_vreg.gather [hbm4b:s6+s2], $0x80, v4, vm0, $0xb8;
	[tilespmem:$0x14100] =	vst v63  }
0x66: {  	s28 =	simm.s32 $0xE100  }
0x67: {  	[tilespmem:s28], [sflag:$0x1] =	stream.indirect_vreg.gather [hbm4b:s3+s2], $0x80, v3, vm0, $0xb8;
	[tilespmem:$0x14100] =	vst v63  }
0x68: {  	s28 =	simm.s32 $0xE900  }
0x69: {  	[tilespmem:s28], [sflag:$0x1] =	stream.indirect_vreg.gather [hbm4b:s4+s2], $0x80, v3, vm0, $0xb8;
	[tilespmem:$0x14100] =	vst v63  }
0x6a: {  	s28 =	simm.s32 $0xF100  }
0x6b: {  	[tilespmem:s28], [sflag:$0x1] =	stream.indirect_vreg.gather [hbm4b:s5+s2], $0x80, v3, vm0, $0xb8;
	[tilespmem:$0x14100] =	vst v63  }
0x6c: {  	s28 =	simm.s32 $0xF900  }
0x6d: {  	[tilespmem:s28], [sflag:$0x1] =	stream.indirect_vreg.gather [hbm4b:s6+s2], $0x80, v3, vm0, $0xb8;
	[tilespmem:$0x14100] =	vst v63  }
0x6e: {  	v3 =	vld [tilespmem:$0x40];
	_ =	sdelay $0x4  }
0x6f: {  	v58 =	vshll.u32 v3, $0x3  }
0x70: {  	v3 =	vand.u32 $0x7, v3;
	v4 =	vand.u32 $0xFFFFFFC0, v58  }
0x71: {  	v3 =	vor.u32 v3, v4  }
0x72: {  	v4 =	vperm.xlane v3, v0;
	_ =	sdelay $0x1  }
0x73: {  	v4 =	vadd.s32 v1, v4;
	_ =	sdelay $0x3  }
0x74: {  	s28 =	simm.s32 $0x10100  }
0x75: {  	[tilespmem:s28], [sflag:$0x1] =	stream.indirect_vreg.gather [hbm4b:s3+s2], $0x80, v4, vm0, $0xb8;
	[tilespmem:$0x14100] =	vst v63  }
0x76: {  	v3 =	vperm.xlane v3, v2;
	s28 =	simm.s32 $0x10900  }
0x77: {  	[tilespmem:s28], [sflag:$0x1] =	stream.indirect_vreg.gather [hbm4b:s4+s2], $0x80, v4, vm0, $0xb8;
	[tilespmem:$0x14100] =	vst v63  }
0x78: {  	v3 =	vadd.s32 v1, v3;
	s28 =	simm.s32 $0x11100  }
0x79: {  	[tilespmem:s28], [sflag:$0x1] =	stream.indirect_vreg.gather [hbm4b:s5+s2], $0x80, v4, vm0, $0xb8;
	[tilespmem:$0x14100] =	vst v63  }
0x7a: {  	s28 =	simm.s32 $0x11900  }
0x7b: {  	[tilespmem:s28], [sflag:$0x1] =	stream.indirect_vreg.gather [hbm4b:s6+s2], $0x80, v4, vm0, $0xb8;
	[tilespmem:$0x14100] =	vst v63  }
0x7c: {  	s28 =	simm.s32 $0x12100  }
0x7d: {  	[tilespmem:s28], [sflag:$0x1] =	stream.indirect_vreg.gather [hbm4b:s3+s2], $0x80, v3, vm0, $0xb8;
	[tilespmem:$0x14100] =	vst v63  }
0x7e: {  	s28 =	simm.s32 $0x12900  }
0x7f: {  	[tilespmem:s28], [sflag:$0x1] =	stream.indirect_vreg.gather [hbm4b:s4+s2], $0x80, v3, vm0, $0xb8;
	[tilespmem:$0x14100] =	vst v63  }
0x80: {  	s28 =	simm.s32 $0x13100  }
0x81: {  	[tilespmem:s28], [sflag:$0x1] =	stream.indirect_vreg.gather [hbm4b:s5+s2], $0x80, v3, vm0, $0xb8;
	[tilespmem:$0x14100] =	vst v63  }
0x82: {  	s28 =	simm.s32 $0x13900  }
0x83: {  	[tilespmem:s28], [sflag:$0x1] =	stream.indirect_vreg.gather [hbm4b:s6+s2], $0x80, v3, vm0, $0xb8;
	[tilespmem:$0x14100] =	vst v63  }
0x84: {  	_ =	swait.ge [sflag:s26], $0x14000  }
0x85: {  	[sflag:s26] =	ssyncset.done $0x0  }
0x86: {  	s0 =	simm.s32 $0x100;
	s28 =	rddreg [dreg:$0x4];
	[sflag:s26] =	ssyncadd.s32 $0xFFFEC000  }
0x87: {  	[hbm4b:s28+s2] =	stream.linear.scatter [tilespmem:s0], [sflag:$0x2], $0x14000, $0x38;
	[tilespmem:$0x14100] =	vst v63  }
0x88: {  	_ =	swait.ge [sflag:s8], $0x14000  }
0x89: {  	[sflag:s8] =	ssyncset.done $0x0  }
0x8a: {  	[sflag:s8] =	ssyncadd.s32 $0xFFFEC000  }
0x8b: {  	v3 =	vld [tilespmem:$0x80];
	_ =	sdelay $0x4  }
0x8c: {  	v59 =	vshll.u32 v3, $0x3  }
0x8d: {  	v3 =	vand.u32 $0x7, v3;
	v4 =	vand.u32 $0xFFFFFFC0, v59  }
0x8e: {  	v3 =	vor.u32 v3, v4  }
0x8f: {  	v4 =	vperm.xlane v3, v0;
	_ =	sdelay $0x1  }
0x90: {  	v4 =	vadd.s32 v1, v4;
	_ =	sdelay $0x4  }
0x91: {  	[tilespmem:s0], [sflag:$0x1] =	stream.indirect_vreg.gather [hbm4b:s3+s2], $0x80, v4, vm0, $0xb8;
	[tilespmem:$0x14100] =	vst v63  }
0x92: {  	v3 =	vperm.xlane v3, v2  }
0x93: {  	[tilespmem:s29], [sflag:$0x1] =	stream.indirect_vreg.gather [hbm4b:s4+s2], $0x80, v4, vm0, $0xb8;
	[tilespmem:$0x14100] =	vst v63  }
0x94: {  	v3 =	vadd.s32 v1, v3  }
0x95: {  	[tilespmem:s30], [sflag:$0x1] =	stream.indirect_vreg.gather [hbm4b:s5+s2], $0x80, v4, vm0, $0xb8;
	[tilespmem:$0x14100] =	vst v63  }
0x96: {  	_ = 	snop  }
0x97: {  	[tilespmem:s31], [sflag:$0x1] =	stream.indirect_vreg.gather [hbm4b:s6+s2], $0x80, v4, vm0, $0xb8;
	[tilespmem:$0x14100] =	vst v63  }
0x98: {  	s28 =	simm.s32 $0x2100  }
0x99: {  	[tilespmem:s28], [sflag:$0x1] =	stream.indirect_vreg.gather [hbm4b:s3+s2], $0x80, v3, vm0, $0xb8;
	[tilespmem:$0x14100] =	vst v63  }
0x9a: {  	_ = 	snop  }
0x9b: {  	[tilespmem:s1], [sflag:$0x1] =	stream.indirect_vreg.gather [hbm4b:s4+s2], $0x80, v3, vm0, $0xb8;
	[tilespmem:$0x14100] =	vst v63  }
0x9c: {  	_ = 	snop  }
0x9d: {  	[tilespmem:s10], [sflag:$0x1] =	stream.indirect_vreg.gather [hbm4b:s5+s2], $0x80, v3, vm0, $0xb8;
	[tilespmem:$0x14100] =	vst v63  }
0x9e: {  	_ = 	snop  }
0x9f: {  	[tilespmem:s11], [sflag:$0x1] =	stream.indirect_vreg.gather [hbm4b:s6+s2], $0x80, v3, vm0, $0xb8;
	[tilespmem:$0x14100] =	vst v63  }
0xa0: {  	v3 =	vld [tilespmem:$0x90];
	_ =	sdelay $0x4  }
0xa1: {  	v60 =	vshll.u32 v3, $0x3  }
0xa2: {  	v3 =	vand.u32 $0x7, v3;
	v4 =	vand.u32 $0xFFFFFFC0, v60  }
0xa3: {  	v3 =	vor.u32 v3, v4  }
0xa4: {  	v4 =	vperm.xlane v3, v0;
	_ =	sdelay $0x1  }
0xa5: {  	v4 =	vadd.s32 v1, v4;
	_ =	sdelay $0x4  }
0xa6: {  	[tilespmem:s12], [sflag:$0x1] =	stream.indirect_vreg.gather [hbm4b:s3+s2], $0x80, v4, vm0, $0xb8;
	[tilespmem:$0x14100] =	vst v63  }
0xa7: {  	v3 =	vperm.xlane v3, v2  }
0xa8: {  	[tilespmem:s13], [sflag:$0x1] =	stream.indirect_vreg.gather [hbm4b:s4+s2], $0x80, v4, vm0, $0xb8;
	[tilespmem:$0x14100] =	vst v63  }
0xa9: {  	v3 =	vadd.s32 v1, v3  }
0xaa: {  	[tilespmem:s14], [sflag:$0x1] =	stream.indirect_vreg.gather [hbm4b:s5+s2], $0x80, v4, vm0, $0xb8;
	[tilespmem:$0x14100] =	vst v63  }
0xab: {  	_ = 	snop  }
0xac: {  	[tilespmem:s15], [sflag:$0x1] =	stream.indirect_vreg.gather [hbm4b:s6+s2], $0x80, v4, vm0, $0xb8;
	[tilespmem:$0x14100] =	vst v63  }
0xad: {  	_ = 	snop  }
0xae: {  	[tilespmem:s16], [sflag:$0x1] =	stream.indirect_vreg.gather [hbm4b:s3+s2], $0x80, v3, vm0, $0xb8;
	[tilespmem:$0x14100] =	vst v63  }
0xaf: {  	_ = 	snop  }
0xb0: {  	[tilespmem:s17], [sflag:$0x1] =	stream.indirect_vreg.gather [hbm4b:s4+s2], $0x80, v3, vm0, $0xb8;
	[tilespmem:$0x14100] =	vst v63  }
0xb1: {  	_ = 	snop  }
0xb2: {  	[tilespmem:s18], [sflag:$0x1] =	stream.indirect_vreg.gather [hbm4b:s5+s2], $0x80, v3, vm0, $0xb8;
	[tilespmem:$0x14100] =	vst v63  }
0xb3: {  	_ = 	snop  }
0xb4: {  	[tilespmem:s19], [sflag:$0x1] =	stream.indirect_vreg.gather [hbm4b:s6+s2], $0x80, v3, vm0, $0xb8;
	[tilespmem:$0x14100] =	vst v63  }
0xb5: {  	v3 =	vld [tilespmem:$0xA0];
	_ =	sdelay $0x4  }
0xb6: {  	v61 =	vshll.u32 v3, $0x3  }
0xb7: {  	v3 =	vand.u32 $0x7, v3;
	v4 =	vand.u32 $0xFFFFFFC0, v61  }
0xb8: {  	v3 =	vor.u32 v3, v4  }
0xb9: {  	v4 =	vperm.xlane v3, v0;
	_ =	sdelay $0x1  }
0xba: {  	v4 =	vadd.s32 v1, v4;
	_ =	sdelay $0x4  }
0xbb: {  	[tilespmem:s20], [sflag:$0x1] =	stream.indirect_vreg.gather [hbm4b:s3+s2], $0x80, v4, vm0, $0xb8;
	[tilespmem:$0x14100] =	vst v63  }
0xbc: {  	v3 =	vperm.xlane v3, v2  }
0xbd: {  	[tilespmem:s21], [sflag:$0x1] =	stream.indirect_vreg.gather [hbm4b:s4+s2], $0x80, v4, vm0, $0xb8;
	[tilespmem:$0x14100] =	vst v63  }
0xbe: {  	v3 =	vadd.s32 v1, v3  }
0xbf: {  	[tilespmem:s22], [sflag:$0x1] =	stream.indirect_vreg.gather [hbm4b:s5+s2], $0x80, v4, vm0, $0xb8;
	[tilespmem:$0x14100] =	vst v63  }
0xc0: {  	_ = 	snop  }
0xc1: {  	[tilespmem:s23], [sflag:$0x1] =	stream.indirect_vreg.gather [hbm4b:s6+s2], $0x80, v4, vm0, $0xb8;
	[tilespmem:$0x14100] =	vst v63  }
0xc2: {  	_ = 	snop  }
0xc3: {  	[tilespmem:s24], [sflag:$0x1] =	stream.indirect_vreg.gather [hbm4b:s3+s2], $0x80, v3, vm0, $0xb8;
	[tilespmem:$0x14100] =	vst v63  }
0xc4: {  	_ = 	snop  }
0xc5: {  	[tilespmem:s25], [sflag:$0x1] =	stream.indirect_vreg.gather [hbm4b:s4+s2], $0x80, v3, vm0, $0xb8;
	[tilespmem:$0x14100] =	vst v63  }
0xc6: {  	_ = 	snop  }
0xc7: {  	[tilespmem:s9], [sflag:$0x1] =	stream.indirect_vreg.gather [hbm4b:s5+s2], $0x80, v3, vm0, $0xb8;
	[tilespmem:$0x14100] =	vst v63  }
0xc8: {  	s28 =	simm.s32 $0xB900  }
0xc9: {  	[tilespmem:s28], [sflag:$0x1] =	stream.indirect_vreg.gather [hbm4b:s6+s2], $0x80, v3, vm0, $0xb8;
	[tilespmem:$0x14100] =	vst v63  }
0xca: {  	v3 =	vld [tilespmem:$0xB0];
	_ =	sdelay $0x4  }
0xcb: {  	v62 =	vshll.u32 v3, $0x3  }
0xcc: {  	v3 =	vand.u32 $0x7, v3;
	v4 =	vand.u32 $0xFFFFFFC0, v62  }
0xcd: {  	v3 =	vor.u32 v3, v4  }
0xce: {  	v4 =	vperm.xlane v3, v0;
	_ =	sdelay $0x1  }
0xcf: {  	v4 =	vadd.s32 v1, v4;
	_ =	sdelay $0x3  }
0xd0: {  	s28 =	simm.s32 $0xC100  }
0xd1: {  	[tilespmem:s28], [sflag:$0x1] =	stream.indirect_vreg.gather [hbm4b:s3+s2], $0x80, v4, vm0, $0xb8;
	[tilespmem:$0x14100] =	vst v63  }
0xd2: {  	v3 =	vperm.xlane v3, v2;
	s28 =	simm.s32 $0xC900  }
0xd3: {  	[tilespmem:s28], [sflag:$0x1] =	stream.indirect_vreg.gather [hbm4b:s4+s2], $0x80, v4, vm0, $0xb8;
	[tilespmem:$0x14100] =	vst v63  }
0xd4: {  	v3 =	vadd.s32 v1, v3;
	s28 =	simm.s32 $0xD100  }
0xd5: {  	[tilespmem:s28], [sflag:$0x1] =	stream.indirect_vreg.gather [hbm4b:s5+s2], $0x80, v4, vm0, $0xb8;
	[tilespmem:$0x14100] =	vst v63  }
0xd6: {  	s28 =	simm.s32 $0xD900  }
0xd7: {  	[tilespmem:s28], [sflag:$0x1] =	stream.indirect_vreg.gather [hbm4b:s6+s2], $0x80, v4, vm0, $0xb8;
	[tilespmem:$0x14100] =	vst v63  }
0xd8: {  	s28 =	simm.s32 $0xE100  }
0xd9: {  	[tilespmem:s28], [sflag:$0x1] =	stream.indirect_vreg.gather [hbm4b:s3+s2], $0x80, v3, vm0, $0xb8;
	[tilespmem:$0x14100] =	vst v63  }
0xda: {  	s28 =	simm.s32 $0xE900  }
0xdb: {  	[tilespmem:s28], [sflag:$0x1] =	stream.indirect_vreg.gather [hbm4b:s4+s2], $0x80, v3, vm0, $0xb8;
	[tilespmem:$0x14100] =	vst v63  }
0xdc: {  	s28 =	simm.s32 $0xF100  }
0xdd: {  	[tilespmem:s28], [sflag:$0x1] =	stream.indirect_vreg.gather [hbm4b:s5+s2], $0x80, v3, vm0, $0xb8;
	[tilespmem:$0x14100] =	vst v63  }
0xde: {  	s28 =	simm.s32 $0xF900  }
0xdf: {  	[tilespmem:s28], [sflag:$0x1] =	stream.indirect_vreg.gather [hbm4b:s6+s2], $0x80, v3, vm0, $0xb8;
	[tilespmem:$0x14100] =	vst v63  }
0xe0: {  	v3 =	vld [tilespmem:$0xC0];
	_ =	sdelay $0x4  }
0xe1: {  	v63 =	vshll.u32 v3, $0x3  }
0xe2: {  	v3 =	vand.u32 $0x7, v3;
	v4 =	vand.u32 $0xFFFFFFC0, v63  }
0xe3: {  	v3 =	vor.u32 v3, v4  }
0xe4: {  	v4 =	vperm.xlane v3, v0;
	_ =	sdelay $0x1  }
0xe5: {  	v4 =	vadd.s32 v1, v4;
	_ =	sdelay $0x3  }
0xe6: {  	s28 =	simm.s32 $0x10100  }
0xe7: {  	[tilespmem:s28], [sflag:$0x1] =	stream.indirect_vreg.gather [hbm4b:s3+s2], $0x80, v4, vm0, $0xb8;
	[tilespmem:$0x14100] =	vst v63  }
0xe8: {  	v3 =	vperm.xlane v3, v2;
	s28 =	simm.s32 $0x10900  }
0xe9: {  	[tilespmem:s28], [sflag:$0x1] =	stream.indirect_vreg.gather [hbm4b:s4+s2], $0x80, v4, vm0, $0xb8;
	[tilespmem:$0x14100] =	vst v63  }
0xea: {  	v3 =	vadd.s32 v1, v3;
	s28 =	simm.s32 $0x11100  }
0xeb: {  	[tilespmem:s28], [sflag:$0x1] =	stream.indirect_vreg.gather [hbm4b:s5+s2], $0x80, v4, vm0, $0xb8;
	[tilespmem:$0x14100] =	vst v63  }
0xec: {  	s28 =	simm.s32 $0x11900  }
0xed: {  	[tilespmem:s28], [sflag:$0x1] =	stream.indirect_vreg.gather [hbm4b:s6+s2], $0x80, v4, vm0, $0xb8;
	[tilespmem:$0x14100] =	vst v63  }
0xee: {  	s28 =	simm.s32 $0x12100  }
0xef: {  	[tilespmem:s28], [sflag:$0x1] =	stream.indirect_vreg.gather [hbm4b:s3+s2], $0x80, v3, vm0, $0xb8;
	[tilespmem:$0x14100] =	vst v63  }
0xf0: {  	s28 =	simm.s32 $0x12900  }
0xf1: {  	[tilespmem:s28], [sflag:$0x1] =	stream.indirect_vreg.gather [hbm4b:s4+s2], $0x80, v3, vm0, $0xb8;
	[tilespmem:$0x14100] =	vst v63  }
0xf2: {  	s28 =	simm.s32 $0x13100  }
0xf3: {  	[tilespmem:s28], [sflag:$0x1] =	stream.indirect_vreg.gather [hbm4b:s5+s2], $0x80, v3, vm0, $0xb8;
	[tilespmem:$0x14100] =	vst v63  }
0xf4: {  	s28 =	simm.s32 $0x13900  }
0xf5: {  	[tilespmem:s28], [sflag:$0x1] =	stream.indirect_vreg.gather [hbm4b:s6+s2], $0x80, v3, vm0, $0xb8;
	[tilespmem:$0x14100] =	vst v63  }
0xf6: {  	_ =	swait.ge [sflag:s26], $0x14000  }
0xf7: {  	p0 =	sne.s32 s7, $0x1;
	s0 =	simm.s32 $0x100;
	[sflag:s26] =	ssyncset.done $0x0  }
.Ltmp0:
0xf8: {  	s28 =	rddreg [dreg:$0x5];
	[sflag:s26] =	ssyncadd.s32 $0xFFFEC000;
	(pc) =	sbr.rel @p0 .LBB2_1-.Ltmp0, $4  }
0xf9: {  	[hbm4b:s28+s2] =	stream.linear.scatter [tilespmem:s0], [sflag:$0x2], $0x14000, $0x38;
	[tilespmem:$0x14100] =	vst v63  }
0xfa: {  	_ =	swait.ge [sflag:s8], $0x14000  }
0xfb: {  	[sflag:s8] =	ssyncset.done $0x0  }
0xfc: {  	s7 =	sadd.s32 $0xFFFFFFFF, s7;
	[sflag:s8] =	ssyncadd.s32 $0xFFFEC000  }
0xfd: {  	_ =	sfence.sel $0x180000  }
0xfe: {  	[bflag:$0x0] =	sbarrier.arrive $0xFFFF  }
0xff: {  	_ =	strace $0x9000004A  }
0x100: {  	s0 =	stileid.u32;
	[bflag:$0x2] =	sbarrier.arrive $0xFFFF  }
0x101: {  	p0 =	sne.s32 s0, $0x0;
	s0 =	rddreg [dreg:$0x2]  }
0x102: {  	s0 =	sadd.s32 @!p0 $0x100000, s0  }
0x103: {  	[sflag:s0] =	ssyncadd.tile.s32 @!p0 $0x1;
	_ =	shalt  }
.Lfunc_end2:
_tile_overlayer_lowered:
.L_overlay_start_2:
0x104: {  	(tag) =	ssettag $0x2  }
0x105: {  	s0 =	rddreg [dreg:$0x0];
	s2 =	stileid.u32  }
0x106: {  	s1 =	rddreg [dreg:$0x1];
	p0 =	sne.s32 s2, $0x0  }
0x107: {  	s3 =	rddreg [dreg:$0x2];
	[bflag:$0x3] =	sbarrier.arrive $0xFFFF;
	s2 =	simm.s32 @!p0 $0x1C02  }
0x108: {  	[timem:s3], [sflag:s2] =	dma.local @!p0 [hbm:s0], s1  }
0x109: {  	s0 =	simm.s32 @!p0 $0x2  }
0x10a: {  	_ =	swait.ge @!p0 [sflag:s0], s1  }
0x10b: {  	s1 =	ssub.s32 @!p0 $0x0, s1;
	[sflag:s0] =	ssyncset.done @!p0 $0x0  }
0x10c: {  	[sflag:s0] =	ssyncadd.s32 @!p0 s1  }
0x10d: {  	[bflag:$0x3] =	sbarrier.arrive $0xFFFF  }
0x10e: {  	_ =	shalt  }

// kernel: kernel.29.cloned.1.call-start
scs
__scs_entry_jumppad:
0x0: {  	(pc) =	sbr.rel $0x88, $3  }
0x1: {  	(tag) =	ssettag $0x0;
	lr =	simm.s32 $0x1  }
0x2: {  	[smem:$0x3F77] =	sst lr;
	_ =	strace $0xD0000000  }
0x3: {  	_ = 	snop  }
0x4: {  	_ = 	snop  }
0x5: {  	_ = 	snop  }
0x6: {  	_ = 	snop  }
0x7: {  	_ = 	snop  }
__scs_overlays_trampoline_lowered:
0x8: {  	[smem:$0x3F86] =	sst s0  }
0x9: {  	[smem:$0x3F87] =	sst s1  }
0xa: {  	[smem:$0x3F88] =	sst s2  }
0xb: {  	[smem:$0x3F89] =	sst s3  }
0xc: {  	[smem:$0x3F8A] =	sst s4  }
0xd: {  	[smem:$0x3F8B] =	sst s5  }
0xe: {  	[smem:$0x3F8C] =	sst s6  }
0xf: {  	[smem:$0x3F8D] =	sst s7  }
0x10: {  	[smem:$0x3F8E] =	sst s8  }
0x11: {  	[smem:$0x3F8F] =	sst s9;
	s0 =	simm.s32 @!p0 $0x0  }
0x12: {  	s1 =	sld [smem:$0x3F75];
	s0 =	simm.s32 @p0 $0x1  }
0x13: {  	[smem:$0x3F90] =	sst s0;
	s0 =	simm.s32 @!p1 $0x0  }
0x14: {  	s2 =	sld [smem:$0x3F74];
	s0 =	simm.s32 @p1 $0x1  }
0x15: {  	[smem:$0x3F91] =	sst s0;
	s0 =	simm.s32 @!p2 $0x0  }
0x16: {  	s3 =	sld [smem:$0x3FDB];
	s0 =	simm.s32 @p2 $0x1  }
0x17: {  	s4 =	simm.s32 $0x1BF5;
	[smem:$0x3F93] =	sst s0  }
0x18: {  	s0 =	sld [smem:$0x3F76];
	_ =	swait.ge [sflag:s4], $0x0  }
0x19: {  	s7 =	sld [smem:$0x3F77]  }
0x1a: {  	s8 =	sadd.s32 $0xFFFFE003, lr  }
0x1b: {  	s9 =	sadd.s32 $0xFFFFFEF7, lr;
	s5 =	simm.s32 $0xFFFFFFFF;
	p2 =	slt.u32 s8, $0xFFFFF086  }
0x1c: {  	p1 =	slt.u32 s9, $0xF7A;
	s5 =	simm.s32 @!p2 $0x0  }
0x1d: {  	s5 =	simm.s32 @p1 $0x1;
	p0 =	seq.s32 s7, s2  }
0x1e: {  	s7 =	smul.u32 @!p0 $0xF7A, s2;
	p2 =	seq.s32 @!p0 s5, $0x0  }
0x1f: {  	s9 =	smul.u32 $0xF7A, s1;
	s8 =	simm.s32 @!p0 $0x1BF5;
	p2 =	por !p2, p0  }
0x20: {  	[sflag:s8] =	ssyncset.s32 @!p0 $0xFFFFF086;
	s6 =	sadd.s32 @!p0 s3, s7;
	s7 =	simm.s32 @!p0 $0x108  }
0x21: {  	s3 =	sadd.s32 s3, s9;
	s6 =	sadd.s32 @!p0 $0x88, s6;
	s7 =	simm.s32 @p2 $0x1082  }
0x22: {  	[simem:s7], [sflag:s8] =	dma.local @!p0 [hbm:s6], $0xF7A  }
0x23: {  	s9 =	sor.u32 $0xD0000000, s2;
	s6 =	simm.s32 $0x108;
	_ =	swait.ge @!p0 [sflag:s8], $0x0  }
0x24: {  	s3 =	sadd.s32 $0x88, s3;
	s6 =	simm.s32 @!p1 $0x1082;
	[sflag:s4] =	ssyncset.s32 $0xFFFFF086  }
0x25: {  	[simem:s6], [sflag:s4] =	dma.local [hbm:s3], $0xF7A  }
0x26: {  	[smem:$0x3F77] =	sst s1;
	(tag) =	ssettag s2;
	_ =	strace s9  }
0x27: {  	s1 =	sld [smem:$0x3F87]  }
0x28: {  	s2 =	sld [smem:$0x3F88]  }
0x29: {  	s4 =	sld [smem:$0x3F8A]  }
0x2a: {  	p0 =	seq.s32 s5, $0x0;
	s5 =	sld [smem:$0x3F8B]  }
0x2b: {  	s6 =	sld [smem:$0x3F8C]  }
0x2c: {  	s7 =	sld [smem:$0x3F8D]  }
0x2d: {  	s3 =	simm.s32 $0x108;
	s8 =	sld [smem:$0x3F8E]  }
0x2e: {  	s3 =	simm.s32 @!p0 $0x1082;
	s9 =	sld [smem:$0x3F8F]  }
0x2f: {  	lr =	sadd.s32 s0, s3;
	s0 =	sld [smem:$0x3F86]  }
0x30: {  	s3 =	sld [smem:$0x3F89]  }
0x31: {  	[smem:$0x3F92] =	sst s10  }
0x32: {  	s10 =	sld [smem:$0x3F90];
	_ =	sdelay $0x3  }
0x33: {  	p0 =	seq.s32 s10, $0x1;
	s10 =	sld [smem:$0x3F92];
	_ =	sdelay $0x3  }
0x34: {  	[smem:$0x3F92] =	sst s10  }
0x35: {  	s10 =	sld [smem:$0x3F91];
	_ =	sdelay $0x3  }
0x36: {  	p1 =	seq.s32 s10, $0x1;
	s10 =	sld [smem:$0x3F92];
	_ =	sdelay $0x3  }
0x37: {  	[smem:$0x3F92] =	sst s10  }
0x38: {  	s10 =	sld [smem:$0x3F93]  }
0x39: {  	_ = 	snop;
	(pc) =	sbr.ind lr, $3  }
0x3a: {  	_ = 	snop  }
0x3b: {  	_ = 	snop  }
0x3c: {  	p2 =	seq.s32 s10, $0x1;
	s10 =	sld [smem:$0x3F92]  }
0x3d: {  	_ =	shalt  }
0x3e: {  	_ =	shalt  }
0x3f: {  	_ =	shalt  }
0x40: {  	_ =	shalt  }
0x41: {  	_ =	shalt  }
0x42: {  	_ =	shalt  }
0x43: {  	_ =	shalt  }
0x44: {  	_ =	shalt  }
0x45: {  	_ =	shalt  }
0x46: {  	_ =	shalt  }
0x47: {  	_ =	shalt  }
0x48: {  	_ =	shalt  }
0x49: {  	_ =	shalt  }
0x4a: {  	_ =	shalt  }
0x4b: {  	_ =	shalt  }
0x4c: {  	_ =	shalt  }
0x4d: {  	_ =	shalt  }
0x4e: {  	_ =	shalt  }
0x4f: {  	_ =	shalt  }
0x50: {  	_ =	shalt  }
0x51: {  	_ =	shalt  }
0x52: {  	_ =	shalt  }
0x53: {  	_ =	shalt  }
0x54: {  	_ =	shalt  }
0x55: {  	_ =	shalt  }
0x56: {  	_ =	shalt  }
0x57: {  	_ =	shalt  }
0x58: {  	_ =	shalt  }
0x59: {  	_ =	shalt  }
0x5a: {  	_ =	shalt  }
0x5b: {  	_ =	shalt  }
0x5c: {  	_ =	shalt  }
0x5d: {  	_ =	shalt  }
0x5e: {  	_ =	shalt  }
0x5f: {  	_ =	shalt  }
0x60: {  	_ =	shalt  }
0x61: {  	_ =	shalt  }
0x62: {  	_ =	shalt  }
0x63: {  	_ =	shalt  }
0x64: {  	_ =	shalt  }
0x65: {  	_ =	shalt  }
0x66: {  	_ =	shalt  }
0x67: {  	_ =	shalt  }
0x68: {  	_ =	shalt  }
0x69: {  	_ =	shalt  }
0x6a: {  	_ =	shalt  }
0x6b: {  	_ =	shalt  }
0x6c: {  	_ =	shalt  }
0x6d: {  	_ =	shalt  }
0x6e: {  	_ =	shalt  }
0x6f: {  	_ =	shalt  }
0x70: {  	_ =	shalt  }
0x71: {  	_ =	shalt  }
0x72: {  	_ =	shalt  }
0x73: {  	_ =	shalt  }
0x74: {  	_ =	shalt  }
0x75: {  	_ =	shalt  }
0x76: {  	_ =	shalt  }
0x77: {  	_ =	shalt  }
0x78: {  	_ =	shalt  }
0x79: {  	_ =	shalt  }
0x7a: {  	_ =	shalt  }
0x7b: {  	_ =	shalt  }
0x7c: {  	_ =	shalt  }
0x7d: {  	_ =	shalt  }
0x7e: {  	_ =	shalt  }
0x7f: {  	_ =	shalt  }
0x80: {  	_ =	shalt  }
0x81: {  	_ =	shalt  }
0x82: {  	_ =	shalt  }
0x83: {  	_ =	shalt  }
0x84: {  	_ =	shalt  }
0x85: {  	_ =	shalt  }
0x86: {  	_ =	shalt  }
0x87: {  	_ =	shalt  }
.Lfunc_end0:
.L_simem_size_0:
called_computation.2_lowered:
.L_overlay_start_0:
0x88: {  	s2 =	sld [smem:$0x3FD9]  }
0x89: {  	s3 =	sld [smem:$0x3FFE];
	_ =	sdelay $0x1  }
0x8a: {  	s1 =	srdreg.scid  }
0x8b: {  	s0 =	sand.u32 $0x1, s1  }
0x8c: {  	s14 =	sshll.u32 s0, $0xA;
	s2 =	sadd.s32 s3, s2  }
0x8d: {  	s2 =	sadd.s32 s2, s14  }
0x8e: {  	[smem:$0x3F9E] =	sst s2  }
0x8f: {  	_ = 	snop  }
0x90: {  	s2 =	sld [smem:$0x3FD0];
	_ =	sdelay $0x2  }
0x91: {  	s15 =	simm.s32 $0xA;
	s4 =	simm.s32 $0x10  }
0x92: {  	[smem:s4], [sflag:s15] =	dma.local [hbm:s2], $0x1  }
0x93: {  	_ =	swait.eq [sflag:s15], $0x1  }
0x94: {  	[sflag:s15] =	ssyncset.done $0x0  }
0x95: {  	[sflag:s15] =	ssyncadd.s32 $0xFFFFFFFF  }
0x96: {  	s16 =	sld [smem:$0x10];
	(tm) =	ssettm $0x1  }
0x97: {  	s17 =	sld [smem:$0x3FFB];
	_ =	sdelay $0x3  }
0x98: {  	_ =	strace s17  }
0x99: {  	s3 =	sld [smem:$0x3FFC];
	_ =	sdelay $0x3  }
0x9a: {  	_ =	strace s3  }
0x9b: {  	s3 =	sld [smem:$0x3FFD];
	_ =	sdelay $0x3  }
0x9c: {  	_ =	strace s3  }
0x9d: {  	_ =	strace $0x8FFFFFFF  }
0x9e: {  	s18 =	sld [smem:$0x3FDB];
	_ =	sdelay $0x1  }
0x9f: {  	s19 =	simm.s32 $_scs_section_size  }
0xa0: {  	s5 =	simm.s32 $_size__tile_overlayer_lowered;
	s6 =	simm.s32 $_tile_overlayer_lowered  }
0xa1: {  	s22 =	simm.s32 $0x1BFF;
	s21 =	sshll.u32 s6, $0x1;
	s3 =	sadd.s32 s19, s18  }
0xa2: {  	s7 =	simm.s32 $0x0;
	s20 =	sshll.u32 s5, $0x1;
	s5 =	sadd.s32 s21, s3  }
0xa3: {  	[timem:s7], [sflag:s22] =	dma.local [hbm:s5], s20  }
0xa4: {  	_ =	swait.ge [sflag:s22], s20  }
0xa5: {  	s4 =	ssub.s32 $0x0, s20;
	[sflag:s22] =	ssyncset.done $0x0  }
0xa6: {  	[sflag:s22] =	ssyncadd.s32 s4;
	_ =	sdelay $0x1  }
0xa7: {  	s23 =	simm.s32 $0x1B8B  }
0xa8: {  	_ =	swait.ge [sflag:s23], $0x1  }
0xa9: {  	[sflag:s23] =	ssyncset.done $0x0  }
0xaa: {  	s25 =	simm.s32 $0x1B8E;
	s24 =	sld [smem:$0x3FFE];
	[sflag:s23] =	ssyncadd.s32 $0xFFFFFFFF  }
0xab: {  	s26 =	simm.s32 $execute0_lowered;
	[smem:$0x3FD2] =	sst s25  }
0xac: {  	s5 =	sshll.u32 s26, $0x1;
	_ =	strace $0x8000004C;
	[dreg:$0x1] =	wrdreg $0xFFFFFFFF  }
0xad: {  	s28 =	simm.s32 $_size_execute0_lowered;
	s3 =	sadd.s32 s3, s5;
	[dreg:$0x0] =	wrdreg $0x0  }
0xae: {  	s5 =	sshll.u32 s28, $0x1;
	[dreg:$0x2] =	wrdreg s3  }
0xaf: {  	[dreg:$0x3] =	wrdreg s5  }
0xb0: {  	[dreg:$0x4] =	wrdreg $0xC0  }
0xb1: {  	_ =	task [dreg:s7], $0x5FFFF  }
0xb2: {  	[dreg:$0x1] =	wrdreg $0xFFFFFFFF  }
0xb3: {  	[dreg:$0x0] =	wrdreg $0x60  }
0xb4: {  	[dreg:$0x2] =	wrdreg s24  }
0xb5: {  	[dreg:$0x3] =	wrdreg s16  }
0xb6: {  	[dreg:$0x4] =	wrdreg $0x9  }
0xb7: {  	_ =	task.clear_ibuf [dreg:s7], $0x5FFFF;
	_ =	strace $0x9000004C  }
0xb8: {  	s29 =	simm.s32 $0x9;
	_ =	strace $0x8000004E  }
0xb9: {  	_ =	swait.ge [sflag:s29], $0x1  }
0xba: {  	[sflag:s29] =	ssyncadd.s32 $0xFFFFFFFF  }
0xbb: {  	_ =	strace $0x9000004E  }
0xbc: {  	_ =	sfence  }
0xbd: {  	s30 =	sld [smem:$0x0];
	_ =	sdelay $0x2  }
0xbe: {  	s31 =	sshll.u32 s1, $0xD;
	s1 =	sshrl.u32 s1, $0x2  }
0xbf: {  	s3 =	sand.u32 $0x4000, s31;
	s1 =	sadd.s32 s1, s30  }
0xc0: {  	s0 =	sor.u32 s3, s0;
	s1 =	sshll.u32 s1, $0x11  }
0xc1: {  	s0 =	sor.u32 s1, s0  }
0xc2: {  	s0 =	sadd.s32 $0x8F2B, s0  }
0xc3: {  	[sflag:s0] =	ssyncadd.remote.s32 $0x1  }
0xc4: {  	_ =	sfence.sel $0xFFFF  }
0xc5: {  	[dreg:$0x0] =	wrdreg $0xFFFFFFFF;
	(pc) =	sbr.abs _section_cstart, $3  }
0xc6: {  	[dreg:$0x1] =	wrdreg $0xFFFFFFFF  }
0xc7: {  	_ =	task.clear_ibuf [dreg:s7], $0x2FFFF;
	_ =	strace $0x9FFFFFFF  }
0xc8: {  	(tm) =	ssettm $0x7FFFFFFF  }
0xc9: {  	_ =	shalt  }
tec
execute0_lowered:
.L_overlay_start_1:
0x0: {  	(tag) =	ssettag $0x1  }
0x1: {  	s0 =	rddreg [dreg:$0x0]  }
0x2: {  	s1 =	rddreg [dreg:$0x1];
	s3 =	srdreg.scid  }
0x3: {  	s5 =	stileid.u32;
	s2 =	simm.s32 $0x0;
	s29 =	simm.s32 $0x1100  }
0x4: {  	s30 =	simm.s32 $0x1900;
	s31 =	simm.s32 $0x2100;
	s10 =	simm.s32 $0x3900  }
0x5: {  	s11 =	simm.s32 $0x4100;
	s12 =	simm.s32 $0x4900;
	s13 =	simm.s32 $0x5100  }
0x6: {  	s14 =	simm.s32 $0x5900;
	s15 =	simm.s32 $0x6100;
	s16 =	simm.s32 $0x6900  }
0x7: {  	s17 =	simm.s32 $0x7100;
	s18 =	simm.s32 $0x7900;
	s19 =	simm.s32 $0x8100  }
0x8: {  	s20 =	simm.s32 $0x8900;
	s21 =	simm.s32 $0x9100;
	s22 =	simm.s32 $0x9900  }
0x9: {  	s23 =	simm.s32 $0xA100;
	s9 =	simm.s32 $0xB900;
	s4 =	sand.u32 $0x1, s3  }
0xa: {  	s24 =	sshll.u32 s5, $0x1;
	[smem:$0x7FF] =	sst s2;
	s5 =	sadd.s32 $0x9D800, s0  }
0xb: {  	s3 =	sor.u32 s4, s24;
	_ =	strace $0x8000004D;
	s4 =	ssub.s32 $0x2, s4  }
0xc: {  	s24 =	simm.s32 $0xA900;
	s25 =	sshll.u32 s3, $0x5;
	s6 =	smul.u32 $0x2800, s3  }
0xd: {  	s3 =	sadd.s32 $0x9D600, s0;
	s26 =	sshrl.u32 s4, $0x1;
	s1 =	sadd.s32 s1, s25  }
0xe: {  	v2 =	vlaneseq.u32;
	s7 =	ssub.s32 s4, s26;
	s4 =	sadd.s32 $0x9D700, s0;
	s26 =	simm.s32 $0x1  }
0xf: {  	vm0 =	vmmov $0xffff;
	v1 =	vshrl.u32 v2, $0x3;
	s25 =	simm.s32 $0xB100;
	[dreg:$0x3] =	wrdreg s1;
	s28 =	sadd.s32 s0, s6  }
0x10: {  	v0 =	vand.u32 $0x7, v2;
	v2 =	vor.u32 $0x8, v2;
	v1 =	vmul.u32 $0x8, v1;
	s6 =	sadd.s32 $0x9D900, s0;
	s7 =	smax.u32 s7, $0x1;
	[dreg:$0x4] =	wrdreg s28  }
.LBB2_1:
0x11: {  	s28 =	rddreg [dreg:$0x3];
	s0 =	simm.s32 $0x2  }
0x12: {  	[tilespmem:s2], [sflag:$0x2] =	stream.linear.gather [hbm4b:s28+s2], $0x100, $0x38;
	[tilespmem:$0x14100] =	vst v63  }
0x13: {  	_ =	swait.ge [sflag:s0], $0x100  }
0x14: {  	[sflag:s0] =	ssyncset.done $0x0  }
0x15: {  	s8 =	simm.s32 $0x100;
	s1 =	rddreg [dreg:$0x4];
	[sflag:s0] =	ssyncadd.s32 $0xFFFFFF00  }
0x16: {  	[tilespmem:s8], [sflag:$0x2] =	stream.linear.gather [hbm4b:s1+s2], $0x14000, $0x38;
	[tilespmem:$0x14100] =	vst v63  }
0x17: {  	_ =	swait.ge [sflag:s0], $0x14000  }
0x18: {  	[sflag:s0] =	ssyncset.done $0x0  }
0x19: {  	[sflag:s0] =	ssyncadd.s32 $0xFFFEC000  }
0x1a: {  	v3 =	vld [tilespmem:$0x0];
	_ =	sdelay $0x4  }
0x1b: {  	v4 =	vshll.u32 v3, $0x3  }
0x1c: {  	v3 =	vand.u32 $0x7, v3;
	v4 =	vand.u32 $0xFFFFFFC0, v4  }
0x1d: {  	v3 =	vor.u32 v3, v4  }
0x1e: {  	v4 =	vperm.xlane v3, v0;
	_ =	sdelay $0x1  }
0x1f: {  	v4 =	vadd.s32 v1, v4;
	_ =	sdelay $0x4  }
0x20: {  	[hbm4b:s3+s2] =	stream.indirect_vreg.scatter [tilespmem:s8], [sflag:$0x1], $0x80, v4, vm0, $0xb8;
	[tilespmem:$0x14100] =	vst v63  }
0x21: {  	s28 =	simm.s32 $0x900;
	v3 =	vperm.xlane v3, v2  }
0x22: {  	[hbm4b:s4+s2] =	stream.indirect_vreg.scatter [tilespmem:s28], [sflag:$0x1], $0x80, v4, vm0, $0xb8;
	[tilespmem:$0x14100] =	vst v63  }
0x23: {  	v3 =	vadd.s32 v1, v3  }
0x24: {  	[hbm4b:s5+s2] =	stream.indirect_vreg.scatter [tilespmem:s29], [sflag:$0x1], $0x80, v4, vm0, $0xb8;
	[tilespmem:$0x14100] =	vst v63  }
0x25: {  	_ = 	snop  }
0x26: {  	[hbm4b:s6+s2] =	stream.indirect_vreg.scatter [tilespmem:s30], [sflag:$0x1], $0x80, v4, vm0, $0xb8;
	[tilespmem:$0x14100] =	vst v63  }
0x27: {  	_ = 	snop  }
0x28: {  	[hbm4b:s3+s2] =	stream.indirect_vreg.scatter [tilespmem:s31], [sflag:$0x1], $0x80, v3, vm0, $0xb8;
	[tilespmem:$0x14100] =	vst v63  }
0x29: {  	s1 =	simm.s32 $0x2900  }
0x2a: {  	[hbm4b:s4+s2] =	stream.indirect_vreg.scatter [tilespmem:s1], [sflag:$0x1], $0x80, v3, vm0, $0xb8;
	[tilespmem:$0x14100] =	vst v63  }
0x2b: {  	s1 =	simm.s32 $0x3100  }
0x2c: {  	[hbm4b:s5+s2] =	stream.indirect_vreg.scatter [tilespmem:s1], [sflag:$0x1], $0x80, v3, vm0, $0xb8;
	[tilespmem:$0x14100] =	vst v63  }
0x2d: {  	_ = 	snop  }
0x2e: {  	[hbm4b:s6+s2] =	stream.indirect_vreg.scatter [tilespmem:s10], [sflag:$0x1], $0x80, v3, vm0, $0xb8;
	[tilespmem:$0x14100] =	vst v63  }
0x2f: {  	v3 =	vld [tilespmem:$0x10];
	_ =	sdelay $0x4  }
0x30: {  	v55 =	vshll.u32 v3, $0x3  }
0x31: {  	v3 =	vand.u32 $0x7, v3;
	v4 =	vand.u32 $0xFFFFFFC0, v55  }
0x32: {  	v3 =	vor.u32 v3, v4  }
0x33: {  	v4 =	vperm.xlane v3, v0;
	_ =	sdelay $0x1  }
0x34: {  	v4 =	vadd.s32 v1, v4;
	_ =	sdelay $0x4  }
0x35: {  	[hbm4b:s3+s2] =	stream.indirect_vreg.scatter [tilespmem:s11], [sflag:$0x1], $0x80, v4, vm0, $0xb8;
	[tilespmem:$0x14100] =	vst v63  }
0x36: {  	v3 =	vperm.xlane v3, v2  }
0x37: {  	[hbm4b:s4+s2] =	stream.indirect_vreg.scatter [tilespmem:s12], [sflag:$0x1], $0x80, v4, vm0, $0xb8;
	[tilespmem:$0x14100] =	vst v63  }
0x38: {  	v3 =	vadd.s32 v1, v3  }
0x39: {  	[hbm4b:s5+s2] =	stream.indirect_vreg.scatter [tilespmem:s13], [sflag:$0x1], $0x80, v4, vm0, $0xb8;
	[tilespmem:$0x14100] =	vst v63  }
0x3a: {  	_ = 	snop  }
0x3b: {  	[hbm4b:s6+s2] =	stream.indirect_vreg.scatter [tilespmem:s14], [sflag:$0x1], $0x80, v4, vm0, $0xb8;
	[tilespmem:$0x14100] =	vst v63  }
0x3c: {  	_ = 	snop  }
0x3d: {  	[hbm4b:s3+s2] =	stream.indirect_vreg.scatter [tilespmem:s15], [sflag:$0x1], $0x80, v3, vm0, $0xb8;
	[tilespmem:$0x14100] =	vst v63  }
0x3e: {  	_ = 	snop  }
0x3f: {  	[hbm4b:s4+s2] =	stream.indirect_vreg.scatter [tilespmem:s16], [sflag:$0x1], $0x80, v3, vm0, $0xb8;
	[tilespmem:$0x14100] =	vst v63  }
0x40: {  	_ = 	snop  }
0x41: {  	[hbm4b:s5+s2] =	stream.indirect_vreg.scatter [tilespmem:s17], [sflag:$0x1], $0x80, v3, vm0, $0xb8;
	[tilespmem:$0x14100] =	vst v63  }
0x42: {  	_ = 	snop  }
0x43: {  	[hbm4b:s6+s2] =	stream.indirect_vreg.scatter [tilespmem:s18], [sflag:$0x1], $0x80, v3, vm0, $0xb8;
	[tilespmem:$0x14100] =	vst v63  }
0x44: {  	v3 =	vld [tilespmem:$0x20];
	_ =	sdelay $0x4  }
0x45: {  	v56 =	vshll.u32 v3, $0x3  }
0x46: {  	v3 =	vand.u32 $0x7, v3;
	v4 =	vand.u32 $0xFFFFFFC0, v56  }
0x47: {  	v3 =	vor.u32 v3, v4  }
0x48: {  	v4 =	vperm.xlane v3, v0;
	_ =	sdelay $0x1  }
0x49: {  	v4 =	vadd.s32 v1, v4;
	_ =	sdelay $0x4  }
0x4a: {  	[hbm4b:s3+s2] =	stream.indirect_vreg.scatter [tilespmem:s19], [sflag:$0x1], $0x80, v4, vm0, $0xb8;
	[tilespmem:$0x14100] =	vst v63  }
0x4b: {  	v3 =	vperm.xlane v3, v2  }
0x4c: {  	[hbm4b:s4+s2] =	stream.indirect_vreg.scatter [tilespmem:s20], [sflag:$0x1], $0x80, v4, vm0, $0xb8;
	[tilespmem:$0x14100] =	vst v63  }
0x4d: {  	v3 =	vadd.s32 v1, v3  }
0x4e: {  	[hbm4b:s5+s2] =	stream.indirect_vreg.scatter [tilespmem:s21], [sflag:$0x1], $0x80, v4, vm0, $0xb8;
	[tilespmem:$0x14100] =	vst v63  }
0x4f: {  	_ = 	snop  }
0x50: {  	[hbm4b:s6+s2] =	stream.indirect_vreg.scatter [tilespmem:s22], [sflag:$0x1], $0x80, v4, vm0, $0xb8;
	[tilespmem:$0x14100] =	vst v63  }
0x51: {  	_ = 	snop  }
0x52: {  	[hbm4b:s3+s2] =	stream.indirect_vreg.scatter [tilespmem:s23], [sflag:$0x1], $0x80, v3, vm0, $0xb8;
	[tilespmem:$0x14100] =	vst v63  }
0x53: {  	_ = 	snop  }
0x54: {  	[hbm4b:s4+s2] =	stream.indirect_vreg.scatter [tilespmem:s24], [sflag:$0x1], $0x80, v3, vm0, $0xb8;
	[tilespmem:$0x14100] =	vst v63  }
0x55: {  	_ = 	snop  }
0x56: {  	[hbm4b:s5+s2] =	stream.indirect_vreg.scatter [tilespmem:s25], [sflag:$0x1], $0x80, v3, vm0, $0xb8;
	[tilespmem:$0x14100] =	vst v63  }
0x57: {  	_ = 	snop  }
0x58: {  	[hbm4b:s6+s2] =	stream.indirect_vreg.scatter [tilespmem:s9], [sflag:$0x1], $0x80, v3, vm0, $0xb8;
	[tilespmem:$0x14100] =	vst v63  }
0x59: {  	v3 =	vld [tilespmem:$0x30];
	_ =	sdelay $0x4  }
0x5a: {  	v57 =	vshll.u32 v3, $0x3  }
0x5b: {  	v3 =	vand.u32 $0x7, v3;
	v4 =	vand.u32 $0xFFFFFFC0, v57  }
0x5c: {  	v3 =	vor.u32 v3, v4  }
0x5d: {  	v4 =	vperm.xlane v3, v0;
	_ =	sdelay $0x1  }
0x5e: {  	v4 =	vadd.s32 v1, v4;
	_ =	sdelay $0x3  }
0x5f: {  	s0 =	simm.s32 $0xC100  }
0x60: {  	[hbm4b:s3+s2] =	stream.indirect_vreg.scatter [tilespmem:s0], [sflag:$0x1], $0x80, v4, vm0, $0xb8;
	[tilespmem:$0x14100] =	vst v63  }
0x61: {  	v3 =	vperm.xlane v3, v2;
	s0 =	simm.s32 $0xC900  }
0x62: {  	[hbm4b:s4+s2] =	stream.indirect_vreg.scatter [tilespmem:s0], [sflag:$0x1], $0x80, v4, vm0, $0xb8;
	[tilespmem:$0x14100] =	vst v63  }
0x63: {  	v3 =	vadd.s32 v1, v3;
	s0 =	simm.s32 $0xD100  }
0x64: {  	[hbm4b:s5+s2] =	stream.indirect_vreg.scatter [tilespmem:s0], [sflag:$0x1], $0x80, v4, vm0, $0xb8;
	[tilespmem:$0x14100] =	vst v63  }
0x65: {  	s0 =	simm.s32 $0xD900  }
0x66: {  	[hbm4b:s6+s2] =	stream.indirect_vreg.scatter [tilespmem:s0], [sflag:$0x1], $0x80, v4, vm0, $0xb8;
	[tilespmem:$0x14100] =	vst v63  }
0x67: {  	s0 =	simm.s32 $0xE100  }
0x68: {  	[hbm4b:s3+s2] =	stream.indirect_vreg.scatter [tilespmem:s0], [sflag:$0x1], $0x80, v3, vm0, $0xb8;
	[tilespmem:$0x14100] =	vst v63  }
0x69: {  	s0 =	simm.s32 $0xE900  }
0x6a: {  	[hbm4b:s4+s2] =	stream.indirect_vreg.scatter [tilespmem:s0], [sflag:$0x1], $0x80, v3, vm0, $0xb8;
	[tilespmem:$0x14100] =	vst v63  }
0x6b: {  	s0 =	simm.s32 $0xF100  }
0x6c: {  	[hbm4b:s5+s2] =	stream.indirect_vreg.scatter [tilespmem:s0], [sflag:$0x1], $0x80, v3, vm0, $0xb8;
	[tilespmem:$0x14100] =	vst v63  }
0x6d: {  	s0 =	simm.s32 $0xF900  }
0x6e: {  	[hbm4b:s6+s2] =	stream.indirect_vreg.scatter [tilespmem:s0], [sflag:$0x1], $0x80, v3, vm0, $0xb8;
	[tilespmem:$0x14100] =	vst v63  }
0x6f: {  	v3 =	vld [tilespmem:$0x40];
	_ =	sdelay $0x4  }
0x70: {  	v58 =	vshll.u32 v3, $0x3  }
0x71: {  	v3 =	vand.u32 $0x7, v3;
	v4 =	vand.u32 $0xFFFFFFC0, v58  }
0x72: {  	v3 =	vor.u32 v3, v4  }
0x73: {  	v4 =	vperm.xlane v3, v0;
	_ =	sdelay $0x1  }
0x74: {  	v4 =	vadd.s32 v1, v4;
	_ =	sdelay $0x3  }
0x75: {  	s0 =	simm.s32 $0x10100  }
0x76: {  	[hbm4b:s3+s2] =	stream.indirect_vreg.scatter [tilespmem:s0], [sflag:$0x1], $0x80, v4, vm0, $0xb8;
	[tilespmem:$0x14100] =	vst v63  }
0x77: {  	v3 =	vperm.xlane v3, v2;
	s0 =	simm.s32 $0x10900  }
0x78: {  	[hbm4b:s4+s2] =	stream.indirect_vreg.scatter [tilespmem:s0], [sflag:$0x1], $0x80, v4, vm0, $0xb8;
	[tilespmem:$0x14100] =	vst v63  }
0x79: {  	v3 =	vadd.s32 v1, v3;
	s0 =	simm.s32 $0x11100  }
0x7a: {  	[hbm4b:s5+s2] =	stream.indirect_vreg.scatter [tilespmem:s0], [sflag:$0x1], $0x80, v4, vm0, $0xb8;
	[tilespmem:$0x14100] =	vst v63  }
0x7b: {  	s0 =	simm.s32 $0x11900  }
0x7c: {  	[hbm4b:s6+s2] =	stream.indirect_vreg.scatter [tilespmem:s0], [sflag:$0x1], $0x80, v4, vm0, $0xb8;
	[tilespmem:$0x14100] =	vst v63  }
0x7d: {  	s0 =	simm.s32 $0x12100  }
0x7e: {  	[hbm4b:s3+s2] =	stream.indirect_vreg.scatter [tilespmem:s0], [sflag:$0x1], $0x80, v3, vm0, $0xb8;
	[tilespmem:$0x14100] =	vst v63  }
0x7f: {  	s0 =	simm.s32 $0x12900  }
0x80: {  	[hbm4b:s4+s2] =	stream.indirect_vreg.scatter [tilespmem:s0], [sflag:$0x1], $0x80, v3, vm0, $0xb8;
	[tilespmem:$0x14100] =	vst v63  }
0x81: {  	s0 =	simm.s32 $0x13100  }
0x82: {  	[hbm4b:s5+s2] =	stream.indirect_vreg.scatter [tilespmem:s0], [sflag:$0x1], $0x80, v3, vm0, $0xb8;
	[tilespmem:$0x14100] =	vst v63  }
0x83: {  	s0 =	simm.s32 $0x13900  }
0x84: {  	[hbm4b:s6+s2] =	stream.indirect_vreg.scatter [tilespmem:s0], [sflag:$0x1], $0x80, v3, vm0, $0xb8;
	[tilespmem:$0x14100] =	vst v63  }
0x85: {  	_ =	swait.ge [sflag:s26], $0x14000  }
0x86: {  	[sflag:s26] =	ssyncset.done $0x0  }
0x87: {  	[sflag:s26] =	ssyncadd.s32 $0xFFFEC000  }
0x88: {  	v3 =	vld [tilespmem:$0x80];
	_ =	sdelay $0x4  }
0x89: {  	v59 =	vshll.u32 v3, $0x3  }
0x8a: {  	v3 =	vand.u32 $0x7, v3;
	v4 =	vand.u32 $0xFFFFFFC0, v59  }
0x8b: {  	v3 =	vor.u32 v3, v4  }
0x8c: {  	v4 =	vperm.xlane v3, v0;
	_ =	sdelay $0x1  }
0x8d: {  	v4 =	vadd.s32 v1, v4;
	_ =	sdelay $0x4  }
0x8e: {  	[hbm4b:s3+s2] =	stream.indirect_vreg.scatter [tilespmem:s8], [sflag:$0x1], $0x80, v4, vm0, $0xb8;
	[tilespmem:$0x14100] =	vst v63  }
0x8f: {  	v3 =	vperm.xlane v3, v2  }
0x90: {  	[hbm4b:s4+s2] =	stream.indirect_vreg.scatter [tilespmem:s28], [sflag:$0x1], $0x80, v4, vm0, $0xb8;
	[tilespmem:$0x14100] =	vst v63  }
0x91: {  	v3 =	vadd.s32 v1, v3  }
0x92: {  	[hbm4b:s5+s2] =	stream.indirect_vreg.scatter [tilespmem:s29], [sflag:$0x1], $0x80, v4, vm0, $0xb8;
	[tilespmem:$0x14100] =	vst v63  }
0x93: {  	_ = 	snop  }
0x94: {  	[hbm4b:s6+s2] =	stream.indirect_vreg.scatter [tilespmem:s30], [sflag:$0x1], $0x80, v4, vm0, $0xb8;
	[tilespmem:$0x14100] =	vst v63  }
0x95: {  	_ = 	snop  }
0x96: {  	[hbm4b:s3+s2] =	stream.indirect_vreg.scatter [tilespmem:s31], [sflag:$0x1], $0x80, v3, vm0, $0xb8;
	[tilespmem:$0x14100] =	vst v63  }
0x97: {  	s28 =	simm.s32 $0x2900  }
0x98: {  	[hbm4b:s4+s2] =	stream.indirect_vreg.scatter [tilespmem:s28], [sflag:$0x1], $0x80, v3, vm0, $0xb8;
	[tilespmem:$0x14100] =	vst v63  }
0x99: {  	_ = 	snop  }
0x9a: {  	[hbm4b:s5+s2] =	stream.indirect_vreg.scatter [tilespmem:s1], [sflag:$0x1], $0x80, v3, vm0, $0xb8;
	[tilespmem:$0x14100] =	vst v63  }
0x9b: {  	_ = 	snop  }
0x9c: {  	[hbm4b:s6+s2] =	stream.indirect_vreg.scatter [tilespmem:s10], [sflag:$0x1], $0x80, v3, vm0, $0xb8;
	[tilespmem:$0x14100] =	vst v63  }
0x9d: {  	v3 =	vld [tilespmem:$0x90];
	_ =	sdelay $0x4  }
0x9e: {  	v60 =	vshll.u32 v3, $0x3  }
0x9f: {  	v3 =	vand.u32 $0x7, v3;
	v4 =	vand.u32 $0xFFFFFFC0, v60  }
0xa0: {  	v3 =	vor.u32 v3, v4  }
0xa1: {  	v4 =	vperm.xlane v3, v0;
	_ =	sdelay $0x1  }
0xa2: {  	v4 =	vadd.s32 v1, v4;
	_ =	sdelay $0x4  }
0xa3: {  	[hbm4b:s3+s2] =	stream.indirect_vreg.scatter [tilespmem:s11], [sflag:$0x1], $0x80, v4, vm0, $0xb8;
	[tilespmem:$0x14100] =	vst v63  }
0xa4: {  	v3 =	vperm.xlane v3, v2  }
0xa5: {  	[hbm4b:s4+s2] =	stream.indirect_vreg.scatter [tilespmem:s12], [sflag:$0x1], $0x80, v4, vm0, $0xb8;
	[tilespmem:$0x14100] =	vst v63  }
0xa6: {  	v3 =	vadd.s32 v1, v3  }
0xa7: {  	[hbm4b:s5+s2] =	stream.indirect_vreg.scatter [tilespmem:s13], [sflag:$0x1], $0x80, v4, vm0, $0xb8;
	[tilespmem:$0x14100] =	vst v63  }
0xa8: {  	_ = 	snop  }
0xa9: {  	[hbm4b:s6+s2] =	stream.indirect_vreg.scatter [tilespmem:s14], [sflag:$0x1], $0x80, v4, vm0, $0xb8;
	[tilespmem:$0x14100] =	vst v63  }
0xaa: {  	_ = 	snop  }
0xab: {  	[hbm4b:s3+s2] =	stream.indirect_vreg.scatter [tilespmem:s15], [sflag:$0x1], $0x80, v3, vm0, $0xb8;
	[tilespmem:$0x14100] =	vst v63  }
0xac: {  	_ = 	snop  }
0xad: {  	[hbm4b:s4+s2] =	stream.indirect_vreg.scatter [tilespmem:s16], [sflag:$0x1], $0x80, v3, vm0, $0xb8;
	[tilespmem:$0x14100] =	vst v63  }
0xae: {  	_ = 	snop  }
0xaf: {  	[hbm4b:s5+s2] =	stream.indirect_vreg.scatter [tilespmem:s17], [sflag:$0x1], $0x80, v3, vm0, $0xb8;
	[tilespmem:$0x14100] =	vst v63  }
0xb0: {  	_ = 	snop  }
0xb1: {  	[hbm4b:s6+s2] =	stream.indirect_vreg.scatter [tilespmem:s18], [sflag:$0x1], $0x80, v3, vm0, $0xb8;
	[tilespmem:$0x14100] =	vst v63  }
0xb2: {  	v3 =	vld [tilespmem:$0xA0];
	_ =	sdelay $0x4  }
0xb3: {  	v61 =	vshll.u32 v3, $0x3  }
0xb4: {  	v3 =	vand.u32 $0x7, v3;
	v4 =	vand.u32 $0xFFFFFFC0, v61  }
0xb5: {  	v3 =	vor.u32 v3, v4  }
0xb6: {  	v4 =	vperm.xlane v3, v0;
	_ =	sdelay $0x1  }
0xb7: {  	v4 =	vadd.s32 v1, v4;
	_ =	sdelay $0x4  }
0xb8: {  	[hbm4b:s3+s2] =	stream.indirect_vreg.scatter [tilespmem:s19], [sflag:$0x1], $0x80, v4, vm0, $0xb8;
	[tilespmem:$0x14100] =	vst v63  }
0xb9: {  	v3 =	vperm.xlane v3, v2  }
0xba: {  	[hbm4b:s4+s2] =	stream.indirect_vreg.scatter [tilespmem:s20], [sflag:$0x1], $0x80, v4, vm0, $0xb8;
	[tilespmem:$0x14100] =	vst v63  }
0xbb: {  	v3 =	vadd.s32 v1, v3  }
0xbc: {  	[hbm4b:s5+s2] =	stream.indirect_vreg.scatter [tilespmem:s21], [sflag:$0x1], $0x80, v4, vm0, $0xb8;
	[tilespmem:$0x14100] =	vst v63  }
0xbd: {  	_ = 	snop  }
0xbe: {  	[hbm4b:s6+s2] =	stream.indirect_vreg.scatter [tilespmem:s22], [sflag:$0x1], $0x80, v4, vm0, $0xb8;
	[tilespmem:$0x14100] =	vst v63  }
0xbf: {  	_ = 	snop  }
0xc0: {  	[hbm4b:s3+s2] =	stream.indirect_vreg.scatter [tilespmem:s23], [sflag:$0x1], $0x80, v3, vm0, $0xb8;
	[tilespmem:$0x14100] =	vst v63  }
0xc1: {  	_ = 	snop  }
0xc2: {  	[hbm4b:s4+s2] =	stream.indirect_vreg.scatter [tilespmem:s24], [sflag:$0x1], $0x80, v3, vm0, $0xb8;
	[tilespmem:$0x14100] =	vst v63  }
0xc3: {  	_ = 	snop  }
0xc4: {  	[hbm4b:s5+s2] =	stream.indirect_vreg.scatter [tilespmem:s25], [sflag:$0x1], $0x80, v3, vm0, $0xb8;
	[tilespmem:$0x14100] =	vst v63  }
0xc5: {  	_ = 	snop  }
0xc6: {  	[hbm4b:s6+s2] =	stream.indirect_vreg.scatter [tilespmem:s9], [sflag:$0x1], $0x80, v3, vm0, $0xb8;
	[tilespmem:$0x14100] =	vst v63  }
0xc7: {  	v3 =	vld [tilespmem:$0xB0];
	_ =	sdelay $0x4  }
0xc8: {  	v62 =	vshll.u32 v3, $0x3  }
0xc9: {  	v3 =	vand.u32 $0x7, v3;
	v4 =	vand.u32 $0xFFFFFFC0, v62  }
0xca: {  	v3 =	vor.u32 v3, v4  }
0xcb: {  	v4 =	vperm.xlane v3, v0;
	_ =	sdelay $0x1  }
0xcc: {  	v4 =	vadd.s32 v1, v4;
	_ =	sdelay $0x3  }
0xcd: {  	s28 =	simm.s32 $0xC100  }
0xce: {  	[hbm4b:s3+s2] =	stream.indirect_vreg.scatter [tilespmem:s28], [sflag:$0x1], $0x80, v4, vm0, $0xb8;
	[tilespmem:$0x14100] =	vst v63  }
0xcf: {  	s8 =	simm.s32 $0xC900;
	v3 =	vperm.xlane v3, v2  }
0xd0: {  	[hbm4b:s4+s2] =	stream.indirect_vreg.scatter [tilespmem:s8], [sflag:$0x1], $0x80, v4, vm0, $0xb8;
	[tilespmem:$0x14100] =	vst v63  }
0xd1: {  	v3 =	vadd.s32 v1, v3;
	s28 =	simm.s32 $0xD100  }
0xd2: {  	[hbm4b:s5+s2] =	stream.indirect_vreg.scatter [tilespmem:s28], [sflag:$0x1], $0x80, v4, vm0, $0xb8;
	[tilespmem:$0x14100] =	vst v63  }
0xd3: {  	s8 =	simm.s32 $0xD900  }
0xd4: {  	[hbm4b:s6+s2] =	stream.indirect_vreg.scatter [tilespmem:s8], [sflag:$0x1], $0x80, v4, vm0, $0xb8;
	[tilespmem:$0x14100] =	vst v63  }
0xd5: {  	s28 =	simm.s32 $0xE100  }
0xd6: {  	[hbm4b:s3+s2] =	stream.indirect_vreg.scatter [tilespmem:s28], [sflag:$0x1], $0x80, v3, vm0, $0xb8;
	[tilespmem:$0x14100] =	vst v63  }
0xd7: {  	s8 =	simm.s32 $0xE900  }
0xd8: {  	[hbm4b:s4+s2] =	stream.indirect_vreg.scatter [tilespmem:s8], [sflag:$0x1], $0x80, v3, vm0, $0xb8;
	[tilespmem:$0x14100] =	vst v63  }
0xd9: {  	s28 =	simm.s32 $0xF100  }
0xda: {  	[hbm4b:s5+s2] =	stream.indirect_vreg.scatter [tilespmem:s28], [sflag:$0x1], $0x80, v3, vm0, $0xb8;
	[tilespmem:$0x14100] =	vst v63  }
0xdb: {  	s8 =	simm.s32 $0xF900  }
0xdc: {  	[hbm4b:s6+s2] =	stream.indirect_vreg.scatter [tilespmem:s8], [sflag:$0x1], $0x80, v3, vm0, $0xb8;
	[tilespmem:$0x14100] =	vst v63  }
0xdd: {  	v3 =	vld [tilespmem:$0xC0];
	_ =	sdelay $0x4  }
0xde: {  	v63 =	vshll.u32 v3, $0x3  }
0xdf: {  	v3 =	vand.u32 $0x7, v3;
	v4 =	vand.u32 $0xFFFFFFC0, v63  }
0xe0: {  	v3 =	vor.u32 v3, v4  }
0xe1: {  	v4 =	vperm.xlane v3, v0;
	_ =	sdelay $0x1  }
0xe2: {  	v4 =	vadd.s32 v1, v4;
	_ =	sdelay $0x3  }
0xe3: {  	s28 =	simm.s32 $0x10100  }
0xe4: {  	[hbm4b:s3+s2] =	stream.indirect_vreg.scatter [tilespmem:s28], [sflag:$0x1], $0x80, v4, vm0, $0xb8;
	[tilespmem:$0x14100] =	vst v63  }
0xe5: {  	s8 =	simm.s32 $0x10900;
	v3 =	vperm.xlane v3, v2  }
0xe6: {  	[hbm4b:s4+s2] =	stream.indirect_vreg.scatter [tilespmem:s8], [sflag:$0x1], $0x80, v4, vm0, $0xb8;
	[tilespmem:$0x14100] =	vst v63  }
0xe7: {  	v3 =	vadd.s32 v1, v3;
	s28 =	simm.s32 $0x11100  }
0xe8: {  	[hbm4b:s5+s2] =	stream.indirect_vreg.scatter [tilespmem:s28], [sflag:$0x1], $0x80, v4, vm0, $0xb8;
	[tilespmem:$0x14100] =	vst v63  }
0xe9: {  	s8 =	simm.s32 $0x11900  }
0xea: {  	[hbm4b:s6+s2] =	stream.indirect_vreg.scatter [tilespmem:s8], [sflag:$0x1], $0x80, v4, vm0, $0xb8;
	[tilespmem:$0x14100] =	vst v63  }
0xeb: {  	s28 =	simm.s32 $0x12100  }
0xec: {  	[hbm4b:s3+s2] =	stream.indirect_vreg.scatter [tilespmem:s28], [sflag:$0x1], $0x80, v3, vm0, $0xb8;
	[tilespmem:$0x14100] =	vst v63  }
0xed: {  	s8 =	simm.s32 $0x12900  }
0xee: {  	[hbm4b:s4+s2] =	stream.indirect_vreg.scatter [tilespmem:s8], [sflag:$0x1], $0x80, v3, vm0, $0xb8;
	[tilespmem:$0x14100] =	vst v63  }
0xef: {  	p0 =	sne.s32 s7, $0x1;
	s28 =	simm.s32 $0x13100  }
0xf0: {  	[hbm4b:s5+s2] =	stream.indirect_vreg.scatter [tilespmem:s28], [sflag:$0x1], $0x80, v3, vm0, $0xb8;
	[tilespmem:$0x14100] =	vst v63  }
.Ltmp0:
0xf1: {  	_ = 	snop;
	(pc) =	sbr.rel @p0 .LBB2_1-.Ltmp0, $4  }
0xf2: {  	[hbm4b:s6+s2] =	stream.indirect_vreg.scatter [tilespmem:s0], [sflag:$0x1], $0x80, v3, vm0, $0xb8;
	[tilespmem:$0x14100] =	vst v63  }
0xf3: {  	_ =	swait.ge [sflag:s26], $0x14000  }
0xf4: {  	[sflag:s26] =	ssyncset.done $0x0  }
0xf5: {  	s7 =	sadd.s32 $0xFFFFFFFF, s7;
	[sflag:s26] =	ssyncadd.s32 $0xFFFEC000  }
0xf6: {  	_ =	sfence.sel $0x180000  }
0xf7: {  	[bflag:$0x0] =	sbarrier.arrive $0xFFFF  }
0xf8: {  	_ =	strace $0x9000004D  }
0xf9: {  	s0 =	stileid.u32;
	[bflag:$0x2] =	sbarrier.arrive $0xFFFF  }
0xfa: {  	p0 =	sne.s32 s0, $0x0;
	s0 =	rddreg [dreg:$0x2]  }
0xfb: {  	s0 =	sadd.s32 @!p0 $0x100000, s0  }
0xfc: {  	[sflag:s0] =	ssyncadd.tile.s32 @!p0 $0x1;
	_ =	shalt  }
.Lfunc_end2:
_tile_overlayer_lowered:
.L_overlay_start_2:
0xfd: {  	(tag) =	ssettag $0x2  }
0xfe: {  	s0 =	rddreg [dreg:$0x0];
	s2 =	stileid.u32  }
0xff: {  	s1 =	rddreg [dreg:$0x1];
	p0 =	sne.s32 s2, $0x0  }
0x100: {  	s3 =	rddreg [dreg:$0x2];
	[bflag:$0x3] =	sbarrier.arrive $0xFFFF;
	s2 =	simm.s32 @!p0 $0x1C02  }
0x101: {  	[timem:s3], [sflag:s2] =	dma.local @!p0 [hbm:s0], s1  }
0x102: {  	s0 =	simm.s32 @!p0 $0x2  }
0x103: {  	_ =	swait.ge @!p0 [sflag:s0], s1  }
0x104: {  	s1 =	ssub.s32 @!p0 $0x0, s1;
	[sflag:s0] =	ssyncset.done @!p0 $0x0  }
0x105: {  	[sflag:s0] =	ssyncadd.s32 @!p0 s1  }
0x106: {  	[bflag:$0x3] =	sbarrier.arrive $0xFFFF  }
0x107: {  	_ =	shalt  }

// kernel: kernel.32.cloned.1.call-start
scs
__scs_entry_jumppad:
0x0: {  	(pc) =	sbr.rel $0x88, $3  }
0x1: {  	(tag) =	ssettag $0x0;
	lr =	simm.s32 $0x1  }
0x2: {  	[smem:$0x3F77] =	sst lr;
	_ =	strace $0xD0000000  }
0x3: {  	_ = 	snop  }
0x4: {  	_ = 	snop  }
0x5: {  	_ = 	snop  }
0x6: {  	_ = 	snop  }
0x7: {  	_ = 	snop  }
__scs_overlays_trampoline_lowered:
0x8: {  	[smem:$0x3F86] =	sst s0  }
0x9: {  	[smem:$0x3F87] =	sst s1  }
0xa: {  	[smem:$0x3F88] =	sst s2  }
0xb: {  	[smem:$0x3F89] =	sst s3  }
0xc: {  	[smem:$0x3F8A] =	sst s4  }
0xd: {  	[smem:$0x3F8B] =	sst s5  }
0xe: {  	[smem:$0x3F8C] =	sst s6  }
0xf: {  	[smem:$0x3F8D] =	sst s7  }
0x10: {  	[smem:$0x3F8E] =	sst s8  }
0x11: {  	[smem:$0x3F8F] =	sst s9;
	s0 =	simm.s32 @!p0 $0x0  }
0x12: {  	s1 =	sld [smem:$0x3F75];
	s0 =	simm.s32 @p0 $0x1  }
0x13: {  	[smem:$0x3F90] =	sst s0;
	s0 =	simm.s32 @!p1 $0x0  }
0x14: {  	s2 =	sld [smem:$0x3F74];
	s0 =	simm.s32 @p1 $0x1  }
0x15: {  	[smem:$0x3F91] =	sst s0;
	s0 =	simm.s32 @!p2 $0x0  }
0x16: {  	s3 =	sld [smem:$0x3FDB];
	s0 =	simm.s32 @p2 $0x1  }
0x17: {  	s4 =	simm.s32 $0x1BF5;
	[smem:$0x3F93] =	sst s0  }
0x18: {  	s0 =	sld [smem:$0x3F76];
	_ =	swait.ge [sflag:s4], $0x0  }
0x19: {  	s7 =	sld [smem:$0x3F77]  }
0x1a: {  	s8 =	sadd.s32 $0xFFFFE003, lr  }
0x1b: {  	s9 =	sadd.s32 $0xFFFFFEF7, lr;
	s5 =	simm.s32 $0xFFFFFFFF;
	p2 =	slt.u32 s8, $0xFFFFF086  }
0x1c: {  	p1 =	slt.u32 s9, $0xF7A;
	s5 =	simm.s32 @!p2 $0x0  }
0x1d: {  	s5 =	simm.s32 @p1 $0x1;
	p0 =	seq.s32 s7, s2  }
0x1e: {  	s7 =	smul.u32 @!p0 $0xF7A, s2;
	p2 =	seq.s32 @!p0 s5, $0x0  }
0x1f: {  	s9 =	smul.u32 $0xF7A, s1;
	s8 =	simm.s32 @!p0 $0x1BF5;
	p2 =	por !p2, p0  }
0x20: {  	[sflag:s8] =	ssyncset.s32 @!p0 $0xFFFFF086;
	s6 =	sadd.s32 @!p0 s3, s7;
	s7 =	simm.s32 @!p0 $0x108  }
0x21: {  	s3 =	sadd.s32 s3, s9;
	s6 =	sadd.s32 @!p0 $0x88, s6;
	s7 =	simm.s32 @p2 $0x1082  }
0x22: {  	[simem:s7], [sflag:s8] =	dma.local @!p0 [hbm:s6], $0xF7A  }
0x23: {  	s9 =	sor.u32 $0xD0000000, s2;
	s6 =	simm.s32 $0x108;
	_ =	swait.ge @!p0 [sflag:s8], $0x0  }
0x24: {  	s3 =	sadd.s32 $0x88, s3;
	s6 =	simm.s32 @!p1 $0x1082;
	[sflag:s4] =	ssyncset.s32 $0xFFFFF086  }
0x25: {  	[simem:s6], [sflag:s4] =	dma.local [hbm:s3], $0xF7A  }
0x26: {  	[smem:$0x3F77] =	sst s1;
	(tag) =	ssettag s2;
	_ =	strace s9  }
0x27: {  	s1 =	sld [smem:$0x3F87]  }
0x28: {  	s2 =	sld [smem:$0x3F88]  }
0x29: {  	s4 =	sld [smem:$0x3F8A]  }
0x2a: {  	p0 =	seq.s32 s5, $0x0;
	s5 =	sld [smem:$0x3F8B]  }
0x2b: {  	s6 =	sld [smem:$0x3F8C]  }
0x2c: {  	s7 =	sld [smem:$0x3F8D]  }
0x2d: {  	s3 =	simm.s32 $0x108;
	s8 =	sld [smem:$0x3F8E]  }
0x2e: {  	s3 =	simm.s32 @!p0 $0x1082;
	s9 =	sld [smem:$0x3F8F]  }
0x2f: {  	lr =	sadd.s32 s0, s3;
	s0 =	sld [smem:$0x3F86]  }
0x30: {  	s3 =	sld [smem:$0x3F89]  }
0x31: {  	[smem:$0x3F92] =	sst s10  }
0x32: {  	s10 =	sld [smem:$0x3F90];
	_ =	sdelay $0x3  }
0x33: {  	p0 =	seq.s32 s10, $0x1;
	s10 =	sld [smem:$0x3F92];
	_ =	sdelay $0x3  }
0x34: {  	[smem:$0x3F92] =	sst s10  }
0x35: {  	s10 =	sld [smem:$0x3F91];
	_ =	sdelay $0x3  }
0x36: {  	p1 =	seq.s32 s10, $0x1;
	s10 =	sld [smem:$0x3F92];
	_ =	sdelay $0x3  }
0x37: {  	[smem:$0x3F92] =	sst s10  }
0x38: {  	s10 =	sld [smem:$0x3F93]  }
0x39: {  	_ = 	snop;
	(pc) =	sbr.ind lr, $3  }
0x3a: {  	_ = 	snop  }
0x3b: {  	_ = 	snop  }
0x3c: {  	p2 =	seq.s32 s10, $0x1;
	s10 =	sld [smem:$0x3F92]  }
0x3d: {  	_ =	shalt  }
0x3e: {  	_ =	shalt  }
0x3f: {  	_ =	shalt  }
0x40: {  	_ =	shalt  }
0x41: {  	_ =	shalt  }
0x42: {  	_ =	shalt  }
0x43: {  	_ =	shalt  }
0x44: {  	_ =	shalt  }
0x45: {  	_ =	shalt  }
0x46: {  	_ =	shalt  }
0x47: {  	_ =	shalt  }
0x48: {  	_ =	shalt  }
0x49: {  	_ =	shalt  }
0x4a: {  	_ =	shalt  }
0x4b: {  	_ =	shalt  }
0x4c: {  	_ =	shalt  }
0x4d: {  	_ =	shalt  }
0x4e: {  	_ =	shalt  }
0x4f: {  	_ =	shalt  }
0x50: {  	_ =	shalt  }
0x51: {  	_ =	shalt  }
0x52: {  	_ =	shalt  }
0x53: {  	_ =	shalt  }
0x54: {  	_ =	shalt  }
0x55: {  	_ =	shalt  }
0x56: {  	_ =	shalt  }
0x57: {  	_ =	shalt  }
0x58: {  	_ =	shalt  }
0x59: {  	_ =	shalt  }
0x5a: {  	_ =	shalt  }
0x5b: {  	_ =	shalt  }
0x5c: {  	_ =	shalt  }
0x5d: {  	_ =	shalt  }
0x5e: {  	_ =	shalt  }
0x5f: {  	_ =	shalt  }
0x60: {  	_ =	shalt  }
0x61: {  	_ =	shalt  }
0x62: {  	_ =	shalt  }
0x63: {  	_ =	shalt  }
0x64: {  	_ =	shalt  }
0x65: {  	_ =	shalt  }
0x66: {  	_ =	shalt  }
0x67: {  	_ =	shalt  }
0x68: {  	_ =	shalt  }
0x69: {  	_ =	shalt  }
0x6a: {  	_ =	shalt  }
0x6b: {  	_ =	shalt  }
0x6c: {  	_ =	shalt  }
0x6d: {  	_ =	shalt  }
0x6e: {  	_ =	shalt  }
0x6f: {  	_ =	shalt  }
0x70: {  	_ =	shalt  }
0x71: {  	_ =	shalt  }
0x72: {  	_ =	shalt  }
0x73: {  	_ =	shalt  }
0x74: {  	_ =	shalt  }
0x75: {  	_ =	shalt  }
0x76: {  	_ =	shalt  }
0x77: {  	_ =	shalt  }
0x78: {  	_ =	shalt  }
0x79: {  	_ =	shalt  }
0x7a: {  	_ =	shalt  }
0x7b: {  	_ =	shalt  }
0x7c: {  	_ =	shalt  }
0x7d: {  	_ =	shalt  }
0x7e: {  	_ =	shalt  }
0x7f: {  	_ =	shalt  }
0x80: {  	_ =	shalt  }
0x81: {  	_ =	shalt  }
0x82: {  	_ =	shalt  }
0x83: {  	_ =	shalt  }
0x84: {  	_ =	shalt  }
0x85: {  	_ =	shalt  }
0x86: {  	_ =	shalt  }
0x87: {  	_ =	shalt  }
.Lfunc_end0:
.L_simem_size_0:
called_computation.3_lowered:
.L_overlay_start_0:
0x88: {  	s2 =	sld [smem:$0x3FD9]  }
0x89: {  	s3 =	sld [smem:$0x3FFE];
	_ =	sdelay $0x1  }
0x8a: {  	s1 =	srdreg.scid  }
0x8b: {  	s0 =	sand.u32 $0x1, s1  }
0x8c: {  	s14 =	sshll.u32 s0, $0xA;
	s2 =	sadd.s32 s3, s2  }
0x8d: {  	s2 =	sadd.s32 s2, s14  }
0x8e: {  	[smem:$0x3F9E] =	sst s2  }
0x8f: {  	_ = 	snop  }
0x90: {  	s2 =	sld [smem:$0x3FD0];
	_ =	sdelay $0x2  }
0x91: {  	s15 =	simm.s32 $0xA;
	s4 =	simm.s32 $0x10  }
0x92: {  	[smem:s4], [sflag:s15] =	dma.local [hbm:s2], $0x1  }
0x93: {  	_ =	swait.eq [sflag:s15], $0x1  }
0x94: {  	[sflag:s15] =	ssyncset.done $0x0  }
0x95: {  	[sflag:s15] =	ssyncadd.s32 $0xFFFFFFFF  }
0x96: {  	s16 =	sld [smem:$0x10];
	(tm) =	ssettm $0x1  }
0x97: {  	s17 =	sld [smem:$0x3FFB];
	_ =	sdelay $0x3  }
0x98: {  	_ =	strace s17  }
0x99: {  	s3 =	sld [smem:$0x3FFC];
	_ =	sdelay $0x3  }
0x9a: {  	_ =	strace s3  }
0x9b: {  	s3 =	sld [smem:$0x3FFD];
	_ =	sdelay $0x3  }
0x9c: {  	_ =	strace s3  }
0x9d: {  	_ =	strace $0x8FFFFFFF  }
0x9e: {  	s18 =	sld [smem:$0x3FDB];
	_ =	sdelay $0x1  }
0x9f: {  	s19 =	simm.s32 $_scs_section_size  }
0xa0: {  	s5 =	simm.s32 $_size__tile_overlayer_lowered;
	s6 =	simm.s32 $_tile_overlayer_lowered  }
0xa1: {  	s22 =	simm.s32 $0x1BFF;
	s21 =	sshll.u32 s6, $0x1;
	s3 =	sadd.s32 s19, s18  }
0xa2: {  	s7 =	simm.s32 $0x0;
	s20 =	sshll.u32 s5, $0x1;
	s5 =	sadd.s32 s21, s3  }
0xa3: {  	[timem:s7], [sflag:s22] =	dma.local [hbm:s5], s20  }
0xa4: {  	_ =	swait.ge [sflag:s22], s20  }
0xa5: {  	s4 =	ssub.s32 $0x0, s20;
	[sflag:s22] =	ssyncset.done $0x0  }
0xa6: {  	[sflag:s22] =	ssyncadd.s32 s4;
	_ =	sdelay $0x1  }
0xa7: {  	s23 =	simm.s32 $0x1B8B  }
0xa8: {  	_ =	swait.ge [sflag:s23], $0x1  }
0xa9: {  	[sflag:s23] =	ssyncset.done $0x0  }
0xaa: {  	s25 =	simm.s32 $0x1B8E;
	s24 =	sld [smem:$0x3FFE];
	[sflag:s23] =	ssyncadd.s32 $0xFFFFFFFF  }
0xab: {  	s26 =	simm.s32 $execute0_lowered;
	[smem:$0x3FD2] =	sst s25  }
0xac: {  	s5 =	sshll.u32 s26, $0x1;
	_ =	strace $0x8000004F;
	[dreg:$0x1] =	wrdreg $0xFFFFFFFF  }
0xad: {  	s28 =	simm.s32 $_size_execute0_lowered;
	s3 =	sadd.s32 s3, s5;
	[dreg:$0x0] =	wrdreg $0x0  }
0xae: {  	s5 =	sshll.u32 s28, $0x1;
	[dreg:$0x2] =	wrdreg s3  }
0xaf: {  	[dreg:$0x3] =	wrdreg s5  }
0xb0: {  	[dreg:$0x4] =	wrdreg $0xC0  }
0xb1: {  	_ =	task [dreg:s7], $0x5FFFF  }
0xb2: {  	[dreg:$0x1] =	wrdreg $0xFFFFFFFF  }
0xb3: {  	[dreg:$0x0] =	wrdreg $0x60  }
0xb4: {  	[dreg:$0x2] =	wrdreg s24  }
0xb5: {  	[dreg:$0x3] =	wrdreg s16  }
0xb6: {  	[dreg:$0x4] =	wrdreg $0x9  }
0xb7: {  	_ =	task.clear_ibuf [dreg:s7], $0x5FFFF;
	_ =	strace $0x9000004F  }
0xb8: {  	s29 =	simm.s32 $0x9;
	_ =	strace $0x80000051  }
0xb9: {  	_ =	swait.ge [sflag:s29], $0x1  }
0xba: {  	[sflag:s29] =	ssyncadd.s32 $0xFFFFFFFF  }
0xbb: {  	_ =	strace $0x90000051  }
0xbc: {  	_ =	sfence  }
0xbd: {  	s30 =	sld [smem:$0x0];
	_ =	sdelay $0x2  }
0xbe: {  	s31 =	sshll.u32 s1, $0xD;
	s1 =	sshrl.u32 s1, $0x2  }
0xbf: {  	s3 =	sand.u32 $0x4000, s31;
	s1 =	sadd.s32 s1, s30  }
0xc0: {  	s0 =	sor.u32 s3, s0;
	s1 =	sshll.u32 s1, $0x11  }
0xc1: {  	s0 =	sor.u32 s1, s0  }
0xc2: {  	s0 =	sadd.s32 $0x8F2B, s0  }
0xc3: {  	[sflag:s0] =	ssyncadd.remote.s32 $0x1  }
0xc4: {  	_ =	sfence.sel $0xFFFF  }
0xc5: {  	[dreg:$0x0] =	wrdreg $0xFFFFFFFF;
	(pc) =	sbr.abs _section_cstart, $3  }
0xc6: {  	[dreg:$0x1] =	wrdreg $0xFFFFFFFF  }
0xc7: {  	_ =	task.clear_ibuf [dreg:s7], $0x2FFFF;
	_ =	strace $0x9FFFFFFF  }
0xc8: {  	(tm) =	ssettm $0x7FFFFFFF  }
0xc9: {  	_ =	shalt  }
tec
execute0_lowered:
.L_overlay_start_1:
0x0: {  	(tag) =	ssettag $0x1  }
0x1: {  	s0 =	rddreg [dreg:$0x0]  }
0x2: {  	s1 =	rddreg [dreg:$0x1];
	s2 =	simm.s32 $0x0;
	s3 =	srdreg.scid  }
0x3: {  	s4 =	stileid.u32;
	s9 =	simm.s32 $0x2;
	s28 =	simm.s32 $0x1  }
0x4: {  	s30 =	simm.s32 $0x900;
	s31 =	simm.s32 $0x1100;
	s11 =	simm.s32 $0x2900  }
0x5: {  	s12 =	simm.s32 $0x3100;
	s13 =	simm.s32 $0x3900;
	s14 =	simm.s32 $0x4100  }
0x6: {  	s15 =	simm.s32 $0x5100;
	s16 =	simm.s32 $0x5900;
	s17 =	simm.s32 $0x6100  }
0x7: {  	s18 =	simm.s32 $0x6900;
	s19 =	simm.s32 $0x7100;
	s20 =	simm.s32 $0x7900  }
0x8: {  	s21 =	simm.s32 $0x8100;
	s22 =	simm.s32 $0x8900;
	s23 =	simm.s32 $0x9100  }
0x9: {  	s24 =	simm.s32 $0x9900;
	s25 =	simm.s32 $0xA100;
	s26 =	simm.s32 $0xA900  }
0xa: {  	[smem:$0x7FF] =	sst s2;
	s3 =	sand.u32 $0x1, s3;
	s4 =	sshll.u32 s4, $0x1  }
0xb: {  	s10 =	simm.s32 $0xB100;
	_ =	strace $0x80000050;
	s4 =	sor.u32 s3, s4  }
0xc: {  	s5 =	ssub.s32 $0x2, s3;
	s3 =	sadd.s32 $0x9D600, s0;
	s6 =	sshll.u32 s4, $0x5  }
0xd: {  	s4 =	smul.u32 $0x2800, s4;
	s7 =	sshrl.u32 s5, $0x1;
	s1 =	sadd.s32 s1, s6  }
0xe: {  	s8 =	ssub.s32 s5, s7;
	s5 =	sadd.s32 $0x9D700, s0;
	s6 =	sadd.s32 $0x9D800, s0  }
0xf: {  	v2 =	vlaneseq.u32;
	s7 =	sadd.s32 $0x9D900, s0;
	[dreg:$0x3] =	wrdreg s1;
	s29 =	sadd.s32 s0, s4  }
0x10: {  	vm0 =	vmmov $0xffff;
	v1 =	vshrl.u32 v2, $0x3;
	s8 =	smax.u32 s8, $0x1;
	[dreg:$0x5] =	wrdreg s29;
	s1 =	sadd.s32 $0x17D600, s29  }
0x11: {  	v0 =	vand.u32 $0x7, v2;
	v2 =	vor.u32 $0x8, v2;
	v1 =	vmul.u32 $0x8, v1;
	s4 =	simm.s32 $0x4900;
	[dreg:$0x4] =	wrdreg s1;
	s1 =	simm.s32 $0x2100  }
.LBB2_1:
0x12: {  	s29 =	rddreg [dreg:$0x3]  }
0x13: {  	[tilespmem:s2], [sflag:$0x2] =	stream.linear.gather [hbm4b:s29+s2], $0x100, $0x38;
	[tilespmem:$0x14100] =	vst v63  }
0x14: {  	_ =	swait.ge [sflag:s9], $0x100  }
0x15: {  	[sflag:s9] =	ssyncset.done $0x0  }
0x16: {  	[sflag:s9] =	ssyncadd.s32 $0xFFFFFF00  }
0x17: {  	v3 =	vld [tilespmem:$0x0];
	_ =	sdelay $0x4  }
0x18: {  	v4 =	vshll.u32 v3, $0x3  }
0x19: {  	v3 =	vand.u32 $0x7, v3;
	v4 =	vand.u32 $0xFFFFFFC0, v4  }
0x1a: {  	v3 =	vor.u32 v3, v4  }
0x1b: {  	v4 =	vperm.xlane v3, v0;
	_ =	sdelay $0x1  }
0x1c: {  	v4 =	vadd.s32 v1, v4;
	_ =	sdelay $0x3  }
0x1d: {  	s0 =	simm.s32 $0x100  }
0x1e: {  	[tilespmem:s0], [sflag:$0x1] =	stream.indirect_vreg.gather [hbm4b:s3+s2], $0x80, v4, vm0, $0xb8;
	[tilespmem:$0x14100] =	vst v63  }
0x1f: {  	v3 =	vperm.xlane v3, v2  }
0x20: {  	[tilespmem:s30], [sflag:$0x1] =	stream.indirect_vreg.gather [hbm4b:s5+s2], $0x80, v4, vm0, $0xb8;
	[tilespmem:$0x14100] =	vst v63  }
0x21: {  	v3 =	vadd.s32 v1, v3  }
0x22: {  	[tilespmem:s31], [sflag:$0x1] =	stream.indirect_vreg.gather [hbm4b:s6+s2], $0x80, v4, vm0, $0xb8;
	[tilespmem:$0x14100] =	vst v63  }
0x23: {  	s29 =	simm.s32 $0x1900  }
0x24: {  	[tilespmem:s29], [sflag:$0x1] =	stream.indirect_vreg.gather [hbm4b:s7+s2], $0x80, v4, vm0, $0xb8;
	[tilespmem:$0x14100] =	vst v63  }
0x25: {  	_ = 	snop  }
0x26: {  	[tilespmem:s1], [sflag:$0x1] =	stream.indirect_vreg.gather [hbm4b:s3+s2], $0x80, v3, vm0, $0xb8;
	[tilespmem:$0x14100] =	vst v63  }
0x27: {  	_ = 	snop  }
0x28: {  	[tilespmem:s11], [sflag:$0x1] =	stream.indirect_vreg.gather [hbm4b:s5+s2], $0x80, v3, vm0, $0xb8;
	[tilespmem:$0x14100] =	vst v63  }
0x29: {  	_ = 	snop  }
0x2a: {  	[tilespmem:s12], [sflag:$0x1] =	stream.indirect_vreg.gather [hbm4b:s6+s2], $0x80, v3, vm0, $0xb8;
	[tilespmem:$0x14100] =	vst v63  }
0x2b: {  	_ = 	snop  }
0x2c: {  	[tilespmem:s13], [sflag:$0x1] =	stream.indirect_vreg.gather [hbm4b:s7+s2], $0x80, v3, vm0, $0xb8;
	[tilespmem:$0x14100] =	vst v63  }
0x2d: {  	v3 =	vld [tilespmem:$0x10];
	_ =	sdelay $0x4  }
0x2e: {  	v55 =	vshll.u32 v3, $0x3  }
0x2f: {  	v3 =	vand.u32 $0x7, v3;
	v4 =	vand.u32 $0xFFFFFFC0, v55  }
0x30: {  	v3 =	vor.u32 v3, v4  }
0x31: {  	v4 =	vperm.xlane v3, v0;
	_ =	sdelay $0x1  }
0x32: {  	v4 =	vadd.s32 v1, v4;
	_ =	sdelay $0x4  }
0x33: {  	[tilespmem:s14], [sflag:$0x1] =	stream.indirect_vreg.gather [hbm4b:s3+s2], $0x80, v4, vm0, $0xb8;
	[tilespmem:$0x14100] =	vst v63  }
0x34: {  	v3 =	vperm.xlane v3, v2  }
0x35: {  	[tilespmem:s4], [sflag:$0x1] =	stream.indirect_vreg.gather [hbm4b:s5+s2], $0x80, v4, vm0, $0xb8;
	[tilespmem:$0x14100] =	vst v63  }
0x36: {  	v3 =	vadd.s32 v1, v3  }
0x37: {  	[tilespmem:s15], [sflag:$0x1] =	stream.indirect_vreg.gather [hbm4b:s6+s2], $0x80, v4, vm0, $0xb8;
	[tilespmem:$0x14100] =	vst v63  }
0x38: {  	_ = 	snop  }
0x39: {  	[tilespmem:s16], [sflag:$0x1] =	stream.indirect_vreg.gather [hbm4b:s7+s2], $0x80, v4, vm0, $0xb8;
	[tilespmem:$0x14100] =	vst v63  }
0x3a: {  	_ = 	snop  }
0x3b: {  	[tilespmem:s17], [sflag:$0x1] =	stream.indirect_vreg.gather [hbm4b:s3+s2], $0x80, v3, vm0, $0xb8;
	[tilespmem:$0x14100] =	vst v63  }
0x3c: {  	_ = 	snop  }
0x3d: {  	[tilespmem:s18], [sflag:$0x1] =	stream.indirect_vreg.gather [hbm4b:s5+s2], $0x80, v3, vm0, $0xb8;
	[tilespmem:$0x14100] =	vst v63  }
0x3e: {  	_ = 	snop  }
0x3f: {  	[tilespmem:s19], [sflag:$0x1] =	stream.indirect_vreg.gather [hbm4b:s6+s2], $0x80, v3, vm0, $0xb8;
	[tilespmem:$0x14100] =	vst v63  }
0x40: {  	_ = 	snop  }
0x41: {  	[tilespmem:s20], [sflag:$0x1] =	stream.indirect_vreg.gather [hbm4b:s7+s2], $0x80, v3, vm0, $0xb8;
	[tilespmem:$0x14100] =	vst v63  }
0x42: {  	v3 =	vld [tilespmem:$0x20];
	_ =	sdelay $0x4  }
0x43: {  	v56 =	vshll.u32 v3, $0x3  }
0x44: {  	v3 =	vand.u32 $0x7, v3;
	v4 =	vand.u32 $0xFFFFFFC0, v56  }
0x45: {  	v3 =	vor.u32 v3, v4  }
0x46: {  	v4 =	vperm.xlane v3, v0;
	_ =	sdelay $0x1  }
0x47: {  	v4 =	vadd.s32 v1, v4;
	_ =	sdelay $0x4  }
0x48: {  	[tilespmem:s21], [sflag:$0x1] =	stream.indirect_vreg.gather [hbm4b:s3+s2], $0x80, v4, vm0, $0xb8;
	[tilespmem:$0x14100] =	vst v63  }
0x49: {  	v3 =	vperm.xlane v3, v2  }
0x4a: {  	[tilespmem:s22], [sflag:$0x1] =	stream.indirect_vreg.gather [hbm4b:s5+s2], $0x80, v4, vm0, $0xb8;
	[tilespmem:$0x14100] =	vst v63  }
0x4b: {  	v3 =	vadd.s32 v1, v3  }
0x4c: {  	[tilespmem:s23], [sflag:$0x1] =	stream.indirect_vreg.gather [hbm4b:s6+s2], $0x80, v4, vm0, $0xb8;
	[tilespmem:$0x14100] =	vst v63  }
0x4d: {  	_ = 	snop  }
0x4e: {  	[tilespmem:s24], [sflag:$0x1] =	stream.indirect_vreg.gather [hbm4b:s7+s2], $0x80, v4, vm0, $0xb8;
	[tilespmem:$0x14100] =	vst v63  }
0x4f: {  	_ = 	snop  }
0x50: {  	[tilespmem:s25], [sflag:$0x1] =	stream.indirect_vreg.gather [hbm4b:s3+s2], $0x80, v3, vm0, $0xb8;
	[tilespmem:$0x14100] =	vst v63  }
0x51: {  	_ = 	snop  }
0x52: {  	[tilespmem:s26], [sflag:$0x1] =	stream.indirect_vreg.gather [hbm4b:s5+s2], $0x80, v3, vm0, $0xb8;
	[tilespmem:$0x14100] =	vst v63  }
0x53: {  	_ = 	snop  }
0x54: {  	[tilespmem:s10], [sflag:$0x1] =	stream.indirect_vreg.gather [hbm4b:s6+s2], $0x80, v3, vm0, $0xb8;
	[tilespmem:$0x14100] =	vst v63  }
0x55: {  	s29 =	simm.s32 $0xB900  }
0x56: {  	[tilespmem:s29], [sflag:$0x1] =	stream.indirect_vreg.gather [hbm4b:s7+s2], $0x80, v3, vm0, $0xb8;
	[tilespmem:$0x14100] =	vst v63  }
0x57: {  	v3 =	vld [tilespmem:$0x30];
	_ =	sdelay $0x4  }
0x58: {  	v57 =	vshll.u32 v3, $0x3  }
0x59: {  	v3 =	vand.u32 $0x7, v3;
	v4 =	vand.u32 $0xFFFFFFC0, v57  }
0x5a: {  	v3 =	vor.u32 v3, v4  }
0x5b: {  	v4 =	vperm.xlane v3, v0;
	_ =	sdelay $0x1  }
0x5c: {  	v4 =	vadd.s32 v1, v4;
	_ =	sdelay $0x3  }
0x5d: {  	s29 =	simm.s32 $0xC100  }
0x5e: {  	[tilespmem:s29], [sflag:$0x1] =	stream.indirect_vreg.gather [hbm4b:s3+s2], $0x80, v4, vm0, $0xb8;
	[tilespmem:$0x14100] =	vst v63  }
0x5f: {  	v3 =	vperm.xlane v3, v2;
	s29 =	simm.s32 $0xC900  }
0x60: {  	[tilespmem:s29], [sflag:$0x1] =	stream.indirect_vreg.gather [hbm4b:s5+s2], $0x80, v4, vm0, $0xb8;
	[tilespmem:$0x14100] =	vst v63  }
0x61: {  	v3 =	vadd.s32 v1, v3;
	s29 =	simm.s32 $0xD100  }
0x62: {  	[tilespmem:s29], [sflag:$0x1] =	stream.indirect_vreg.gather [hbm4b:s6+s2], $0x80, v4, vm0, $0xb8;
	[tilespmem:$0x14100] =	vst v63  }
0x63: {  	s29 =	simm.s32 $0xD900  }
0x64: {  	[tilespmem:s29], [sflag:$0x1] =	stream.indirect_vreg.gather [hbm4b:s7+s2], $0x80, v4, vm0, $0xb8;
	[tilespmem:$0x14100] =	vst v63  }
0x65: {  	s29 =	simm.s32 $0xE100  }
0x66: {  	[tilespmem:s29], [sflag:$0x1] =	stream.indirect_vreg.gather [hbm4b:s3+s2], $0x80, v3, vm0, $0xb8;
	[tilespmem:$0x14100] =	vst v63  }
0x67: {  	s29 =	simm.s32 $0xE900  }
0x68: {  	[tilespmem:s29], [sflag:$0x1] =	stream.indirect_vreg.gather [hbm4b:s5+s2], $0x80, v3, vm0, $0xb8;
	[tilespmem:$0x14100] =	vst v63  }
0x69: {  	s29 =	simm.s32 $0xF100  }
0x6a: {  	[tilespmem:s29], [sflag:$0x1] =	stream.indirect_vreg.gather [hbm4b:s6+s2], $0x80, v3, vm0, $0xb8;
	[tilespmem:$0x14100] =	vst v63  }
0x6b: {  	s29 =	simm.s32 $0xF900  }
0x6c: {  	[tilespmem:s29], [sflag:$0x1] =	stream.indirect_vreg.gather [hbm4b:s7+s2], $0x80, v3, vm0, $0xb8;
	[tilespmem:$0x14100] =	vst v63  }
0x6d: {  	v3 =	vld [tilespmem:$0x40];
	_ =	sdelay $0x4  }
0x6e: {  	v58 =	vshll.u32 v3, $0x3  }
0x6f: {  	v3 =	vand.u32 $0x7, v3;
	v4 =	vand.u32 $0xFFFFFFC0, v58  }
0x70: {  	v3 =	vor.u32 v3, v4  }
0x71: {  	v4 =	vperm.xlane v3, v0;
	_ =	sdelay $0x1  }
0x72: {  	v4 =	vadd.s32 v1, v4;
	_ =	sdelay $0x3  }
0x73: {  	s29 =	simm.s32 $0x10100  }
0x74: {  	[tilespmem:s29], [sflag:$0x1] =	stream.indirect_vreg.gather [hbm4b:s3+s2], $0x80, v4, vm0, $0xb8;
	[tilespmem:$0x14100] =	vst v63  }
0x75: {  	v3 =	vperm.xlane v3, v2;
	s29 =	simm.s32 $0x10900  }
0x76: {  	[tilespmem:s29], [sflag:$0x1] =	stream.indirect_vreg.gather [hbm4b:s5+s2], $0x80, v4, vm0, $0xb8;
	[tilespmem:$0x14100] =	vst v63  }
0x77: {  	v3 =	vadd.s32 v1, v3;
	s29 =	simm.s32 $0x11100  }
0x78: {  	[tilespmem:s29], [sflag:$0x1] =	stream.indirect_vreg.gather [hbm4b:s6+s2], $0x80, v4, vm0, $0xb8;
	[tilespmem:$0x14100] =	vst v63  }
0x79: {  	s29 =	simm.s32 $0x11900  }
0x7a: {  	[tilespmem:s29], [sflag:$0x1] =	stream.indirect_vreg.gather [hbm4b:s7+s2], $0x80, v4, vm0, $0xb8;
	[tilespmem:$0x14100] =	vst v63  }
0x7b: {  	s29 =	simm.s32 $0x12100  }
0x7c: {  	[tilespmem:s29], [sflag:$0x1] =	stream.indirect_vreg.gather [hbm4b:s3+s2], $0x80, v3, vm0, $0xb8;
	[tilespmem:$0x14100] =	vst v63  }
0x7d: {  	s29 =	simm.s32 $0x12900  }
0x7e: {  	[tilespmem:s29], [sflag:$0x1] =	stream.indirect_vreg.gather [hbm4b:s5+s2], $0x80, v3, vm0, $0xb8;
	[tilespmem:$0x14100] =	vst v63  }
0x7f: {  	s29 =	simm.s32 $0x13100  }
0x80: {  	[tilespmem:s29], [sflag:$0x1] =	stream.indirect_vreg.gather [hbm4b:s6+s2], $0x80, v3, vm0, $0xb8;
	[tilespmem:$0x14100] =	vst v63  }
0x81: {  	s29 =	simm.s32 $0x13900  }
0x82: {  	[tilespmem:s29], [sflag:$0x1] =	stream.indirect_vreg.gather [hbm4b:s7+s2], $0x80, v3, vm0, $0xb8;
	[tilespmem:$0x14100] =	vst v63  }
0x83: {  	_ =	swait.ge [sflag:s28], $0x14000  }
0x84: {  	[sflag:s28] =	ssyncset.done $0x0  }
0x85: {  	s0 =	simm.s32 $0x100;
	s29 =	rddreg [dreg:$0x4];
	[sflag:s28] =	ssyncadd.s32 $0xFFFEC000  }
0x86: {  	[hbm4b:s29+s2] =	stream.linear.scatter [tilespmem:s0], [sflag:$0x2], $0x14000, $0x38;
	[tilespmem:$0x14100] =	vst v63  }
0x87: {  	_ =	swait.ge [sflag:s9], $0x14000  }
0x88: {  	[sflag:s9] =	ssyncset.done $0x0  }
0x89: {  	[sflag:s9] =	ssyncadd.s32 $0xFFFEC000  }
0x8a: {  	v3 =	vld [tilespmem:$0x80];
	_ =	sdelay $0x4  }
0x8b: {  	v59 =	vshll.u32 v3, $0x3  }
0x8c: {  	v3 =	vand.u32 $0x7, v3;
	v4 =	vand.u32 $0xFFFFFFC0, v59  }
0x8d: {  	v3 =	vor.u32 v3, v4  }
0x8e: {  	v4 =	vperm.xlane v3, v0;
	_ =	sdelay $0x1  }
0x8f: {  	v4 =	vadd.s32 v1, v4;
	_ =	sdelay $0x4  }
0x90: {  	[tilespmem:s0], [sflag:$0x1] =	stream.indirect_vreg.gather [hbm4b:s3+s2], $0x80, v4, vm0, $0xb8;
	[tilespmem:$0x14100] =	vst v63  }
0x91: {  	v3 =	vperm.xlane v3, v2  }
0x92: {  	[tilespmem:s30], [sflag:$0x1] =	stream.indirect_vreg.gather [hbm4b:s5+s2], $0x80, v4, vm0, $0xb8;
	[tilespmem:$0x14100] =	vst v63  }
0x93: {  	v3 =	vadd.s32 v1, v3  }
0x94: {  	[tilespmem:s31], [sflag:$0x1] =	stream.indirect_vreg.gather [hbm4b:s6+s2], $0x80, v4, vm0, $0xb8;
	[tilespmem:$0x14100] =	vst v63  }
0x95: {  	s29 =	simm.s32 $0x1900  }
0x96: {  	[tilespmem:s29], [sflag:$0x1] =	stream.indirect_vreg.gather [hbm4b:s7+s2], $0x80, v4, vm0, $0xb8;
	[tilespmem:$0x14100] =	vst v63  }
0x97: {  	_ = 	snop  }
0x98: {  	[tilespmem:s1], [sflag:$0x1] =	stream.indirect_vreg.gather [hbm4b:s3+s2], $0x80, v3, vm0, $0xb8;
	[tilespmem:$0x14100] =	vst v63  }
0x99: {  	_ = 	snop  }
0x9a: {  	[tilespmem:s11], [sflag:$0x1] =	stream.indirect_vreg.gather [hbm4b:s5+s2], $0x80, v3, vm0, $0xb8;
	[tilespmem:$0x14100] =	vst v63  }
0x9b: {  	_ = 	snop  }
0x9c: {  	[tilespmem:s12], [sflag:$0x1] =	stream.indirect_vreg.gather [hbm4b:s6+s2], $0x80, v3, vm0, $0xb8;
	[tilespmem:$0x14100] =	vst v63  }
0x9d: {  	_ = 	snop  }
0x9e: {  	[tilespmem:s13], [sflag:$0x1] =	stream.indirect_vreg.gather [hbm4b:s7+s2], $0x80, v3, vm0, $0xb8;
	[tilespmem:$0x14100] =	vst v63  }
0x9f: {  	v3 =	vld [tilespmem:$0x90];
	_ =	sdelay $0x4  }
0xa0: {  	v60 =	vshll.u32 v3, $0x3  }
0xa1: {  	v3 =	vand.u32 $0x7, v3;
	v4 =	vand.u32 $0xFFFFFFC0, v60  }
0xa2: {  	v3 =	vor.u32 v3, v4  }
0xa3: {  	v4 =	vperm.xlane v3, v0;
	_ =	sdelay $0x1  }
0xa4: {  	v4 =	vadd.s32 v1, v4;
	_ =	sdelay $0x4  }
0xa5: {  	[tilespmem:s14], [sflag:$0x1] =	stream.indirect_vreg.gather [hbm4b:s3+s2], $0x80, v4, vm0, $0xb8;
	[tilespmem:$0x14100] =	vst v63  }
0xa6: {  	v3 =	vperm.xlane v3, v2  }
0xa7: {  	[tilespmem:s4], [sflag:$0x1] =	stream.indirect_vreg.gather [hbm4b:s5+s2], $0x80, v4, vm0, $0xb8;
	[tilespmem:$0x14100] =	vst v63  }
0xa8: {  	v3 =	vadd.s32 v1, v3  }
0xa9: {  	[tilespmem:s15], [sflag:$0x1] =	stream.indirect_vreg.gather [hbm4b:s6+s2], $0x80, v4, vm0, $0xb8;
	[tilespmem:$0x14100] =	vst v63  }
0xaa: {  	_ = 	snop  }
0xab: {  	[tilespmem:s16], [sflag:$0x1] =	stream.indirect_vreg.gather [hbm4b:s7+s2], $0x80, v4, vm0, $0xb8;
	[tilespmem:$0x14100] =	vst v63  }
0xac: {  	_ = 	snop  }
0xad: {  	[tilespmem:s17], [sflag:$0x1] =	stream.indirect_vreg.gather [hbm4b:s3+s2], $0x80, v3, vm0, $0xb8;
	[tilespmem:$0x14100] =	vst v63  }
0xae: {  	_ = 	snop  }
0xaf: {  	[tilespmem:s18], [sflag:$0x1] =	stream.indirect_vreg.gather [hbm4b:s5+s2], $0x80, v3, vm0, $0xb8;
	[tilespmem:$0x14100] =	vst v63  }
0xb0: {  	_ = 	snop  }
0xb1: {  	[tilespmem:s19], [sflag:$0x1] =	stream.indirect_vreg.gather [hbm4b:s6+s2], $0x80, v3, vm0, $0xb8;
	[tilespmem:$0x14100] =	vst v63  }
0xb2: {  	_ = 	snop  }
0xb3: {  	[tilespmem:s20], [sflag:$0x1] =	stream.indirect_vreg.gather [hbm4b:s7+s2], $0x80, v3, vm0, $0xb8;
	[tilespmem:$0x14100] =	vst v63  }
0xb4: {  	v3 =	vld [tilespmem:$0xA0];
	_ =	sdelay $0x4  }
0xb5: {  	v61 =	vshll.u32 v3, $0x3  }
0xb6: {  	v3 =	vand.u32 $0x7, v3;
	v4 =	vand.u32 $0xFFFFFFC0, v61  }
0xb7: {  	v3 =	vor.u32 v3, v4  }
0xb8: {  	v4 =	vperm.xlane v3, v0;
	_ =	sdelay $0x1  }
0xb9: {  	v4 =	vadd.s32 v1, v4;
	_ =	sdelay $0x4  }
0xba: {  	[tilespmem:s21], [sflag:$0x1] =	stream.indirect_vreg.gather [hbm4b:s3+s2], $0x80, v4, vm0, $0xb8;
	[tilespmem:$0x14100] =	vst v63  }
0xbb: {  	v3 =	vperm.xlane v3, v2  }
0xbc: {  	[tilespmem:s22], [sflag:$0x1] =	stream.indirect_vreg.gather [hbm4b:s5+s2], $0x80, v4, vm0, $0xb8;
	[tilespmem:$0x14100] =	vst v63  }
0xbd: {  	v3 =	vadd.s32 v1, v3  }
0xbe: {  	[tilespmem:s23], [sflag:$0x1] =	stream.indirect_vreg.gather [hbm4b:s6+s2], $0x80, v4, vm0, $0xb8;
	[tilespmem:$0x14100] =	vst v63  }
0xbf: {  	_ = 	snop  }
0xc0: {  	[tilespmem:s24], [sflag:$0x1] =	stream.indirect_vreg.gather [hbm4b:s7+s2], $0x80, v4, vm0, $0xb8;
	[tilespmem:$0x14100] =	vst v63  }
0xc1: {  	_ = 	snop  }
0xc2: {  	[tilespmem:s25], [sflag:$0x1] =	stream.indirect_vreg.gather [hbm4b:s3+s2], $0x80, v3, vm0, $0xb8;
	[tilespmem:$0x14100] =	vst v63  }
0xc3: {  	_ = 	snop  }
0xc4: {  	[tilespmem:s26], [sflag:$0x1] =	stream.indirect_vreg.gather [hbm4b:s5+s2], $0x80, v3, vm0, $0xb8;
	[tilespmem:$0x14100] =	vst v63  }
0xc5: {  	_ = 	snop  }
0xc6: {  	[tilespmem:s10], [sflag:$0x1] =	stream.indirect_vreg.gather [hbm4b:s6+s2], $0x80, v3, vm0, $0xb8;
	[tilespmem:$0x14100] =	vst v63  }
0xc7: {  	s29 =	simm.s32 $0xB900  }
0xc8: {  	[tilespmem:s29], [sflag:$0x1] =	stream.indirect_vreg.gather [hbm4b:s7+s2], $0x80, v3, vm0, $0xb8;
	[tilespmem:$0x14100] =	vst v63  }
0xc9: {  	v3 =	vld [tilespmem:$0xB0];
	_ =	sdelay $0x4  }
0xca: {  	v62 =	vshll.u32 v3, $0x3  }
0xcb: {  	v3 =	vand.u32 $0x7, v3;
	v4 =	vand.u32 $0xFFFFFFC0, v62  }
0xcc: {  	v3 =	vor.u32 v3, v4  }
0xcd: {  	v4 =	vperm.xlane v3, v0;
	_ =	sdelay $0x1  }
0xce: {  	v4 =	vadd.s32 v1, v4;
	_ =	sdelay $0x3  }
0xcf: {  	s29 =	simm.s32 $0xC100  }
0xd0: {  	[tilespmem:s29], [sflag:$0x1] =	stream.indirect_vreg.gather [hbm4b:s3+s2], $0x80, v4, vm0, $0xb8;
	[tilespmem:$0x14100] =	vst v63  }
0xd1: {  	v3 =	vperm.xlane v3, v2;
	s29 =	simm.s32 $0xC900  }
0xd2: {  	[tilespmem:s29], [sflag:$0x1] =	stream.indirect_vreg.gather [hbm4b:s5+s2], $0x80, v4, vm0, $0xb8;
	[tilespmem:$0x14100] =	vst v63  }
0xd3: {  	v3 =	vadd.s32 v1, v3;
	s29 =	simm.s32 $0xD100  }
0xd4: {  	[tilespmem:s29], [sflag:$0x1] =	stream.indirect_vreg.gather [hbm4b:s6+s2], $0x80, v4, vm0, $0xb8;
	[tilespmem:$0x14100] =	vst v63  }
0xd5: {  	s29 =	simm.s32 $0xD900  }
0xd6: {  	[tilespmem:s29], [sflag:$0x1] =	stream.indirect_vreg.gather [hbm4b:s7+s2], $0x80, v4, vm0, $0xb8;
	[tilespmem:$0x14100] =	vst v63  }
0xd7: {  	s29 =	simm.s32 $0xE100  }
0xd8: {  	[tilespmem:s29], [sflag:$0x1] =	stream.indirect_vreg.gather [hbm4b:s3+s2], $0x80, v3, vm0, $0xb8;
	[tilespmem:$0x14100] =	vst v63  }
0xd9: {  	s29 =	simm.s32 $0xE900  }
0xda: {  	[tilespmem:s29], [sflag:$0x1] =	stream.indirect_vreg.gather [hbm4b:s5+s2], $0x80, v3, vm0, $0xb8;
	[tilespmem:$0x14100] =	vst v63  }
0xdb: {  	s29 =	simm.s32 $0xF100  }
0xdc: {  	[tilespmem:s29], [sflag:$0x1] =	stream.indirect_vreg.gather [hbm4b:s6+s2], $0x80, v3, vm0, $0xb8;
	[tilespmem:$0x14100] =	vst v63  }
0xdd: {  	s29 =	simm.s32 $0xF900  }
0xde: {  	[tilespmem:s29], [sflag:$0x1] =	stream.indirect_vreg.gather [hbm4b:s7+s2], $0x80, v3, vm0, $0xb8;
	[tilespmem:$0x14100] =	vst v63  }
0xdf: {  	v3 =	vld [tilespmem:$0xC0];
	_ =	sdelay $0x4  }
0xe0: {  	v63 =	vshll.u32 v3, $0x3  }
0xe1: {  	v3 =	vand.u32 $0x7, v3;
	v4 =	vand.u32 $0xFFFFFFC0, v63  }
0xe2: {  	v3 =	vor.u32 v3, v4  }
0xe3: {  	v4 =	vperm.xlane v3, v0;
	_ =	sdelay $0x1  }
0xe4: {  	v4 =	vadd.s32 v1, v4;
	_ =	sdelay $0x3  }
0xe5: {  	s29 =	simm.s32 $0x10100  }
0xe6: {  	[tilespmem:s29], [sflag:$0x1] =	stream.indirect_vreg.gather [hbm4b:s3+s2], $0x80, v4, vm0, $0xb8;
	[tilespmem:$0x14100] =	vst v63  }
0xe7: {  	v3 =	vperm.xlane v3, v2;
	s29 =	simm.s32 $0x10900  }
0xe8: {  	[tilespmem:s29], [sflag:$0x1] =	stream.indirect_vreg.gather [hbm4b:s5+s2], $0x80, v4, vm0, $0xb8;
	[tilespmem:$0x14100] =	vst v63  }
0xe9: {  	v3 =	vadd.s32 v1, v3;
	s29 =	simm.s32 $0x11100  }
0xea: {  	[tilespmem:s29], [sflag:$0x1] =	stream.indirect_vreg.gather [hbm4b:s6+s2], $0x80, v4, vm0, $0xb8;
	[tilespmem:$0x14100] =	vst v63  }
0xeb: {  	s29 =	simm.s32 $0x11900  }
0xec: {  	[tilespmem:s29], [sflag:$0x1] =	stream.indirect_vreg.gather [hbm4b:s7+s2], $0x80, v4, vm0, $0xb8;
	[tilespmem:$0x14100] =	vst v63  }
0xed: {  	s29 =	simm.s32 $0x12100  }
0xee: {  	[tilespmem:s29], [sflag:$0x1] =	stream.indirect_vreg.gather [hbm4b:s3+s2], $0x80, v3, vm0, $0xb8;
	[tilespmem:$0x14100] =	vst v63  }
0xef: {  	s29 =	simm.s32 $0x12900  }
0xf0: {  	[tilespmem:s29], [sflag:$0x1] =	stream.indirect_vreg.gather [hbm4b:s5+s2], $0x80, v3, vm0, $0xb8;
	[tilespmem:$0x14100] =	vst v63  }
0xf1: {  	s29 =	simm.s32 $0x13100  }
0xf2: {  	[tilespmem:s29], [sflag:$0x1] =	stream.indirect_vreg.gather [hbm4b:s6+s2], $0x80, v3, vm0, $0xb8;
	[tilespmem:$0x14100] =	vst v63  }
0xf3: {  	s29 =	simm.s32 $0x13900  }
0xf4: {  	[tilespmem:s29], [sflag:$0x1] =	stream.indirect_vreg.gather [hbm4b:s7+s2], $0x80, v3, vm0, $0xb8;
	[tilespmem:$0x14100] =	vst v63  }
0xf5: {  	_ =	swait.ge [sflag:s28], $0x14000  }
0xf6: {  	p0 =	sne.s32 s8, $0x1;
	s0 =	simm.s32 $0x100;
	[sflag:s28] =	ssyncset.done $0x0  }
.Ltmp0:
0xf7: {  	s29 =	rddreg [dreg:$0x5];
	[sflag:s28] =	ssyncadd.s32 $0xFFFEC000;
	(pc) =	sbr.rel @p0 .LBB2_1-.Ltmp0, $4  }
0xf8: {  	[hbm4b:s29+s2] =	stream.linear.scatter [tilespmem:s0], [sflag:$0x2], $0x14000, $0x38;
	[tilespmem:$0x14100] =	vst v63  }
0xf9: {  	_ =	swait.ge [sflag:s9], $0x14000  }
0xfa: {  	[sflag:s9] =	ssyncset.done $0x0  }
0xfb: {  	s8 =	sadd.s32 $0xFFFFFFFF, s8;
	[sflag:s9] =	ssyncadd.s32 $0xFFFEC000  }
0xfc: {  	_ =	sfence.sel $0x180000  }
0xfd: {  	[bflag:$0x0] =	sbarrier.arrive $0xFFFF  }
0xfe: {  	_ =	strace $0x90000050  }
0xff: {  	s0 =	stileid.u32;
	[bflag:$0x2] =	sbarrier.arrive $0xFFFF  }
0x100: {  	p0 =	sne.s32 s0, $0x0;
	s0 =	rddreg [dreg:$0x2]  }
0x101: {  	s0 =	sadd.s32 @!p0 $0x100000, s0  }
0x102: {  	[sflag:s0] =	ssyncadd.tile.s32 @!p0 $0x1;
	_ =	shalt  }
.Lfunc_end2:
_tile_overlayer_lowered:
.L_overlay_start_2:
0x103: {  	(tag) =	ssettag $0x2  }
0x104: {  	s0 =	rddreg [dreg:$0x0];
	s2 =	stileid.u32  }
0x105: {  	s1 =	rddreg [dreg:$0x1];
	p0 =	sne.s32 s2, $0x0  }
0x106: {  	s3 =	rddreg [dreg:$0x2];
	[bflag:$0x3] =	sbarrier.arrive $0xFFFF;
	s2 =	simm.s32 @!p0 $0x1C02  }
0x107: {  	[timem:s3], [sflag:s2] =	dma.local @!p0 [hbm:s0], s1  }
0x108: {  	s0 =	simm.s32 @!p0 $0x2  }
0x109: {  	_ =	swait.ge @!p0 [sflag:s0], s1  }
0x10a: {  	s1 =	ssub.s32 @!p0 $0x0, s1;
	[sflag:s0] =	ssyncset.done @!p0 $0x0  }
0x10b: {  	[sflag:s0] =	ssyncadd.s32 @!p0 s1  }
0x10c: {  	[bflag:$0x3] =	sbarrier.arrive $0xFFFF  }
0x10d: {  	_ =	shalt  }

</sc_bundles>
